<compile_context>
chip_gen: v7x
topology: tpu7x:2x2x1
jax: 0.10.2.dev20260603
libtpu: 0.0.44.dev20260713+nightly
codegen_flags: <defaults>
</compile_context>

<pallas_src>
import jax
import jax.numpy as jnp
from jax import lax
from jax.experimental import pallas as pl
from jax.experimental.pallas import tpu as pltpu
from jax.experimental.pallas import tpu_sc as plsc

H, W, C = 512, 512, 63
NCORES, NSUB = 2, 16
NW = NCORES * NSUB
RPW = H // NW
LANES = 16
JCH = W // LANES


def _sc_body(img_hbm, out_hbm, imgv, buf0, buf1, sem0, sem1):
    wid = lax.axis_index("c") * NSUB + lax.axis_index("s")
    r0 = wid * RPW
    bufs = (buf0, buf1)
    sems = (sem0, sem1)

    pltpu.sync_copy(img_hbm.at[0, pl.ds(r0, RPW), :], imgv)

    def compute_unit(c, buf):
        @pl.loop(0, RPW)
        def _(i):
            for jc in range(JCH):
                vch = imgv[i, pl.ds(jc * LANES, LANES)]
                m = vch == (c + 1)
                buf[i, pl.ds(jc * LANES, LANES)] = m.astype(jnp.int32)

    def start_unit(c, b):
        compute_unit(c, bufs[b])
        pltpu.async_copy(bufs[b], out_hbm.at[c, pl.ds(r0, RPW)], sems[b])

    def wait_unit(c, b):
        pltpu.make_async_copy(
            bufs[b], out_hbm.at[c, pl.ds(r0, RPW)], sems[b]).wait()

    for b in range(2):
        start_unit(jnp.int32(b), b)

    @pl.loop(2, C - 1, step=2)
    def _(c):
        for b in range(2):
            wait_unit(c + b - 2, b)
            start_unit(c + b, b)

    wait_unit(jnp.int32(C - 3), 0)
    start_unit(jnp.int32(C - 1), 0)
    wait_unit(jnp.int32(C - 2), 1)
    wait_unit(jnp.int32(C - 1), 0)


@jax.jit
def _onehot(img):
    run = pl.kernel(
        _sc_body,
        out_type=jax.ShapeDtypeStruct((C, H, W), jnp.int32),
        mesh=plsc.VectorSubcoreMesh(core_axis_name="c", subcore_axis_name="s"),
        compiler_params=pltpu.CompilerParams(
            needs_layout_passes=False, use_tc_tiling_on_sc=True),
        scratch_types=[
            pltpu.VMEM((RPW, W), jnp.int32),
            pltpu.VMEM((RPW, W), jnp.int32),
            pltpu.VMEM((RPW, W), jnp.int32),
            pltpu.SemaphoreType.DMA,
            pltpu.SemaphoreType.DMA,
        ],
    )
    return run(img)


def kernel(img):
    return _onehot(img).transpose(1, 2, 0)

# --- scband reference (transcript-rebuilt; emitter-appended) ---
"""Pipeline reference for scband-one-hot-encode-from-blobs-77747497992292 (READ-ONLY COPY).

The authoritative reference and input builder live on the scoring server;
editing this copy changes nothing except your own understanding.
"""

import jax, jax.numpy as jnp
import numpy as np


def setup_inputs(seed: int = 0) -> dict:
    key = jax.random.key(seed)
    img = jax.random.randint(key, (1, 512, 512), 0, 64, dtype=jnp.int32)
    # guarantee the max label is 63 so num_classes is deterministic (torch one_hot
    # without num_classes uses img.max()+1 classes)
    img = img.at[0, 0, 0].set(63)
    return {"img": img}


def reference(img) -> jnp.ndarray:
    # squeeze leading singleton channel dim, as in the torch module
    if img.ndim == 3 and img.shape[0] == 1:
        img = img[0]
    # torch.nn.functional.one_hot(img.long()) -> num_classes = max + 1
    num_classes = 64
    encoded = (jnp.arange(num_classes) == img[..., None]).astype(jnp.int32)
    # background=False: drop class 0 channel
    return encoded[..., 1:]

if __name__ == "__main__":
    import jax
    _d = setup_inputs()
    print(jax.jit(kernel)(*tuple(_d.values())))

</pallas_src>

<mosaic_0001>
#map = affine_map<(d0, d1) -> (0, 0, 0)>
module attributes {stable_mosaic.version = 14 : i64} {
  func.func @_sc_body(%arg0: i32, %arg1: i32, %arg2: memref<1x512x512xi32, #tpu.memory_space<hbm>>, %arg3: memref<63x512x512xi32, #tpu.memory_space<hbm>>, %arg4: memref<16x512xi32, #tpu.memory_space<vmem>>, %arg5: memref<16x512xi32, #tpu.memory_space<vmem>>, %arg6: memref<16x512xi32, #tpu.memory_space<vmem>>, %arg7: memref<!tpu.dma_semaphore, #tpu.memory_space<semaphore_mem>>, %arg8: memref<!tpu.dma_semaphore, #tpu.memory_space<semaphore_mem>>) attributes {dimension_semantics = [#tpu.dimension_semantics<core_parallel>, #tpu.dimension_semantics<subcore_parallel>], iteration_bounds = array<i64: 2, 16>, scalar_prefetch = 0 : i64, scratch_operands = 5 : i64, tpu.core_type = #tpu.core_type<sc_vector_subcore>, window_params = [{transform_indices = #map}, {transform_indices = #map}]} {
    %mul3A = arith.constant 16 : i32
    %mul3A_0 = arith.muli %arg0, %mul3A : i32
    %add3A = arith.addi %mul3A_0, %arg1 : i32
    %mul3A_1 = arith.constant 16 : i32
    %mul3A_2 = arith.muli %add3A, %mul3A_1 : i32
    %run_scoped3A = arith.constant 0 : i32
    "tpu.region"() ({
      %run_scoped3A_65 = tpu.sem_alloc : memref<!tpu.dma_semaphore, #tpu.memory_space<semaphore_mem>>
      %dma_start3A_66 = arith.constant 0 : i32
      %dma_start3A_67 = tpu.memref_slice %arg2[%run_scoped3A, %mul3A_2, %dma_start3A_66] : memref<1x512x512xi32, #tpu.memory_space<hbm>> -> memref<1x16x512xi32, #tpu.memory_space<hbm>>
      %dma_start3A_68 = tpu.memref_squeeze %dma_start3A_67 : memref<1x16x512xi32, #tpu.memory_space<hbm>> -> memref<16x512xi32, #tpu.memory_space<hbm>>
      %dma_start3A_69 = arith.constant 0 : i32
      %dma_start3A_70 = tpu.memref_slice %arg2[%run_scoped3A, %mul3A_2, %dma_start3A_69] : memref<1x512x512xi32, #tpu.memory_space<hbm>> -> memref<1x16x512xi32, #tpu.memory_space<hbm>>
      %dma_start3A_71 = tpu.memref_squeeze %dma_start3A_70 : memref<1x16x512xi32, #tpu.memory_space<hbm>> -> memref<16x512xi32, #tpu.memory_space<hbm>>
      tpu.enqueue_dma source(%dma_start3A_71 : memref<16x512xi32, #tpu.memory_space<hbm>>) target(%arg4 : memref<16x512xi32, #tpu.memory_space<vmem>>) target_semaphore(%run_scoped3A_65 : memref<!tpu.dma_semaphore, #tpu.memory_space<semaphore_mem>>)
      %dma_wait3A_72 = arith.constant 0 : i32
      %dma_wait3A_73 = tpu.memref_slice %arg2[%run_scoped3A, %mul3A_2, %dma_wait3A_72] : memref<1x512x512xi32, #tpu.memory_space<hbm>> -> memref<1x16x512xi32, #tpu.memory_space<hbm>>
      %dma_wait3A_74 = tpu.memref_squeeze %dma_wait3A_73 : memref<1x16x512xi32, #tpu.memory_space<hbm>> -> memref<16x512xi32, #tpu.memory_space<hbm>>
      %dma_wait3A_75 = arith.constant 0 : i32
      %dma_wait3A_76 = tpu.memref_slice %arg2[%run_scoped3A, %mul3A_2, %dma_wait3A_75] : memref<1x512x512xi32, #tpu.memory_space<hbm>> -> memref<1x16x512xi32, #tpu.memory_space<hbm>>
      %dma_wait3A_77 = tpu.memref_squeeze %dma_wait3A_76 : memref<1x16x512xi32, #tpu.memory_space<hbm>> -> memref<16x512xi32, #tpu.memory_space<hbm>>
      tpu.wait_dma2 semaphore(%run_scoped3A_65 : memref<!tpu.dma_semaphore, #tpu.memory_space<semaphore_mem>>) src(%dma_wait3A_77 : memref<16x512xi32, #tpu.memory_space<hbm>>) dst(%arg4 : memref<16x512xi32, #tpu.memory_space<vmem>>)
      tpu.yield
    }) : () -> ()
    %scan3A = arith.constant 0 : i32
    %scan3A_3 = arith.constant 0 : i32
    %scan3A_4 = arith.constant 16 : i32
    %scan3A_5 = arith.addi %scan3A_3, %scan3A_4 : i32
    %scan3A_6 = arith.constant 1 : i32
    scf.for %scan3A_65 = %scan3A_3 to %scan3A_5 step %scan3A_6  : i32 {
      %mul3A_66 = arith.constant 1 : i32
      %mul3A_67 = arith.muli %scan3A_65, %mul3A_66 : i32
      %add3A_68 = arith.constant 0 : i32
      %add3A_69 = arith.addi %add3A_68, %mul3A_67 : i32
      %get3A = arith.index_cast %add3A_69 : i32 to index
      %get3A_70 = arith.constant 0 : index
      %get3A_71 = tpu.vector_load %arg4[%get3A, %get3A_70] {strides = array<i32>} : memref<16x512xi32, #tpu.memory_space<vmem>>, vector<16xi32>,
      %add3A_72 = arith.constant 1 : i32
      %add3A_73 = arith.addi %scan3A, %add3A_72 : i32
      %eq3A = vector.broadcast %add3A_73 : i32 to vector<16xi32>
      %eq3A_74 = arith.cmpi eq, %get3A_71, %eq3A : vector<16xi32>
      %convert_element_type3A = arith.extui %eq3A_74 : vector<16xi1> to vector<16xi32>
      %swap3A = arith.index_cast %add3A_69 : i32 to index
      %swap3A_75 = arith.constant 0 : index
      %swap3A_76 = tpu.vector_load %arg5[%swap3A, %swap3A_75] {strides = array<i32>} : memref<16x512xi32, #tpu.memory_space<vmem>>, vector<16xi32>,
      tpu.vector_store %arg5[%swap3A, %swap3A_75], %convert_element_type3A {strides = array<i32>} : memref<16x512xi32, #tpu.memory_space<vmem>>, vector<16xi32>,
      %get3A_77 = arith.index_cast %add3A_69 : i32 to index
      %get3A_78 = arith.constant 16 : index
      %get3A_79 = tpu.vector_load %arg4[%get3A_77, %get3A_78] {strides = array<i32>} : memref<16x512xi32, #tpu.memory_space<vmem>>, vector<16xi32>,
      %add3A_80 = arith.constant 1 : i32
      %add3A_81 = arith.addi %scan3A, %add3A_80 : i32
      %eq3A_82 = vector.broadcast %add3A_81 : i32 to vector<16xi32>
      %eq3A_83 = arith.cmpi eq, %get3A_79, %eq3A_82 : vector<16xi32>
      %convert_element_type3A_84 = arith.extui %eq3A_83 : vector<16xi1> to vector<16xi32>
      %swap3A_85 = arith.index_cast %add3A_69 : i32 to index
      %swap3A_86 = arith.constant 16 : index
      %swap3A_87 = tpu.vector_load %arg5[%swap3A_85, %swap3A_86] {strides = array<i32>} : memref<16x512xi32, #tpu.memory_space<vmem>>, vector<16xi32>,
      tpu.vector_store %arg5[%swap3A_85, %swap3A_86], %convert_element_type3A_84 {strides = array<i32>} : memref<16x512xi32, #tpu.memory_space<vmem>>, vector<16xi32>,
      %get3A_88 = arith.index_cast %add3A_69 : i32 to index
      %get3A_89 = arith.constant 32 : index
      %get3A_90 = tpu.vector_load %arg4[%get3A_88, %get3A_89] {strides = array<i32>} : memref<16x512xi32, #tpu.memory_space<vmem>>, vector<16xi32>,
      %add3A_91 = arith.constant 1 : i32
      %add3A_92 = arith.addi %scan3A, %add3A_91 : i32
      %eq3A_93 = vector.broadcast %add3A_92 : i32 to vector<16xi32>
      %eq3A_94 = arith.cmpi eq, %get3A_90, %eq3A_93 : vector<16xi32>
      %convert_element_type3A_95 = arith.extui %eq3A_94 : vector<16xi1> to vector<16xi32>
      %swap3A_96 = arith.index_cast %add3A_69 : i32 to index
      %swap3A_97 = arith.constant 32 : index
      %swap3A_98 = tpu.vector_load %arg5[%swap3A_96, %swap3A_97] {strides = array<i32>} : memref<16x512xi32, #tpu.memory_space<vmem>>, vector<16xi32>,
      tpu.vector_store %arg5[%swap3A_96, %swap3A_97], %convert_element_type3A_95 {strides = array<i32>} : memref<16x512xi32, #tpu.memory_space<vmem>>, vector<16xi32>,
      %get3A_99 = arith.index_cast %add3A_69 : i32 to index
      %get3A_100 = arith.constant 48 : index
      %get3A_101 = tpu.vector_load %arg4[%get3A_99, %get3A_100] {strides = array<i32>} : memref<16x512xi32, #tpu.memory_space<vmem>>, vector<16xi32>,
      %add3A_102 = arith.constant 1 : i32
      %add3A_103 = arith.addi %scan3A, %add3A_102 : i32
      %eq3A_104 = vector.broadcast %add3A_103 : i32 to vector<16xi32>
      %eq3A_105 = arith.cmpi eq, %get3A_101, %eq3A_104 : vector<16xi32>
      %convert_element_type3A_106 = arith.extui %eq3A_105 : vector<16xi1> to vector<16xi32>
      %swap3A_107 = arith.index_cast %add3A_69 : i32 to index
      %swap3A_108 = arith.constant 48 : index
      %swap3A_109 = tpu.vector_load %arg5[%swap3A_107, %swap3A_108] {strides = array<i32>} : memref<16x512xi32, #tpu.memory_space<vmem>>, vector<16xi32>,
      tpu.vector_store %arg5[%swap3A_107, %swap3A_108], %convert_element_type3A_106 {strides = array<i32>} : memref<16x512xi32, #tpu.memory_space<vmem>>, vector<16xi32>,
      %get3A_110 = arith.index_cast %add3A_69 : i32 to index
      %get3A_111 = arith.constant 64 : index
      %get3A_112 = tpu.vector_load %arg4[%get3A_110, %get3A_111] {strides = array<i32>} : memref<16x512xi32, #tpu.memory_space<vmem>>, vector<16xi32>,
      %add3A_113 = arith.constant 1 : i32
      %add3A_114 = arith.addi %scan3A, %add3A_113 : i32
      %eq3A_115 = vector.broadcast %add3A_114 : i32 to vector<16xi32>
      %eq3A_116 = arith.cmpi eq, %get3A_112, %eq3A_115 : vector<16xi32>
      %convert_element_type3A_117 = arith.extui %eq3A_116 : vector<16xi1> to vector<16xi32>
      %swap3A_118 = arith.index_cast %add3A_69 : i32 to index
      %swap3A_119 = arith.constant 64 : index
      %swap3A_120 = tpu.vector_load %arg5[%swap3A_118, %swap3A_119] {strides = array<i32>} : memref<16x512xi32, #tpu.memory_space<vmem>>, vector<16xi32>,
      tpu.vector_store %arg5[%swap3A_118, %swap3A_119], %convert_element_type3A_117 {strides = array<i32>} : memref<16x512xi32, #tpu.memory_space<vmem>>, vector<16xi32>,
      %get3A_121 = arith.index_cast %add3A_69 : i32 to index
      %get3A_122 = arith.constant 80 : index
      %get3A_123 = tpu.vector_load %arg4[%get3A_121, %get3A_122] {strides = array<i32>} : memref<16x512xi32, #tpu.memory_space<vmem>>, vector<16xi32>,
      %add3A_124 = arith.constant 1 : i32
      %add3A_125 = arith.addi %scan3A, %add3A_124 : i32
      %eq3A_126 = vector.broadcast %add3A_125 : i32 to vector<16xi32>
      %eq3A_127 = arith.cmpi eq, %get3A_123, %eq3A_126 : vector<16xi32>
      %convert_element_type3A_128 = arith.extui %eq3A_127 : vector<16xi1> to vector<16xi32>
      %swap3A_129 = arith.index_cast %add3A_69 : i32 to index
      %swap3A_130 = arith.constant 80 : index
      %swap3A_131 = tpu.vector_load %arg5[%swap3A_129, %swap3A_130] {strides = array<i32>} : memref<16x512xi32, #tpu.memory_space<vmem>>, vector<16xi32>,
      tpu.vector_store %arg5[%swap3A_129, %swap3A_130], %convert_element_type3A_128 {strides = array<i32>} : memref<16x512xi32, #tpu.memory_space<vmem>>, vector<16xi32>,
      %get3A_132 = arith.index_cast %add3A_69 : i32 to index
      %get3A_133 = arith.constant 96 : index
      %get3A_134 = tpu.vector_load %arg4[%get3A_132, %get3A_133] {strides = array<i32>} : memref<16x512xi32, #tpu.memory_space<vmem>>, vector<16xi32>,
      %add3A_135 = arith.constant 1 : i32
      %add3A_136 = arith.addi %scan3A, %add3A_135 : i32
      %eq3A_137 = vector.broadcast %add3A_136 : i32 to vector<16xi32>
      %eq3A_138 = arith.cmpi eq, %get3A_134, %eq3A_137 : vector<16xi32>
      %convert_element_type3A_139 = arith.extui %eq3A_138 : vector<16xi1> to vector<16xi32>
      %swap3A_140 = arith.index_cast %add3A_69 : i32 to index
      %swap3A_141 = arith.constant 96 : index
      %swap3A_142 = tpu.vector_load %arg5[%swap3A_140, %swap3A_141] {strides = array<i32>} : memref<16x512xi32, #tpu.memory_space<vmem>>, vector<16xi32>,
      tpu.vector_store %arg5[%swap3A_140, %swap3A_141], %convert_element_type3A_139 {strides = array<i32>} : memref<16x512xi32, #tpu.memory_space<vmem>>, vector<16xi32>,
      %get3A_143 = arith.index_cast %add3A_69 : i32 to index
      %get3A_144 = arith.constant 112 : index
      %get3A_145 = tpu.vector_load %arg4[%get3A_143, %get3A_144] {strides = array<i32>} : memref<16x512xi32, #tpu.memory_space<vmem>>, vector<16xi32>,
      %add3A_146 = arith.constant 1 : i32
      %add3A_147 = arith.addi %scan3A, %add3A_146 : i32
      %eq3A_148 = vector.broadcast %add3A_147 : i32 to vector<16xi32>
      %eq3A_149 = arith.cmpi eq, %get3A_145, %eq3A_148 : vector<16xi32>
      %convert_element_type3A_150 = arith.extui %eq3A_149 : vector<16xi1> to vector<16xi32>
      %swap3A_151 = arith.index_cast %add3A_69 : i32 to index
      %swap3A_152 = arith.constant 112 : index
      %swap3A_153 = tpu.vector_load %arg5[%swap3A_151, %swap3A_152] {strides = array<i32>} : memref<16x512xi32, #tpu.memory_space<vmem>>, vector<16xi32>,
      tpu.vector_store %arg5[%swap3A_151, %swap3A_152], %convert_element_type3A_150 {strides = array<i32>} : memref<16x512xi32, #tpu.memory_space<vmem>>, vector<16xi32>,
      %get3A_154 = arith.index_cast %add3A_69 : i32 to index
      %get3A_155 = arith.constant 128 : index
      %get3A_156 = tpu.vector_load %arg4[%get3A_154, %get3A_155] {strides = array<i32>} : memref<16x512xi32, #tpu.memory_space<vmem>>, vector<16xi32>,
      %add3A_157 = arith.constant 1 : i32
      %add3A_158 = arith.addi %scan3A, %add3A_157 : i32
      %eq3A_159 = vector.broadcast %add3A_158 : i32 to vector<16xi32>
      %eq3A_160 = arith.cmpi eq, %get3A_156, %eq3A_159 : vector<16xi32>
      %convert_element_type3A_161 = arith.extui %eq3A_160 : vector<16xi1> to vector<16xi32>
      %swap3A_162 = arith.index_cast %add3A_69 : i32 to index
      %swap3A_163 = arith.constant 128 : index
      %swap3A_164 = tpu.vector_load %arg5[%swap3A_162, %swap3A_163] {strides = array<i32>} : memref<16x512xi32, #tpu.memory_space<vmem>>, vector<16xi32>,
      tpu.vector_store %arg5[%swap3A_162, %swap3A_163], %convert_element_type3A_161 {strides = array<i32>} : memref<16x512xi32, #tpu.memory_space<vmem>>, vector<16xi32>,
      %get3A_165 = arith.index_cast %add3A_69 : i32 to index
      %get3A_166 = arith.constant 144 : index
      %get3A_167 = tpu.vector_load %arg4[%get3A_165, %get3A_166] {strides = array<i32>} : memref<16x512xi32, #tpu.memory_space<vmem>>, vector<16xi32>,
      %add3A_168 = arith.constant 1 : i32
      %add3A_169 = arith.addi %scan3A, %add3A_168 : i32
      %eq3A_170 = vector.broadcast %add3A_169 : i32 to vector<16xi32>
      %eq3A_171 = arith.cmpi eq, %get3A_167, %eq3A_170 : vector<16xi32>
      %convert_element_type3A_172 = arith.extui %eq3A_171 : vector<16xi1> to vector<16xi32>
      %swap3A_173 = arith.index_cast %add3A_69 : i32 to index
      %swap3A_174 = arith.constant 144 : index
      %swap3A_175 = tpu.vector_load %arg5[%swap3A_173, %swap3A_174] {strides = array<i32>} : memref<16x512xi32, #tpu.memory_space<vmem>>, vector<16xi32>,
      tpu.vector_store %arg5[%swap3A_173, %swap3A_174], %convert_element_type3A_172 {strides = array<i32>} : memref<16x512xi32, #tpu.memory_space<vmem>>, vector<16xi32>,
      %get3A_176 = arith.index_cast %add3A_69 : i32 to index
      %get3A_177 = arith.constant 160 : index
      %get3A_178 = tpu.vector_load %arg4[%get3A_176, %get3A_177] {strides = array<i32>} : memref<16x512xi32, #tpu.memory_space<vmem>>, vector<16xi32>,
      %add3A_179 = arith.constant 1 : i32
      %add3A_180 = arith.addi %scan3A, %add3A_179 : i32
      %eq3A_181 = vector.broadcast %add3A_180 : i32 to vector<16xi32>
      %eq3A_182 = arith.cmpi eq, %get3A_178, %eq3A_181 : vector<16xi32>
      %convert_element_type3A_183 = arith.extui %eq3A_182 : vector<16xi1> to vector<16xi32>
      %swap3A_184 = arith.index_cast %add3A_69 : i32 to index
      %swap3A_185 = arith.constant 160 : index
      %swap3A_186 = tpu.vector_load %arg5[%swap3A_184, %swap3A_185] {strides = array<i32>} : memref<16x512xi32, #tpu.memory_space<vmem>>, vector<16xi32>,
      tpu.vector_store %arg5[%swap3A_184, %swap3A_185], %convert_element_type3A_183 {strides = array<i32>} : memref<16x512xi32, #tpu.memory_space<vmem>>, vector<16xi32>,
      %get3A_187 = arith.index_cast %add3A_69 : i32 to index
      %get3A_188 = arith.constant 176 : index
      %get3A_189 = tpu.vector_load %arg4[%get3A_187, %get3A_188] {strides = array<i32>} : memref<16x512xi32, #tpu.memory_space<vmem>>, vector<16xi32>,
      %add3A_190 = arith.constant 1 : i32
      %add3A_191 = arith.addi %scan3A, %add3A_190 : i32
      %eq3A_192 = vector.broadcast %add3A_191 : i32 to vector<16xi32>
      %eq3A_193 = arith.cmpi eq, %get3A_189, %eq3A_192 : vector<16xi32>
      %convert_element_type3A_194 = arith.extui %eq3A_193 : vector<16xi1> to vector<16xi32>
      %swap3A_195 = arith.index_cast %add3A_69 : i32 to index
      %swap3A_196 = arith.constant 176 : index
      %swap3A_197 = tpu.vector_load %arg5[%swap3A_195, %swap3A_196] {strides = array<i32>} : memref<16x512xi32, #tpu.memory_space<vmem>>, vector<16xi32>,
      tpu.vector_store %arg5[%swap3A_195, %swap3A_196], %convert_element_type3A_194 {strides = array<i32>} : memref<16x512xi32, #tpu.memory_space<vmem>>, vector<16xi32>,
      %get3A_198 = arith.index_cast %add3A_69 : i32 to index
      %get3A_199 = arith.constant 192 : index
      %get3A_200 = tpu.vector_load %arg4[%get3A_198, %get3A_199] {strides = array<i32>} : memref<16x512xi32, #tpu.memory_space<vmem>>, vector<16xi32>,
      %add3A_201 = arith.constant 1 : i32
      %add3A_202 = arith.addi %scan3A, %add3A_201 : i32
      %eq3A_203 = vector.broadcast %add3A_202 : i32 to vector<16xi32>
      %eq3A_204 = arith.cmpi eq, %get3A_200, %eq3A_203 : vector<16xi32>
      %convert_element_type3A_205 = arith.extui %eq3A_204 : vector<16xi1> to vector<16xi32>
      %swap3A_206 = arith.index_cast %add3A_69 : i32 to index
      %swap3A_207 = arith.constant 192 : index
      %swap3A_208 = tpu.vector_load %arg5[%swap3A_206, %swap3A_207] {strides = array<i32>} : memref<16x512xi32, #tpu.memory_space<vmem>>, vector<16xi32>,
      tpu.vector_store %arg5[%swap3A_206, %swap3A_207], %convert_element_type3A_205 {strides = array<i32>} : memref<16x512xi32, #tpu.memory_space<vmem>>, vector<16xi32>,
      %get3A_209 = arith.index_cast %add3A_69 : i32 to index
      %get3A_210 = arith.constant 208 : index
      %get3A_211 = tpu.vector_load %arg4[%get3A_209, %get3A_210] {strides = array<i32>} : memref<16x512xi32, #tpu.memory_space<vmem>>, vector<16xi32>,
      %add3A_212 = arith.constant 1 : i32
      %add3A_213 = arith.addi %scan3A, %add3A_212 : i32
      %eq3A_214 = vector.broadcast %add3A_213 : i32 to vector<16xi32>
      %eq3A_215 = arith.cmpi eq, %get3A_211, %eq3A_214 : vector<16xi32>
      %convert_element_type3A_216 = arith.extui %eq3A_215 : vector<16xi1> to vector<16xi32>
      %swap3A_217 = arith.index_cast %add3A_69 : i32 to index
      %swap3A_218 = arith.constant 208 : index
      %swap3A_219 = tpu.vector_load %arg5[%swap3A_217, %swap3A_218] {strides = array<i32>} : memref<16x512xi32, #tpu.memory_space<vmem>>, vector<16xi32>,
      tpu.vector_store %arg5[%swap3A_217, %swap3A_218], %convert_element_type3A_216 {strides = array<i32>} : memref<16x512xi32, #tpu.memory_space<vmem>>, vector<16xi32>,
      %get3A_220 = arith.index_cast %add3A_69 : i32 to index
      %get3A_221 = arith.constant 224 : index
      %get3A_222 = tpu.vector_load %arg4[%get3A_220, %get3A_221] {strides = array<i32>} : memref<16x512xi32, #tpu.memory_space<vmem>>, vector<16xi32>,
      %add3A_223 = arith.constant 1 : i32
      %add3A_224 = arith.addi %scan3A, %add3A_223 : i32
      %eq3A_225 = vector.broadcast %add3A_224 : i32 to vector<16xi32>
      %eq3A_226 = arith.cmpi eq, %get3A_222, %eq3A_225 : vector<16xi32>
      %convert_element_type3A_227 = arith.extui %eq3A_226 : vector<16xi1> to vector<16xi32>
      %swap3A_228 = arith.index_cast %add3A_69 : i32 to index
      %swap3A_229 = arith.constant 224 : index
      %swap3A_230 = tpu.vector_load %arg5[%swap3A_228, %swap3A_229] {strides = array<i32>} : memref<16x512xi32, #tpu.memory_space<vmem>>, vector<16xi32>,
      tpu.vector_store %arg5[%swap3A_228, %swap3A_229], %convert_element_type3A_227 {strides = array<i32>} : memref<16x512xi32, #tpu.memory_space<vmem>>, vector<16xi32>,
      %get3A_231 = arith.index_cast %add3A_69 : i32 to index
      %get3A_232 = arith.constant 240 : index
      %get3A_233 = tpu.vector_load %arg4[%get3A_231, %get3A_232] {strides = array<i32>} : memref<16x512xi32, #tpu.memory_space<vmem>>, vector<16xi32>,
      %add3A_234 = arith.constant 1 : i32
      %add3A_235 = arith.addi %scan3A, %add3A_234 : i32
      %eq3A_236 = vector.broadcast %add3A_235 : i32 to vector<16xi32>
      %eq3A_237 = arith.cmpi eq, %get3A_233, %eq3A_236 : vector<16xi32>
      %convert_element_type3A_238 = arith.extui %eq3A_237 : vector<16xi1> to vector<16xi32>
      %swap3A_239 = arith.index_cast %add3A_69 : i32 to index
      %swap3A_240 = arith.constant 240 : index
      %swap3A_241 = tpu.vector_load %arg5[%swap3A_239, %swap3A_240] {strides = array<i32>} : memref<16x512xi32, #tpu.memory_space<vmem>>, vector<16xi32>,
      tpu.vector_store %arg5[%swap3A_239, %swap3A_240], %convert_element_type3A_238 {strides = array<i32>} : memref<16x512xi32, #tpu.memory_space<vmem>>, vector<16xi32>,
      %get3A_242 = arith.index_cast %add3A_69 : i32 to index
      %get3A_243 = arith.constant 256 : index
      %get3A_244 = tpu.vector_load %arg4[%get3A_242, %get3A_243] {strides = array<i32>} : memref<16x512xi32, #tpu.memory_space<vmem>>, vector<16xi32>,
      %add3A_245 = arith.constant 1 : i32
      %add3A_246 = arith.addi %scan3A, %add3A_245 : i32
      %eq3A_247 = vector.broadcast %add3A_246 : i32 to vector<16xi32>
      %eq3A_248 = arith.cmpi eq, %get3A_244, %eq3A_247 : vector<16xi32>
      %convert_element_type3A_249 = arith.extui %eq3A_248 : vector<16xi1> to vector<16xi32>
      %swap3A_250 = arith.index_cast %add3A_69 : i32 to index
      %swap3A_251 = arith.constant 256 : index
      %swap3A_252 = tpu.vector_load %arg5[%swap3A_250, %swap3A_251] {strides = array<i32>} : memref<16x512xi32, #tpu.memory_space<vmem>>, vector<16xi32>,
      tpu.vector_store %arg5[%swap3A_250, %swap3A_251], %convert_element_type3A_249 {strides = array<i32>} : memref<16x512xi32, #tpu.memory_space<vmem>>, vector<16xi32>,
      %get3A_253 = arith.index_cast %add3A_69 : i32 to index
      %get3A_254 = arith.constant 272 : index
      %get3A_255 = tpu.vector_load %arg4[%get3A_253, %get3A_254] {strides = array<i32>} : memref<16x512xi32, #tpu.memory_space<vmem>>, vector<16xi32>,
      %add3A_256 = arith.constant 1 : i32
      %add3A_257 = arith.addi %scan3A, %add3A_256 : i32
      %eq3A_258 = vector.broadcast %add3A_257 : i32 to vector<16xi32>
      %eq3A_259 = arith.cmpi eq, %get3A_255, %eq3A_258 : vector<16xi32>
      %convert_element_type3A_260 = arith.extui %eq3A_259 : vector<16xi1> to vector<16xi32>
      %swap3A_261 = arith.index_cast %add3A_69 : i32 to index
      %swap3A_262 = arith.constant 272 : index
      %swap3A_263 = tpu.vector_load %arg5[%swap3A_261, %swap3A_262] {strides = array<i32>} : memref<16x512xi32, #tpu.memory_space<vmem>>, vector<16xi32>,
      tpu.vector_store %arg5[%swap3A_261, %swap3A_262], %convert_element_type3A_260 {strides = array<i32>} : memref<16x512xi32, #tpu.memory_space<vmem>>, vector<16xi32>,
      %get3A_264 = arith.index_cast %add3A_69 : i32 to index
      %get3A_265 = arith.constant 288 : index
      %get3A_266 = tpu.vector_load %arg4[%get3A_264, %get3A_265] {strides = array<i32>} : memref<16x512xi32, #tpu.memory_space<vmem>>, vector<16xi32>,
      %add3A_267 = arith.constant 1 : i32
      %add3A_268 = arith.addi %scan3A, %add3A_267 : i32
      %eq3A_269 = vector.broadcast %add3A_268 : i32 to vector<16xi32>
      %eq3A_270 = arith.cmpi eq, %get3A_266, %eq3A_269 : vector<16xi32>
      %convert_element_type3A_271 = arith.extui %eq3A_270 : vector<16xi1> to vector<16xi32>
      %swap3A_272 = arith.index_cast %add3A_69 : i32 to index
      %swap3A_273 = arith.constant 288 : index
      %swap3A_274 = tpu.vector_load %arg5[%swap3A_272, %swap3A_273] {strides = array<i32>} : memref<16x512xi32, #tpu.memory_space<vmem>>, vector<16xi32>,
      tpu.vector_store %arg5[%swap3A_272, %swap3A_273], %convert_element_type3A_271 {strides = array<i32>} : memref<16x512xi32, #tpu.memory_space<vmem>>, vector<16xi32>,
      %get3A_275 = arith.index_cast %add3A_69 : i32 to index
      %get3A_276 = arith.constant 304 : index
      %get3A_277 = tpu.vector_load %arg4[%get3A_275, %get3A_276] {strides = array<i32>} : memref<16x512xi32, #tpu.memory_space<vmem>>, vector<16xi32>,
      %add3A_278 = arith.constant 1 : i32
      %add3A_279 = arith.addi %scan3A, %add3A_278 : i32
      %eq3A_280 = vector.broadcast %add3A_279 : i32 to vector<16xi32>
      %eq3A_281 = arith.cmpi eq, %get3A_277, %eq3A_280 : vector<16xi32>
      %convert_element_type3A_282 = arith.extui %eq3A_281 : vector<16xi1> to vector<16xi32>
      %swap3A_283 = arith.index_cast %add3A_69 : i32 to index
      %swap3A_284 = arith.constant 304 : index
      %swap3A_285 = tpu.vector_load %arg5[%swap3A_283, %swap3A_284] {strides = array<i32>} : memref<16x512xi32, #tpu.memory_space<vmem>>, vector<16xi32>,
      tpu.vector_store %arg5[%swap3A_283, %swap3A_284], %convert_element_type3A_282 {strides = array<i32>} : memref<16x512xi32, #tpu.memory_space<vmem>>, vector<16xi32>,
      %get3A_286 = arith.index_cast %add3A_69 : i32 to index
      %get3A_287 = arith.constant 320 : index
      %get3A_288 = tpu.vector_load %arg4[%get3A_286, %get3A_287] {strides = array<i32>} : memref<16x512xi32, #tpu.memory_space<vmem>>, vector<16xi32>,
      %add3A_289 = arith.constant 1 : i32
      %add3A_290 = arith.addi %scan3A, %add3A_289 : i32
      %eq3A_291 = vector.broadcast %add3A_290 : i32 to vector<16xi32>
      %eq3A_292 = arith.cmpi eq, %get3A_288, %eq3A_291 : vector<16xi32>
      %convert_element_type3A_293 = arith.extui %eq3A_292 : vector<16xi1> to vector<16xi32>
      %swap3A_294 = arith.index_cast %add3A_69 : i32 to index
      %swap3A_295 = arith.constant 320 : index
      %swap3A_296 = tpu.vector_load %arg5[%swap3A_294, %swap3A_295] {strides = array<i32>} : memref<16x512xi32, #tpu.memory_space<vmem>>, vector<16xi32>,
      tpu.vector_store %arg5[%swap3A_294, %swap3A_295], %convert_element_type3A_293 {strides = array<i32>} : memref<16x512xi32, #tpu.memory_space<vmem>>, vector<16xi32>,
      %get3A_297 = arith.index_cast %add3A_69 : i32 to index
      %get3A_298 = arith.constant 336 : index
      %get3A_299 = tpu.vector_load %arg4[%get3A_297, %get3A_298] {strides = array<i32>} : memref<16x512xi32, #tpu.memory_space<vmem>>, vector<16xi32>,
      %add3A_300 = arith.constant 1 : i32
      %add3A_301 = arith.addi %scan3A, %add3A_300 : i32
      %eq3A_302 = vector.broadcast %add3A_301 : i32 to vector<16xi32>
      %eq3A_303 = arith.cmpi eq, %get3A_299, %eq3A_302 : vector<16xi32>
      %convert_element_type3A_304 = arith.extui %eq3A_303 : vector<16xi1> to vector<16xi32>
      %swap3A_305 = arith.index_cast %add3A_69 : i32 to index
      %swap3A_306 = arith.constant 336 : index
      %swap3A_307 = tpu.vector_load %arg5[%swap3A_305, %swap3A_306] {strides = array<i32>} : memref<16x512xi32, #tpu.memory_space<vmem>>, vector<16xi32>,
      tpu.vector_store %arg5[%swap3A_305, %swap3A_306], %convert_element_type3A_304 {strides = array<i32>} : memref<16x512xi32, #tpu.memory_space<vmem>>, vector<16xi32>,
      %get3A_308 = arith.index_cast %add3A_69 : i32 to index
      %get3A_309 = arith.constant 352 : index
      %get3A_310 = tpu.vector_load %arg4[%get3A_308, %get3A_309] {strides = array<i32>} : memref<16x512xi32, #tpu.memory_space<vmem>>, vector<16xi32>,
      %add3A_311 = arith.constant 1 : i32
      %add3A_312 = arith.addi %scan3A, %add3A_311 : i32
      %eq3A_313 = vector.broadcast %add3A_312 : i32 to vector<16xi32>
      %eq3A_314 = arith.cmpi eq, %get3A_310, %eq3A_313 : vector<16xi32>
      %convert_element_type3A_315 = arith.extui %eq3A_314 : vector<16xi1> to vector<16xi32>
      %swap3A_316 = arith.index_cast %add3A_69 : i32 to index
      %swap3A_317 = arith.constant 352 : index
      %swap3A_318 = tpu.vector_load %arg5[%swap3A_316, %swap3A_317] {strides = array<i32>} : memref<16x512xi32, #tpu.memory_space<vmem>>, vector<16xi32>,
      tpu.vector_store %arg5[%swap3A_316, %swap3A_317], %convert_element_type3A_315 {strides = array<i32>} : memref<16x512xi32, #tpu.memory_space<vmem>>, vector<16xi32>,
      %get3A_319 = arith.index_cast %add3A_69 : i32 to index
      %get3A_320 = arith.constant 368 : index
      %get3A_321 = tpu.vector_load %arg4[%get3A_319, %get3A_320] {strides = array<i32>} : memref<16x512xi32, #tpu.memory_space<vmem>>, vector<16xi32>,
      %add3A_322 = arith.constant 1 : i32
      %add3A_323 = arith.addi %scan3A, %add3A_322 : i32
      %eq3A_324 = vector.broadcast %add3A_323 : i32 to vector<16xi32>
      %eq3A_325 = arith.cmpi eq, %get3A_321, %eq3A_324 : vector<16xi32>
      %convert_element_type3A_326 = arith.extui %eq3A_325 : vector<16xi1> to vector<16xi32>
      %swap3A_327 = arith.index_cast %add3A_69 : i32 to index
      %swap3A_328 = arith.constant 368 : index
      %swap3A_329 = tpu.vector_load %arg5[%swap3A_327, %swap3A_328] {strides = array<i32>} : memref<16x512xi32, #tpu.memory_space<vmem>>, vector<16xi32>,
      tpu.vector_store %arg5[%swap3A_327, %swap3A_328], %convert_element_type3A_326 {strides = array<i32>} : memref<16x512xi32, #tpu.memory_space<vmem>>, vector<16xi32>,
      %get3A_330 = arith.index_cast %add3A_69 : i32 to index
      %get3A_331 = arith.constant 384 : index
      %get3A_332 = tpu.vector_load %arg4[%get3A_330, %get3A_331] {strides = array<i32>} : memref<16x512xi32, #tpu.memory_space<vmem>>, vector<16xi32>,
      %add3A_333 = arith.constant 1 : i32
      %add3A_334 = arith.addi %scan3A, %add3A_333 : i32
      %eq3A_335 = vector.broadcast %add3A_334 : i32 to vector<16xi32>
      %eq3A_336 = arith.cmpi eq, %get3A_332, %eq3A_335 : vector<16xi32>
      %convert_element_type3A_337 = arith.extui %eq3A_336 : vector<16xi1> to vector<16xi32>
      %swap3A_338 = arith.index_cast %add3A_69 : i32 to index
      %swap3A_339 = arith.constant 384 : index
      %swap3A_340 = tpu.vector_load %arg5[%swap3A_338, %swap3A_339] {strides = array<i32>} : memref<16x512xi32, #tpu.memory_space<vmem>>, vector<16xi32>,
      tpu.vector_store %arg5[%swap3A_338, %swap3A_339], %convert_element_type3A_337 {strides = array<i32>} : memref<16x512xi32, #tpu.memory_space<vmem>>, vector<16xi32>,
      %get3A_341 = arith.index_cast %add3A_69 : i32 to index
      %get3A_342 = arith.constant 400 : index
      %get3A_343 = tpu.vector_load %arg4[%get3A_341, %get3A_342] {strides = array<i32>} : memref<16x512xi32, #tpu.memory_space<vmem>>, vector<16xi32>,
      %add3A_344 = arith.constant 1 : i32
      %add3A_345 = arith.addi %scan3A, %add3A_344 : i32
      %eq3A_346 = vector.broadcast %add3A_345 : i32 to vector<16xi32>
      %eq3A_347 = arith.cmpi eq, %get3A_343, %eq3A_346 : vector<16xi32>
      %convert_element_type3A_348 = arith.extui %eq3A_347 : vector<16xi1> to vector<16xi32>
      %swap3A_349 = arith.index_cast %add3A_69 : i32 to index
      %swap3A_350 = arith.constant 400 : index
      %swap3A_351 = tpu.vector_load %arg5[%swap3A_349, %swap3A_350] {strides = array<i32>} : memref<16x512xi32, #tpu.memory_space<vmem>>, vector<16xi32>,
      tpu.vector_store %arg5[%swap3A_349, %swap3A_350], %convert_element_type3A_348 {strides = array<i32>} : memref<16x512xi32, #tpu.memory_space<vmem>>, vector<16xi32>,
      %get3A_352 = arith.index_cast %add3A_69 : i32 to index
      %get3A_353 = arith.constant 416 : index
      %get3A_354 = tpu.vector_load %arg4[%get3A_352, %get3A_353] {strides = array<i32>} : memref<16x512xi32, #tpu.memory_space<vmem>>, vector<16xi32>,
      %add3A_355 = arith.constant 1 : i32
      %add3A_356 = arith.addi %scan3A, %add3A_355 : i32
      %eq3A_357 = vector.broadcast %add3A_356 : i32 to vector<16xi32>
      %eq3A_358 = arith.cmpi eq, %get3A_354, %eq3A_357 : vector<16xi32>
      %convert_element_type3A_359 = arith.extui %eq3A_358 : vector<16xi1> to vector<16xi32>
      %swap3A_360 = arith.index_cast %add3A_69 : i32 to index
      %swap3A_361 = arith.constant 416 : index
      %swap3A_362 = tpu.vector_load %arg5[%swap3A_360, %swap3A_361] {strides = array<i32>} : memref<16x512xi32, #tpu.memory_space<vmem>>, vector<16xi32>,
      tpu.vector_store %arg5[%swap3A_360, %swap3A_361], %convert_element_type3A_359 {strides = array<i32>} : memref<16x512xi32, #tpu.memory_space<vmem>>, vector<16xi32>,
      %get3A_363 = arith.index_cast %add3A_69 : i32 to index
      %get3A_364 = arith.constant 432 : index
      %get3A_365 = tpu.vector_load %arg4[%get3A_363, %get3A_364] {strides = array<i32>} : memref<16x512xi32, #tpu.memory_space<vmem>>, vector<16xi32>,
      %add3A_366 = arith.constant 1 : i32
      %add3A_367 = arith.addi %scan3A, %add3A_366 : i32
      %eq3A_368 = vector.broadcast %add3A_367 : i32 to vector<16xi32>
      %eq3A_369 = arith.cmpi eq, %get3A_365, %eq3A_368 : vector<16xi32>
      %convert_element_type3A_370 = arith.extui %eq3A_369 : vector<16xi1> to vector<16xi32>
      %swap3A_371 = arith.index_cast %add3A_69 : i32 to index
      %swap3A_372 = arith.constant 432 : index
      %swap3A_373 = tpu.vector_load %arg5[%swap3A_371, %swap3A_372] {strides = array<i32>} : memref<16x512xi32, #tpu.memory_space<vmem>>, vector<16xi32>,
      tpu.vector_store %arg5[%swap3A_371, %swap3A_372], %convert_element_type3A_370 {strides = array<i32>} : memref<16x512xi32, #tpu.memory_space<vmem>>, vector<16xi32>,
      %get3A_374 = arith.index_cast %add3A_69 : i32 to index
      %get3A_375 = arith.constant 448 : index
      %get3A_376 = tpu.vector_load %arg4[%get3A_374, %get3A_375] {strides = array<i32>} : memref<16x512xi32, #tpu.memory_space<vmem>>, vector<16xi32>,
      %add3A_377 = arith.constant 1 : i32
      %add3A_378 = arith.addi %scan3A, %add3A_377 : i32
      %eq3A_379 = vector.broadcast %add3A_378 : i32 to vector<16xi32>
      %eq3A_380 = arith.cmpi eq, %get3A_376, %eq3A_379 : vector<16xi32>
      %convert_element_type3A_381 = arith.extui %eq3A_380 : vector<16xi1> to vector<16xi32>
      %swap3A_382 = arith.index_cast %add3A_69 : i32 to index
      %swap3A_383 = arith.constant 448 : index
      %swap3A_384 = tpu.vector_load %arg5[%swap3A_382, %swap3A_383] {strides = array<i32>} : memref<16x512xi32, #tpu.memory_space<vmem>>, vector<16xi32>,
      tpu.vector_store %arg5[%swap3A_382, %swap3A_383], %convert_element_type3A_381 {strides = array<i32>} : memref<16x512xi32, #tpu.memory_space<vmem>>, vector<16xi32>,
      %get3A_385 = arith.index_cast %add3A_69 : i32 to index
      %get3A_386 = arith.constant 464 : index
      %get3A_387 = tpu.vector_load %arg4[%get3A_385, %get3A_386] {strides = array<i32>} : memref<16x512xi32, #tpu.memory_space<vmem>>, vector<16xi32>,
      %add3A_388 = arith.constant 1 : i32
      %add3A_389 = arith.addi %scan3A, %add3A_388 : i32
      %eq3A_390 = vector.broadcast %add3A_389 : i32 to vector<16xi32>
      %eq3A_391 = arith.cmpi eq, %get3A_387, %eq3A_390 : vector<16xi32>
      %convert_element_type3A_392 = arith.extui %eq3A_391 : vector<16xi1> to vector<16xi32>
      %swap3A_393 = arith.index_cast %add3A_69 : i32 to index
      %swap3A_394 = arith.constant 464 : index
      %swap3A_395 = tpu.vector_load %arg5[%swap3A_393, %swap3A_394] {strides = array<i32>} : memref<16x512xi32, #tpu.memory_space<vmem>>, vector<16xi32>,
      tpu.vector_store %arg5[%swap3A_393, %swap3A_394], %convert_element_type3A_392 {strides = array<i32>} : memref<16x512xi32, #tpu.memory_space<vmem>>, vector<16xi32>,
      %get3A_396 = arith.index_cast %add3A_69 : i32 to index
      %get3A_397 = arith.constant 480 : index
      %get3A_398 = tpu.vector_load %arg4[%get3A_396, %get3A_397] {strides = array<i32>} : memref<16x512xi32, #tpu.memory_space<vmem>>, vector<16xi32>,
      %add3A_399 = arith.constant 1 : i32
      %add3A_400 = arith.addi %scan3A, %add3A_399 : i32
      %eq3A_401 = vector.broadcast %add3A_400 : i32 to vector<16xi32>
      %eq3A_402 = arith.cmpi eq, %get3A_398, %eq3A_401 : vector<16xi32>
      %convert_element_type3A_403 = arith.extui %eq3A_402 : vector<16xi1> to vector<16xi32>
      %swap3A_404 = arith.index_cast %add3A_69 : i32 to index
      %swap3A_405 = arith.constant 480 : index
      %swap3A_406 = tpu.vector_load %arg5[%swap3A_404, %swap3A_405] {strides = array<i32>} : memref<16x512xi32, #tpu.memory_space<vmem>>, vector<16xi32>,
      tpu.vector_store %arg5[%swap3A_404, %swap3A_405], %convert_element_type3A_403 {strides = array<i32>} : memref<16x512xi32, #tpu.memory_space<vmem>>, vector<16xi32>,
      %get3A_407 = arith.index_cast %add3A_69 : i32 to index
      %get3A_408 = arith.constant 496 : index
      %get3A_409 = tpu.vector_load %arg4[%get3A_407, %get3A_408] {strides = array<i32>} : memref<16x512xi32, #tpu.memory_space<vmem>>, vector<16xi32>,
      %add3A_410 = arith.constant 1 : i32
      %add3A_411 = arith.addi %scan3A, %add3A_410 : i32
      %eq3A_412 = vector.broadcast %add3A_411 : i32 to vector<16xi32>
      %eq3A_413 = arith.cmpi eq, %get3A_409, %eq3A_412 : vector<16xi32>
      %convert_element_type3A_414 = arith.extui %eq3A_413 : vector<16xi1> to vector<16xi32>
      %swap3A_415 = arith.index_cast %add3A_69 : i32 to index
      %swap3A_416 = arith.constant 496 : index
      %swap3A_417 = tpu.vector_load %arg5[%swap3A_415, %swap3A_416] {strides = array<i32>} : memref<16x512xi32, #tpu.memory_space<vmem>>, vector<16xi32>,
      tpu.vector_store %arg5[%swap3A_415, %swap3A_416], %convert_element_type3A_414 {strides = array<i32>} : memref<16x512xi32, #tpu.memory_space<vmem>>, vector<16xi32>,
    }
    %scan3A_7 = arith.constant 16 : i32
    %dma_start3A = arith.constant 0 : i32
    %dma_start3A_8 = arith.constant 0 : i32
    %dma_start3A_9 = tpu.memref_slice %arg3[%dma_start3A, %mul3A_2, %dma_start3A_8] : memref<63x512x512xi32, #tpu.memory_space<hbm>> -> memref<1x16x512xi32, #tpu.memory_space<hbm>>
    %dma_start3A_10 = tpu.memref_squeeze %dma_start3A_9 : memref<1x16x512xi32, #tpu.memory_space<hbm>> -> memref<16x512xi32, #tpu.memory_space<hbm>>
    %dma_start3A_11 = arith.constant 0 : i32
    %dma_start3A_12 = tpu.memref_slice %arg3[%dma_start3A, %mul3A_2, %dma_start3A_11] : memref<63x512x512xi32, #tpu.memory_space<hbm>> -> memref<1x16x512xi32, #tpu.memory_space<hbm>>
    %dma_start3A_13 = tpu.memref_squeeze %dma_start3A_12 : memref<1x16x512xi32, #tpu.memory_space<hbm>> -> memref<16x512xi32, #tpu.memory_space<hbm>>
    tpu.enqueue_dma source(%arg5 : memref<16x512xi32, #tpu.memory_space<vmem>>) target(%dma_start3A_13 : memref<16x512xi32, #tpu.memory_space<hbm>>) target_semaphore(%arg7 : memref<!tpu.dma_semaphore, #tpu.memory_space<semaphore_mem>>)
    %scan3A_14 = arith.constant 1 : i32
    %scan3A_15 = arith.constant 0 : i32
    %scan3A_16 = arith.constant 16 : i32
    %scan3A_17 = arith.addi %scan3A_15, %scan3A_16 : i32
    %scan3A_18 = arith.constant 1 : i32
    scf.for %scan3A_65 = %scan3A_15 to %scan3A_17 step %scan3A_18  : i32 {
      %mul3A_66 = arith.constant 1 : i32
      %mul3A_67 = arith.muli %scan3A_65, %mul3A_66 : i32
      %add3A_68 = arith.constant 0 : i32
      %add3A_69 = arith.addi %add3A_68, %mul3A_67 : i32
      %get3A = arith.index_cast %add3A_69 : i32 to index
      %get3A_70 = arith.constant 0 : index
      %get3A_71 = tpu.vector_load %arg4[%get3A, %get3A_70] {strides = array<i32>} : memref<16x512xi32, #tpu.memory_space<vmem>>, vector<16xi32>,
      %add3A_72 = arith.constant 1 : i32
      %add3A_73 = arith.addi %scan3A_14, %add3A_72 : i32
      %eq3A = vector.broadcast %add3A_73 : i32 to vector<16xi32>
      %eq3A_74 = arith.cmpi eq, %get3A_71, %eq3A : vector<16xi32>
      %convert_element_type3A = arith.extui %eq3A_74 : vector<16xi1> to vector<16xi32>
      %swap3A = arith.index_cast %add3A_69 : i32 to index
      %swap3A_75 = arith.constant 0 : index
      %swap3A_76 = tpu.vector_load %arg6[%swap3A, %swap3A_75] {strides = array<i32>} : memref<16x512xi32, #tpu.memory_space<vmem>>, vector<16xi32>,
      tpu.vector_store %arg6[%swap3A, %swap3A_75], %convert_element_type3A {strides = array<i32>} : memref<16x512xi32, #tpu.memory_space<vmem>>, vector<16xi32>,
      %get3A_77 = arith.index_cast %add3A_69 : i32 to index
      %get3A_78 = arith.constant 16 : index
      %get3A_79 = tpu.vector_load %arg4[%get3A_77, %get3A_78] {strides = array<i32>} : memref<16x512xi32, #tpu.memory_space<vmem>>, vector<16xi32>,
      %add3A_80 = arith.constant 1 : i32
      %add3A_81 = arith.addi %scan3A_14, %add3A_80 : i32
      %eq3A_82 = vector.broadcast %add3A_81 : i32 to vector<16xi32>
      %eq3A_83 = arith.cmpi eq, %get3A_79, %eq3A_82 : vector<16xi32>
      %convert_element_type3A_84 = arith.extui %eq3A_83 : vector<16xi1> to vector<16xi32>
      %swap3A_85 = arith.index_cast %add3A_69 : i32 to index
      %swap3A_86 = arith.constant 16 : index
      %swap3A_87 = tpu.vector_load %arg6[%swap3A_85, %swap3A_86] {strides = array<i32>} : memref<16x512xi32, #tpu.memory_space<vmem>>, vector<16xi32>,
      tpu.vector_store %arg6[%swap3A_85, %swap3A_86], %convert_element_type3A_84 {strides = array<i32>} : memref<16x512xi32, #tpu.memory_space<vmem>>, vector<16xi32>,
      %get3A_88 = arith.index_cast %add3A_69 : i32 to index
      %get3A_89 = arith.constant 32 : index
      %get3A_90 = tpu.vector_load %arg4[%get3A_88, %get3A_89] {strides = array<i32>} : memref<16x512xi32, #tpu.memory_space<vmem>>, vector<16xi32>,
      %add3A_91 = arith.constant 1 : i32
      %add3A_92 = arith.addi %scan3A_14, %add3A_91 : i32
      %eq3A_93 = vector.broadcast %add3A_92 : i32 to vector<16xi32>
      %eq3A_94 = arith.cmpi eq, %get3A_90, %eq3A_93 : vector<16xi32>
      %convert_element_type3A_95 = arith.extui %eq3A_94 : vector<16xi1> to vector<16xi32>
      %swap3A_96 = arith.index_cast %add3A_69 : i32 to index
      %swap3A_97 = arith.constant 32 : index
      %swap3A_98 = tpu.vector_load %arg6[%swap3A_96, %swap3A_97] {strides = array<i32>} : memref<16x512xi32, #tpu.memory_space<vmem>>, vector<16xi32>,
      tpu.vector_store %arg6[%swap3A_96, %swap3A_97], %convert_element_type3A_95 {strides = array<i32>} : memref<16x512xi32, #tpu.memory_space<vmem>>, vector<16xi32>,
      %get3A_99 = arith.index_cast %add3A_69 : i32 to index
      %get3A_100 = arith.constant 48 : index
      %get3A_101 = tpu.vector_load %arg4[%get3A_99, %get3A_100] {strides = array<i32>} : memref<16x512xi32, #tpu.memory_space<vmem>>, vector<16xi32>,
      %add3A_102 = arith.constant 1 : i32
      %add3A_103 = arith.addi %scan3A_14, %add3A_102 : i32
      %eq3A_104 = vector.broadcast %add3A_103 : i32 to vector<16xi32>
      %eq3A_105 = arith.cmpi eq, %get3A_101, %eq3A_104 : vector<16xi32>
      %convert_element_type3A_106 = arith.extui %eq3A_105 : vector<16xi1> to vector<16xi32>
      %swap3A_107 = arith.index_cast %add3A_69 : i32 to index
      %swap3A_108 = arith.constant 48 : index
      %swap3A_109 = tpu.vector_load %arg6[%swap3A_107, %swap3A_108] {strides = array<i32>} : memref<16x512xi32, #tpu.memory_space<vmem>>, vector<16xi32>,
      tpu.vector_store %arg6[%swap3A_107, %swap3A_108], %convert_element_type3A_106 {strides = array<i32>} : memref<16x512xi32, #tpu.memory_space<vmem>>, vector<16xi32>,
      %get3A_110 = arith.index_cast %add3A_69 : i32 to index
      %get3A_111 = arith.constant 64 : index
      %get3A_112 = tpu.vector_load %arg4[%get3A_110, %get3A_111] {strides = array<i32>} : memref<16x512xi32, #tpu.memory_space<vmem>>, vector<16xi32>,
      %add3A_113 = arith.constant 1 : i32
      %add3A_114 = arith.addi %scan3A_14, %add3A_113 : i32
      %eq3A_115 = vector.broadcast %add3A_114 : i32 to vector<16xi32>
      %eq3A_116 = arith.cmpi eq, %get3A_112, %eq3A_115 : vector<16xi32>
      %convert_element_type3A_117 = arith.extui %eq3A_116 : vector<16xi1> to vector<16xi32>
      %swap3A_118 = arith.index_cast %add3A_69 : i32 to index
      %swap3A_119 = arith.constant 64 : index
      %swap3A_120 = tpu.vector_load %arg6[%swap3A_118, %swap3A_119] {strides = array<i32>} : memref<16x512xi32, #tpu.memory_space<vmem>>, vector<16xi32>,
      tpu.vector_store %arg6[%swap3A_118, %swap3A_119], %convert_element_type3A_117 {strides = array<i32>} : memref<16x512xi32, #tpu.memory_space<vmem>>, vector<16xi32>,
      %get3A_121 = arith.index_cast %add3A_69 : i32 to index
      %get3A_122 = arith.constant 80 : index
      %get3A_123 = tpu.vector_load %arg4[%get3A_121, %get3A_122] {strides = array<i32>} : memref<16x512xi32, #tpu.memory_space<vmem>>, vector<16xi32>,
      %add3A_124 = arith.constant 1 : i32
      %add3A_125 = arith.addi %scan3A_14, %add3A_124 : i32
      %eq3A_126 = vector.broadcast %add3A_125 : i32 to vector<16xi32>
      %eq3A_127 = arith.cmpi eq, %get3A_123, %eq3A_126 : vector<16xi32>
      %convert_element_type3A_128 = arith.extui %eq3A_127 : vector<16xi1> to vector<16xi32>
      %swap3A_129 = arith.index_cast %add3A_69 : i32 to index
      %swap3A_130 = arith.constant 80 : index
      %swap3A_131 = tpu.vector_load %arg6[%swap3A_129, %swap3A_130] {strides = array<i32>} : memref<16x512xi32, #tpu.memory_space<vmem>>, vector<16xi32>,
      tpu.vector_store %arg6[%swap3A_129, %swap3A_130], %convert_element_type3A_128 {strides = array<i32>} : memref<16x512xi32, #tpu.memory_space<vmem>>, vector<16xi32>,
      %get3A_132 = arith.index_cast %add3A_69 : i32 to index
      %get3A_133 = arith.constant 96 : index
      %get3A_134 = tpu.vector_load %arg4[%get3A_132, %get3A_133] {strides = array<i32>} : memref<16x512xi32, #tpu.memory_space<vmem>>, vector<16xi32>,
      %add3A_135 = arith.constant 1 : i32
      %add3A_136 = arith.addi %scan3A_14, %add3A_135 : i32
      %eq3A_137 = vector.broadcast %add3A_136 : i32 to vector<16xi32>
      %eq3A_138 = arith.cmpi eq, %get3A_134, %eq3A_137 : vector<16xi32>
      %convert_element_type3A_139 = arith.extui %eq3A_138 : vector<16xi1> to vector<16xi32>
      %swap3A_140 = arith.index_cast %add3A_69 : i32 to index
      %swap3A_141 = arith.constant 96 : index
      %swap3A_142 = tpu.vector_load %arg6[%swap3A_140, %swap3A_141] {strides = array<i32>} : memref<16x512xi32, #tpu.memory_space<vmem>>, vector<16xi32>,
      tpu.vector_store %arg6[%swap3A_140, %swap3A_141], %convert_element_type3A_139 {strides = array<i32>} : memref<16x512xi32, #tpu.memory_space<vmem>>, vector<16xi32>,
      %get3A_143 = arith.index_cast %add3A_69 : i32 to index
      %get3A_144 = arith.constant 112 : index
      %get3A_145 = tpu.vector_load %arg4[%get3A_143, %get3A_144] {strides = array<i32>} : memref<16x512xi32, #tpu.memory_space<vmem>>, vector<16xi32>,
      %add3A_146 = arith.constant 1 : i32
      %add3A_147 = arith.addi %scan3A_14, %add3A_146 : i32
      %eq3A_148 = vector.broadcast %add3A_147 : i32 to vector<16xi32>
      %eq3A_149 = arith.cmpi eq, %get3A_145, %eq3A_148 : vector<16xi32>
      %convert_element_type3A_150 = arith.extui %eq3A_149 : vector<16xi1> to vector<16xi32>
      %swap3A_151 = arith.index_cast %add3A_69 : i32 to index
      %swap3A_152 = arith.constant 112 : index
      %swap3A_153 = tpu.vector_load %arg6[%swap3A_151, %swap3A_152] {strides = array<i32>} : memref<16x512xi32, #tpu.memory_space<vmem>>, vector<16xi32>,
      tpu.vector_store %arg6[%swap3A_151, %swap3A_152], %convert_element_type3A_150 {strides = array<i32>} : memref<16x512xi32, #tpu.memory_space<vmem>>, vector<16xi32>,
      %get3A_154 = arith.index_cast %add3A_69 : i32 to index
      %get3A_155 = arith.constant 128 : index
      %get3A_156 = tpu.vector_load %arg4[%get3A_154, %get3A_155] {strides = array<i32>} : memref<16x512xi32, #tpu.memory_space<vmem>>, vector<16xi32>,
      %add3A_157 = arith.constant 1 : i32
      %add3A_158 = arith.addi %scan3A_14, %add3A_157 : i32
      %eq3A_159 = vector.broadcast %add3A_158 : i32 to vector<16xi32>
      %eq3A_160 = arith.cmpi eq, %get3A_156, %eq3A_159 : vector<16xi32>
      %convert_element_type3A_161 = arith.extui %eq3A_160 : vector<16xi1> to vector<16xi32>
      %swap3A_162 = arith.index_cast %add3A_69 : i32 to index
      %swap3A_163 = arith.constant 128 : index
      %swap3A_164 = tpu.vector_load %arg6[%swap3A_162, %swap3A_163] {strides = array<i32>} : memref<16x512xi32, #tpu.memory_space<vmem>>, vector<16xi32>,
      tpu.vector_store %arg6[%swap3A_162, %swap3A_163], %convert_element_type3A_161 {strides = array<i32>} : memref<16x512xi32, #tpu.memory_space<vmem>>, vector<16xi32>,
      %get3A_165 = arith.index_cast %add3A_69 : i32 to index
      %get3A_166 = arith.constant 144 : index
      %get3A_167 = tpu.vector_load %arg4[%get3A_165, %get3A_166] {strides = array<i32>} : memref<16x512xi32, #tpu.memory_space<vmem>>, vector<16xi32>,
      %add3A_168 = arith.constant 1 : i32
      %add3A_169 = arith.addi %scan3A_14, %add3A_168 : i32
      %eq3A_170 = vector.broadcast %add3A_169 : i32 to vector<16xi32>
      %eq3A_171 = arith.cmpi eq, %get3A_167, %eq3A_170 : vector<16xi32>
      %convert_element_type3A_172 = arith.extui %eq3A_171 : vector<16xi1> to vector<16xi32>
      %swap3A_173 = arith.index_cast %add3A_69 : i32 to index
      %swap3A_174 = arith.constant 144 : index
      %swap3A_175 = tpu.vector_load %arg6[%swap3A_173, %swap3A_174] {strides = array<i32>} : memref<16x512xi32, #tpu.memory_space<vmem>>, vector<16xi32>,
      tpu.vector_store %arg6[%swap3A_173, %swap3A_174], %convert_element_type3A_172 {strides = array<i32>} : memref<16x512xi32, #tpu.memory_space<vmem>>, vector<16xi32>,
      %get3A_176 = arith.index_cast %add3A_69 : i32 to index
      %get3A_177 = arith.constant 160 : index
      %get3A_178 = tpu.vector_load %arg4[%get3A_176, %get3A_177] {strides = array<i32>} : memref<16x512xi32, #tpu.memory_space<vmem>>, vector<16xi32>,
      %add3A_179 = arith.constant 1 : i32
      %add3A_180 = arith.addi %scan3A_14, %add3A_179 : i32
      %eq3A_181 = vector.broadcast %add3A_180 : i32 to vector<16xi32>
      %eq3A_182 = arith.cmpi eq, %get3A_178, %eq3A_181 : vector<16xi32>
      %convert_element_type3A_183 = arith.extui %eq3A_182 : vector<16xi1> to vector<16xi32>
      %swap3A_184 = arith.index_cast %add3A_69 : i32 to index
      %swap3A_185 = arith.constant 160 : index
      %swap3A_186 = tpu.vector_load %arg6[%swap3A_184, %swap3A_185] {strides = array<i32>} : memref<16x512xi32, #tpu.memory_space<vmem>>, vector<16xi32>,
      tpu.vector_store %arg6[%swap3A_184, %swap3A_185], %convert_element_type3A_183 {strides = array<i32>} : memref<16x512xi32, #tpu.memory_space<vmem>>, vector<16xi32>,
      %get3A_187 = arith.index_cast %add3A_69 : i32 to index
      %get3A_188 = arith.constant 176 : index
      %get3A_189 = tpu.vector_load %arg4[%get3A_187, %get3A_188] {strides = array<i32>} : memref<16x512xi32, #tpu.memory_space<vmem>>, vector<16xi32>,
      %add3A_190 = arith.constant 1 : i32
      %add3A_191 = arith.addi %scan3A_14, %add3A_190 : i32
      %eq3A_192 = vector.broadcast %add3A_191 : i32 to vector<16xi32>
      %eq3A_193 = arith.cmpi eq, %get3A_189, %eq3A_192 : vector<16xi32>
      %convert_element_type3A_194 = arith.extui %eq3A_193 : vector<16xi1> to vector<16xi32>
      %swap3A_195 = arith.index_cast %add3A_69 : i32 to index
      %swap3A_196 = arith.constant 176 : index
      %swap3A_197 = tpu.vector_load %arg6[%swap3A_195, %swap3A_196] {strides = array<i32>} : memref<16x512xi32, #tpu.memory_space<vmem>>, vector<16xi32>,
      tpu.vector_store %arg6[%swap3A_195, %swap3A_196], %convert_element_type3A_194 {strides = array<i32>} : memref<16x512xi32, #tpu.memory_space<vmem>>, vector<16xi32>,
      %get3A_198 = arith.index_cast %add3A_69 : i32 to index
      %get3A_199 = arith.constant 192 : index
      %get3A_200 = tpu.vector_load %arg4[%get3A_198, %get3A_199] {strides = array<i32>} : memref<16x512xi32, #tpu.memory_space<vmem>>, vector<16xi32>,
      %add3A_201 = arith.constant 1 : i32
      %add3A_202 = arith.addi %scan3A_14, %add3A_201 : i32
      %eq3A_203 = vector.broadcast %add3A_202 : i32 to vector<16xi32>
      %eq3A_204 = arith.cmpi eq, %get3A_200, %eq3A_203 : vector<16xi32>
      %convert_element_type3A_205 = arith.extui %eq3A_204 : vector<16xi1> to vector<16xi32>
      %swap3A_206 = arith.index_cast %add3A_69 : i32 to index
      %swap3A_207 = arith.constant 192 : index
      %swap3A_208 = tpu.vector_load %arg6[%swap3A_206, %swap3A_207] {strides = array<i32>} : memref<16x512xi32, #tpu.memory_space<vmem>>, vector<16xi32>,
      tpu.vector_store %arg6[%swap3A_206, %swap3A_207], %convert_element_type3A_205 {strides = array<i32>} : memref<16x512xi32, #tpu.memory_space<vmem>>, vector<16xi32>,
      %get3A_209 = arith.index_cast %add3A_69 : i32 to index
      %get3A_210 = arith.constant 208 : index
      %get3A_211 = tpu.vector_load %arg4[%get3A_209, %get3A_210] {strides = array<i32>} : memref<16x512xi32, #tpu.memory_space<vmem>>, vector<16xi32>,
      %add3A_212 = arith.constant 1 : i32
      %add3A_213 = arith.addi %scan3A_14, %add3A_212 : i32
      %eq3A_214 = vector.broadcast %add3A_213 : i32 to vector<16xi32>
      %eq3A_215 = arith.cmpi eq, %get3A_211, %eq3A_214 : vector<16xi32>
      %convert_element_type3A_216 = arith.extui %eq3A_215 : vector<16xi1> to vector<16xi32>
      %swap3A_217 = arith.index_cast %add3A_69 : i32 to index
      %swap3A_218 = arith.constant 208 : index
      %swap3A_219 = tpu.vector_load %arg6[%swap3A_217, %swap3A_218] {strides = array<i32>} : memref<16x512xi32, #tpu.memory_space<vmem>>, vector<16xi32>,
      tpu.vector_store %arg6[%swap3A_217, %swap3A_218], %convert_element_type3A_216 {strides = array<i32>} : memref<16x512xi32, #tpu.memory_space<vmem>>, vector<16xi32>,
      %get3A_220 = arith.index_cast %add3A_69 : i32 to index
      %get3A_221 = arith.constant 224 : index
      %get3A_222 = tpu.vector_load %arg4[%get3A_220, %get3A_221] {strides = array<i32>} : memref<16x512xi32, #tpu.memory_space<vmem>>, vector<16xi32>,
      %add3A_223 = arith.constant 1 : i32
      %add3A_224 = arith.addi %scan3A_14, %add3A_223 : i32
      %eq3A_225 = vector.broadcast %add3A_224 : i32 to vector<16xi32>
      %eq3A_226 = arith.cmpi eq, %get3A_222, %eq3A_225 : vector<16xi32>
      %convert_element_type3A_227 = arith.extui %eq3A_226 : vector<16xi1> to vector<16xi32>
      %swap3A_228 = arith.index_cast %add3A_69 : i32 to index
      %swap3A_229 = arith.constant 224 : index
      %swap3A_230 = tpu.vector_load %arg6[%swap3A_228, %swap3A_229] {strides = array<i32>} : memref<16x512xi32, #tpu.memory_space<vmem>>, vector<16xi32>,
      tpu.vector_store %arg6[%swap3A_228, %swap3A_229], %convert_element_type3A_227 {strides = array<i32>} : memref<16x512xi32, #tpu.memory_space<vmem>>, vector<16xi32>,
      %get3A_231 = arith.index_cast %add3A_69 : i32 to index
      %get3A_232 = arith.constant 240 : index
      %get3A_233 = tpu.vector_load %arg4[%get3A_231, %get3A_232] {strides = array<i32>} : memref<16x512xi32, #tpu.memory_space<vmem>>, vector<16xi32>,
      %add3A_234 = arith.constant 1 : i32
      %add3A_235 = arith.addi %scan3A_14, %add3A_234 : i32
      %eq3A_236 = vector.broadcast %add3A_235 : i32 to vector<16xi32>
      %eq3A_237 = arith.cmpi eq, %get3A_233, %eq3A_236 : vector<16xi32>
      %convert_element_type3A_238 = arith.extui %eq3A_237 : vector<16xi1> to vector<16xi32>
      %swap3A_239 = arith.index_cast %add3A_69 : i32 to index
      %swap3A_240 = arith.constant 240 : index
      %swap3A_241 = tpu.vector_load %arg6[%swap3A_239, %swap3A_240] {strides = array<i32>} : memref<16x512xi32, #tpu.memory_space<vmem>>, vector<16xi32>,
      tpu.vector_store %arg6[%swap3A_239, %swap3A_240], %convert_element_type3A_238 {strides = array<i32>} : memref<16x512xi32, #tpu.memory_space<vmem>>, vector<16xi32>,
      %get3A_242 = arith.index_cast %add3A_69 : i32 to index
      %get3A_243 = arith.constant 256 : index
      %get3A_244 = tpu.vector_load %arg4[%get3A_242, %get3A_243] {strides = array<i32>} : memref<16x512xi32, #tpu.memory_space<vmem>>, vector<16xi32>,
      %add3A_245 = arith.constant 1 : i32
      %add3A_246 = arith.addi %scan3A_14, %add3A_245 : i32
      %eq3A_247 = vector.broadcast %add3A_246 : i32 to vector<16xi32>
      %eq3A_248 = arith.cmpi eq, %get3A_244, %eq3A_247 : vector<16xi32>
      %convert_element_type3A_249 = arith.extui %eq3A_248 : vector<16xi1> to vector<16xi32>
      %swap3A_250 = arith.index_cast %add3A_69 : i32 to index
      %swap3A_251 = arith.constant 256 : index
      %swap3A_252 = tpu.vector_load %arg6[%swap3A_250, %swap3A_251] {strides = array<i32>} : memref<16x512xi32, #tpu.memory_space<vmem>>, vector<16xi32>,
      tpu.vector_store %arg6[%swap3A_250, %swap3A_251], %convert_element_type3A_249 {strides = array<i32>} : memref<16x512xi32, #tpu.memory_space<vmem>>, vector<16xi32>,
      %get3A_253 = arith.index_cast %add3A_69 : i32 to index
      %get3A_254 = arith.constant 272 : index
      %get3A_255 = tpu.vector_load %arg4[%get3A_253, %get3A_254] {strides = array<i32>} : memref<16x512xi32, #tpu.memory_space<vmem>>, vector<16xi32>,
      %add3A_256 = arith.constant 1 : i32
      %add3A_257 = arith.addi %scan3A_14, %add3A_256 : i32
      %eq3A_258 = vector.broadcast %add3A_257 : i32 to vector<16xi32>
      %eq3A_259 = arith.cmpi eq, %get3A_255, %eq3A_258 : vector<16xi32>
      %convert_element_type3A_260 = arith.extui %eq3A_259 : vector<16xi1> to vector<16xi32>
      %swap3A_261 = arith.index_cast %add3A_69 : i32 to index
      %swap3A_262 = arith.constant 272 : index
      %swap3A_263 = tpu.vector_load %arg6[%swap3A_261, %swap3A_262] {strides = array<i32>} : memref<16x512xi32, #tpu.memory_space<vmem>>, vector<16xi32>,
      tpu.vector_store %arg6[%swap3A_261, %swap3A_262], %convert_element_type3A_260 {strides = array<i32>} : memref<16x512xi32, #tpu.memory_space<vmem>>, vector<16xi32>,
      %get3A_264 = arith.index_cast %add3A_69 : i32 to index
      %get3A_265 = arith.constant 288 : index
      %get3A_266 = tpu.vector_load %arg4[%get3A_264, %get3A_265] {strides = array<i32>} : memref<16x512xi32, #tpu.memory_space<vmem>>, vector<16xi32>,
      %add3A_267 = arith.constant 1 : i32
      %add3A_268 = arith.addi %scan3A_14, %add3A_267 : i32
      %eq3A_269 = vector.broadcast %add3A_268 : i32 to vector<16xi32>
      %eq3A_270 = arith.cmpi eq, %get3A_266, %eq3A_269 : vector<16xi32>
      %convert_element_type3A_271 = arith.extui %eq3A_270 : vector<16xi1> to vector<16xi32>
      %swap3A_272 = arith.index_cast %add3A_69 : i32 to index
      %swap3A_273 = arith.constant 288 : index
      %swap3A_274 = tpu.vector_load %arg6[%swap3A_272, %swap3A_273] {strides = array<i32>} : memref<16x512xi32, #tpu.memory_space<vmem>>, vector<16xi32>,
      tpu.vector_store %arg6[%swap3A_272, %swap3A_273], %convert_element_type3A_271 {strides = array<i32>} : memref<16x512xi32, #tpu.memory_space<vmem>>, vector<16xi32>,
      %get3A_275 = arith.index_cast %add3A_69 : i32 to index
      %get3A_276 = arith.constant 304 : index
      %get3A_277 = tpu.vector_load %arg4[%get3A_275, %get3A_276] {strides = array<i32>} : memref<16x512xi32, #tpu.memory_space<vmem>>, vector<16xi32>,
      %add3A_278 = arith.constant 1 : i32
      %add3A_279 = arith.addi %scan3A_14, %add3A_278 : i32
      %eq3A_280 = vector.broadcast %add3A_279 : i32 to vector<16xi32>
      %eq3A_281 = arith.cmpi eq, %get3A_277, %eq3A_280 : vector<16xi32>
      %convert_element_type3A_282 = arith.extui %eq3A_281 : vector<16xi1> to vector<16xi32>
      %swap3A_283 = arith.index_cast %add3A_69 : i32 to index
      %swap3A_284 = arith.constant 304 : index
      %swap3A_285 = tpu.vector_load %arg6[%swap3A_283, %swap3A_284] {strides = array<i32>} : memref<16x512xi32, #tpu.memory_space<vmem>>, vector<16xi32>,
      tpu.vector_store %arg6[%swap3A_283, %swap3A_284], %convert_element_type3A_282 {strides = array<i32>} : memref<16x512xi32, #tpu.memory_space<vmem>>, vector<16xi32>,
      %get3A_286 = arith.index_cast %add3A_69 : i32 to index
      %get3A_287 = arith.constant 320 : index
      %get3A_288 = tpu.vector_load %arg4[%get3A_286, %get3A_287] {strides = array<i32>} : memref<16x512xi32, #tpu.memory_space<vmem>>, vector<16xi32>,
      %add3A_289 = arith.constant 1 : i32
      %add3A_290 = arith.addi %scan3A_14, %add3A_289 : i32
      %eq3A_291 = vector.broadcast %add3A_290 : i32 to vector<16xi32>
      %eq3A_292 = arith.cmpi eq, %get3A_288, %eq3A_291 : vector<16xi32>
      %convert_element_type3A_293 = arith.extui %eq3A_292 : vector<16xi1> to vector<16xi32>
      %swap3A_294 = arith.index_cast %add3A_69 : i32 to index
      %swap3A_295 = arith.constant 320 : index
      %swap3A_296 = tpu.vector_load %arg6[%swap3A_294, %swap3A_295] {strides = array<i32>} : memref<16x512xi32, #tpu.memory_space<vmem>>, vector<16xi32>,
      tpu.vector_store %arg6[%swap3A_294, %swap3A_295], %convert_element_type3A_293 {strides = array<i32>} : memref<16x512xi32, #tpu.memory_space<vmem>>, vector<16xi32>,
      %get3A_297 = arith.index_cast %add3A_69 : i32 to index
      %get3A_298 = arith.constant 336 : index
      %get3A_299 = tpu.vector_load %arg4[%get3A_297, %get3A_298] {strides = array<i32>} : memref<16x512xi32, #tpu.memory_space<vmem>>, vector<16xi32>,
      %add3A_300 = arith.constant 1 : i32
      %add3A_301 = arith.addi %scan3A_14, %add3A_300 : i32
      %eq3A_302 = vector.broadcast %add3A_301 : i32 to vector<16xi32>
      %eq3A_303 = arith.cmpi eq, %get3A_299, %eq3A_302 : vector<16xi32>
      %convert_element_type3A_304 = arith.extui %eq3A_303 : vector<16xi1> to vector<16xi32>
      %swap3A_305 = arith.index_cast %add3A_69 : i32 to index
      %swap3A_306 = arith.constant 336 : index
      %swap3A_307 = tpu.vector_load %arg6[%swap3A_305, %swap3A_306] {strides = array<i32>} : memref<16x512xi32, #tpu.memory_space<vmem>>, vector<16xi32>,
      tpu.vector_store %arg6[%swap3A_305, %swap3A_306], %convert_element_type3A_304 {strides = array<i32>} : memref<16x512xi32, #tpu.memory_space<vmem>>, vector<16xi32>,
      %get3A_308 = arith.index_cast %add3A_69 : i32 to index
      %get3A_309 = arith.constant 352 : index
      %get3A_310 = tpu.vector_load %arg4[%get3A_308, %get3A_309] {strides = array<i32>} : memref<16x512xi32, #tpu.memory_space<vmem>>, vector<16xi32>,
      %add3A_311 = arith.constant 1 : i32
      %add3A_312 = arith.addi %scan3A_14, %add3A_311 : i32
      %eq3A_313 = vector.broadcast %add3A_312 : i32 to vector<16xi32>
      %eq3A_314 = arith.cmpi eq, %get3A_310, %eq3A_313 : vector<16xi32>
      %convert_element_type3A_315 = arith.extui %eq3A_314 : vector<16xi1> to vector<16xi32>
      %swap3A_316 = arith.index_cast %add3A_69 : i32 to index
      %swap3A_317 = arith.constant 352 : index
      %swap3A_318 = tpu.vector_load %arg6[%swap3A_316, %swap3A_317] {strides = array<i32>} : memref<16x512xi32, #tpu.memory_space<vmem>>, vector<16xi32>,
      tpu.vector_store %arg6[%swap3A_316, %swap3A_317], %convert_element_type3A_315 {strides = array<i32>} : memref<16x512xi32, #tpu.memory_space<vmem>>, vector<16xi32>,
      %get3A_319 = arith.index_cast %add3A_69 : i32 to index
      %get3A_320 = arith.constant 368 : index
      %get3A_321 = tpu.vector_load %arg4[%get3A_319, %get3A_320] {strides = array<i32>} : memref<16x512xi32, #tpu.memory_space<vmem>>, vector<16xi32>,
      %add3A_322 = arith.constant 1 : i32
      %add3A_323 = arith.addi %scan3A_14, %add3A_322 : i32
      %eq3A_324 = vector.broadcast %add3A_323 : i32 to vector<16xi32>
      %eq3A_325 = arith.cmpi eq, %get3A_321, %eq3A_324 : vector<16xi32>
      %convert_element_type3A_326 = arith.extui %eq3A_325 : vector<16xi1> to vector<16xi32>
      %swap3A_327 = arith.index_cast %add3A_69 : i32 to index
      %swap3A_328 = arith.constant 368 : index
      %swap3A_329 = tpu.vector_load %arg6[%swap3A_327, %swap3A_328] {strides = array<i32>} : memref<16x512xi32, #tpu.memory_space<vmem>>, vector<16xi32>,
      tpu.vector_store %arg6[%swap3A_327, %swap3A_328], %convert_element_type3A_326 {strides = array<i32>} : memref<16x512xi32, #tpu.memory_space<vmem>>, vector<16xi32>,
      %get3A_330 = arith.index_cast %add3A_69 : i32 to index
      %get3A_331 = arith.constant 384 : index
      %get3A_332 = tpu.vector_load %arg4[%get3A_330, %get3A_331] {strides = array<i32>} : memref<16x512xi32, #tpu.memory_space<vmem>>, vector<16xi32>,
      %add3A_333 = arith.constant 1 : i32
      %add3A_334 = arith.addi %scan3A_14, %add3A_333 : i32
      %eq3A_335 = vector.broadcast %add3A_334 : i32 to vector<16xi32>
      %eq3A_336 = arith.cmpi eq, %get3A_332, %eq3A_335 : vector<16xi32>
      %convert_element_type3A_337 = arith.extui %eq3A_336 : vector<16xi1> to vector<16xi32>
      %swap3A_338 = arith.index_cast %add3A_69 : i32 to index
      %swap3A_339 = arith.constant 384 : index
      %swap3A_340 = tpu.vector_load %arg6[%swap3A_338, %swap3A_339] {strides = array<i32>} : memref<16x512xi32, #tpu.memory_space<vmem>>, vector<16xi32>,
      tpu.vector_store %arg6[%swap3A_338, %swap3A_339], %convert_element_type3A_337 {strides = array<i32>} : memref<16x512xi32, #tpu.memory_space<vmem>>, vector<16xi32>,
      %get3A_341 = arith.index_cast %add3A_69 : i32 to index
      %get3A_342 = arith.constant 400 : index
      %get3A_343 = tpu.vector_load %arg4[%get3A_341, %get3A_342] {strides = array<i32>} : memref<16x512xi32, #tpu.memory_space<vmem>>, vector<16xi32>,
      %add3A_344 = arith.constant 1 : i32
      %add3A_345 = arith.addi %scan3A_14, %add3A_344 : i32
      %eq3A_346 = vector.broadcast %add3A_345 : i32 to vector<16xi32>
      %eq3A_347 = arith.cmpi eq, %get3A_343, %eq3A_346 : vector<16xi32>
      %convert_element_type3A_348 = arith.extui %eq3A_347 : vector<16xi1> to vector<16xi32>
      %swap3A_349 = arith.index_cast %add3A_69 : i32 to index
      %swap3A_350 = arith.constant 400 : index
      %swap3A_351 = tpu.vector_load %arg6[%swap3A_349, %swap3A_350] {strides = array<i32>} : memref<16x512xi32, #tpu.memory_space<vmem>>, vector<16xi32>,
      tpu.vector_store %arg6[%swap3A_349, %swap3A_350], %convert_element_type3A_348 {strides = array<i32>} : memref<16x512xi32, #tpu.memory_space<vmem>>, vector<16xi32>,
      %get3A_352 = arith.index_cast %add3A_69 : i32 to index
      %get3A_353 = arith.constant 416 : index
      %get3A_354 = tpu.vector_load %arg4[%get3A_352, %get3A_353] {strides = array<i32>} : memref<16x512xi32, #tpu.memory_space<vmem>>, vector<16xi32>,
      %add3A_355 = arith.constant 1 : i32
      %add3A_356 = arith.addi %scan3A_14, %add3A_355 : i32
      %eq3A_357 = vector.broadcast %add3A_356 : i32 to vector<16xi32>
      %eq3A_358 = arith.cmpi eq, %get3A_354, %eq3A_357 : vector<16xi32>
      %convert_element_type3A_359 = arith.extui %eq3A_358 : vector<16xi1> to vector<16xi32>
      %swap3A_360 = arith.index_cast %add3A_69 : i32 to index
      %swap3A_361 = arith.constant 416 : index
      %swap3A_362 = tpu.vector_load %arg6[%swap3A_360, %swap3A_361] {strides = array<i32>} : memref<16x512xi32, #tpu.memory_space<vmem>>, vector<16xi32>,
      tpu.vector_store %arg6[%swap3A_360, %swap3A_361], %convert_element_type3A_359 {strides = array<i32>} : memref<16x512xi32, #tpu.memory_space<vmem>>, vector<16xi32>,
      %get3A_363 = arith.index_cast %add3A_69 : i32 to index
      %get3A_364 = arith.constant 432 : index
      %get3A_365 = tpu.vector_load %arg4[%get3A_363, %get3A_364] {strides = array<i32>} : memref<16x512xi32, #tpu.memory_space<vmem>>, vector<16xi32>,
      %add3A_366 = arith.constant 1 : i32
      %add3A_367 = arith.addi %scan3A_14, %add3A_366 : i32
      %eq3A_368 = vector.broadcast %add3A_367 : i32 to vector<16xi32>
      %eq3A_369 = arith.cmpi eq, %get3A_365, %eq3A_368 : vector<16xi32>
      %convert_element_type3A_370 = arith.extui %eq3A_369 : vector<16xi1> to vector<16xi32>
      %swap3A_371 = arith.index_cast %add3A_69 : i32 to index
      %swap3A_372 = arith.constant 432 : index
      %swap3A_373 = tpu.vector_load %arg6[%swap3A_371, %swap3A_372] {strides = array<i32>} : memref<16x512xi32, #tpu.memory_space<vmem>>, vector<16xi32>,
      tpu.vector_store %arg6[%swap3A_371, %swap3A_372], %convert_element_type3A_370 {strides = array<i32>} : memref<16x512xi32, #tpu.memory_space<vmem>>, vector<16xi32>,
      %get3A_374 = arith.index_cast %add3A_69 : i32 to index
      %get3A_375 = arith.constant 448 : index
      %get3A_376 = tpu.vector_load %arg4[%get3A_374, %get3A_375] {strides = array<i32>} : memref<16x512xi32, #tpu.memory_space<vmem>>, vector<16xi32>,
      %add3A_377 = arith.constant 1 : i32
      %add3A_378 = arith.addi %scan3A_14, %add3A_377 : i32
      %eq3A_379 = vector.broadcast %add3A_378 : i32 to vector<16xi32>
      %eq3A_380 = arith.cmpi eq, %get3A_376, %eq3A_379 : vector<16xi32>
      %convert_element_type3A_381 = arith.extui %eq3A_380 : vector<16xi1> to vector<16xi32>
      %swap3A_382 = arith.index_cast %add3A_69 : i32 to index
      %swap3A_383 = arith.constant 448 : index
      %swap3A_384 = tpu.vector_load %arg6[%swap3A_382, %swap3A_383] {strides = array<i32>} : memref<16x512xi32, #tpu.memory_space<vmem>>, vector<16xi32>,
      tpu.vector_store %arg6[%swap3A_382, %swap3A_383], %convert_element_type3A_381 {strides = array<i32>} : memref<16x512xi32, #tpu.memory_space<vmem>>, vector<16xi32>,
      %get3A_385 = arith.index_cast %add3A_69 : i32 to index
      %get3A_386 = arith.constant 464 : index
      %get3A_387 = tpu.vector_load %arg4[%get3A_385, %get3A_386] {strides = array<i32>} : memref<16x512xi32, #tpu.memory_space<vmem>>, vector<16xi32>,
      %add3A_388 = arith.constant 1 : i32
      %add3A_389 = arith.addi %scan3A_14, %add3A_388 : i32
      %eq3A_390 = vector.broadcast %add3A_389 : i32 to vector<16xi32>
      %eq3A_391 = arith.cmpi eq, %get3A_387, %eq3A_390 : vector<16xi32>
      %convert_element_type3A_392 = arith.extui %eq3A_391 : vector<16xi1> to vector<16xi32>
      %swap3A_393 = arith.index_cast %add3A_69 : i32 to index
      %swap3A_394 = arith.constant 464 : index
      %swap3A_395 = tpu.vector_load %arg6[%swap3A_393, %swap3A_394] {strides = array<i32>} : memref<16x512xi32, #tpu.memory_space<vmem>>, vector<16xi32>,
      tpu.vector_store %arg6[%swap3A_393, %swap3A_394], %convert_element_type3A_392 {strides = array<i32>} : memref<16x512xi32, #tpu.memory_space<vmem>>, vector<16xi32>,
      %get3A_396 = arith.index_cast %add3A_69 : i32 to index
      %get3A_397 = arith.constant 480 : index
      %get3A_398 = tpu.vector_load %arg4[%get3A_396, %get3A_397] {strides = array<i32>} : memref<16x512xi32, #tpu.memory_space<vmem>>, vector<16xi32>,
      %add3A_399 = arith.constant 1 : i32
      %add3A_400 = arith.addi %scan3A_14, %add3A_399 : i32
      %eq3A_401 = vector.broadcast %add3A_400 : i32 to vector<16xi32>
      %eq3A_402 = arith.cmpi eq, %get3A_398, %eq3A_401 : vector<16xi32>
      %convert_element_type3A_403 = arith.extui %eq3A_402 : vector<16xi1> to vector<16xi32>
      %swap3A_404 = arith.index_cast %add3A_69 : i32 to index
      %swap3A_405 = arith.constant 480 : index
      %swap3A_406 = tpu.vector_load %arg6[%swap3A_404, %swap3A_405] {strides = array<i32>} : memref<16x512xi32, #tpu.memory_space<vmem>>, vector<16xi32>,
      tpu.vector_store %arg6[%swap3A_404, %swap3A_405], %convert_element_type3A_403 {strides = array<i32>} : memref<16x512xi32, #tpu.memory_space<vmem>>, vector<16xi32>,
      %get3A_407 = arith.index_cast %add3A_69 : i32 to index
      %get3A_408 = arith.constant 496 : index
      %get3A_409 = tpu.vector_load %arg4[%get3A_407, %get3A_408] {strides = array<i32>} : memref<16x512xi32, #tpu.memory_space<vmem>>, vector<16xi32>,
      %add3A_410 = arith.constant 1 : i32
      %add3A_411 = arith.addi %scan3A_14, %add3A_410 : i32
      %eq3A_412 = vector.broadcast %add3A_411 : i32 to vector<16xi32>
      %eq3A_413 = arith.cmpi eq, %get3A_409, %eq3A_412 : vector<16xi32>
      %convert_element_type3A_414 = arith.extui %eq3A_413 : vector<16xi1> to vector<16xi32>
      %swap3A_415 = arith.index_cast %add3A_69 : i32 to index
      %swap3A_416 = arith.constant 496 : index
      %swap3A_417 = tpu.vector_load %arg6[%swap3A_415, %swap3A_416] {strides = array<i32>} : memref<16x512xi32, #tpu.memory_space<vmem>>, vector<16xi32>,
      tpu.vector_store %arg6[%swap3A_415, %swap3A_416], %convert_element_type3A_414 {strides = array<i32>} : memref<16x512xi32, #tpu.memory_space<vmem>>, vector<16xi32>,
    }
    %scan3A_19 = arith.constant 16 : i32
    %dma_start3A_20 = arith.constant 1 : i32
    %dma_start3A_21 = arith.constant 0 : i32
    %dma_start3A_22 = tpu.memref_slice %arg3[%dma_start3A_20, %mul3A_2, %dma_start3A_21] : memref<63x512x512xi32, #tpu.memory_space<hbm>> -> memref<1x16x512xi32, #tpu.memory_space<hbm>>
    %dma_start3A_23 = tpu.memref_squeeze %dma_start3A_22 : memref<1x16x512xi32, #tpu.memory_space<hbm>> -> memref<16x512xi32, #tpu.memory_space<hbm>>
    %dma_start3A_24 = arith.constant 0 : i32
    %dma_start3A_25 = tpu.memref_slice %arg3[%dma_start3A_20, %mul3A_2, %dma_start3A_24] : memref<63x512x512xi32, #tpu.memory_space<hbm>> -> memref<1x16x512xi32, #tpu.memory_space<hbm>>
    %dma_start3A_26 = tpu.memref_squeeze %dma_start3A_25 : memref<1x16x512xi32, #tpu.memory_space<hbm>> -> memref<16x512xi32, #tpu.memory_space<hbm>>
    tpu.enqueue_dma source(%arg6 : memref<16x512xi32, #tpu.memory_space<vmem>>) target(%dma_start3A_26 : memref<16x512xi32, #tpu.memory_space<hbm>>) target_semaphore(%arg8 : memref<!tpu.dma_semaphore, #tpu.memory_space<semaphore_mem>>)
    %scan3A_27 = arith.constant 0 : i32
    %scan3A_28 = arith.constant 30 : i32
    %scan3A_29 = arith.addi %scan3A_27, %scan3A_28 : i32
    %scan3A_30 = arith.constant 1 : i32
    scf.for %scan3A_65 = %scan3A_27 to %scan3A_29 step %scan3A_30  : i32 {
      %mul3A_66 = arith.constant 2 : i32
      %mul3A_67 = arith.muli %scan3A_65, %mul3A_66 : i32
      %add3A_68 = arith.constant 2 : i32
      %add3A_69 = arith.addi %add3A_68, %mul3A_67 : i32
      %add3A_70 = arith.constant 0 : i32
      %add3A_71 = arith.addi %add3A_69, %add3A_70 : i32
      %sub3A = arith.constant 2 : i32
      %sub3A_72 = arith.subi %add3A_71, %sub3A : i32
      %dma_wait3A_73 = arith.constant 0 : i32
      %dma_wait3A_74 = tpu.memref_slice %arg3[%sub3A_72, %mul3A_2, %dma_wait3A_73] : memref<63x512x512xi32, #tpu.memory_space<hbm>> -> memref<1x16x512xi32, #tpu.memory_space<hbm>>
      %dma_wait3A_75 = tpu.memref_squeeze %dma_wait3A_74 : memref<1x16x512xi32, #tpu.memory_space<hbm>> -> memref<16x512xi32, #tpu.memory_space<hbm>>
      %dma_wait3A_76 = arith.constant 0 : i32
      %dma_wait3A_77 = tpu.memref_slice %arg3[%sub3A_72, %mul3A_2, %dma_wait3A_76] : memref<63x512x512xi32, #tpu.memory_space<hbm>> -> memref<1x16x512xi32, #tpu.memory_space<hbm>>
      %dma_wait3A_78 = tpu.memref_squeeze %dma_wait3A_77 : memref<1x16x512xi32, #tpu.memory_space<hbm>> -> memref<16x512xi32, #tpu.memory_space<hbm>>
      tpu.wait_dma2 semaphore(%arg7 : memref<!tpu.dma_semaphore, #tpu.memory_space<semaphore_mem>>) src(%arg5 : memref<16x512xi32, #tpu.memory_space<vmem>>) dst(%dma_wait3A_78 : memref<16x512xi32, #tpu.memory_space<hbm>>)
      %add3A_79 = arith.constant 0 : i32
      %add3A_80 = arith.addi %add3A_69, %add3A_79 : i32
      %scan3A_81 = arith.constant 0 : i32
      %scan3A_82 = arith.constant 16 : i32
      %scan3A_83 = arith.addi %scan3A_81, %scan3A_82 : i32
      %scan3A_84 = arith.constant 1 : i32
      scf.for %scan3A_115 = %scan3A_81 to %scan3A_83 step %scan3A_84  : i32 {
        %mul3A_116 = arith.constant 1 : i32
        %mul3A_117 = arith.muli %scan3A_115, %mul3A_116 : i32
        %add3A_118 = arith.constant 0 : i32
        %add3A_119 = arith.addi %add3A_118, %mul3A_117 : i32
        %get3A = arith.index_cast %add3A_119 : i32 to index
        %get3A_120 = arith.constant 0 : index
        %get3A_121 = tpu.vector_load %arg4[%get3A, %get3A_120] {strides = array<i32>} : memref<16x512xi32, #tpu.memory_space<vmem>>, vector<16xi32>,
        %add3A_122 = arith.constant 1 : i32
        %add3A_123 = arith.addi %add3A_80, %add3A_122 : i32
        %eq3A = vector.broadcast %add3A_123 : i32 to vector<16xi32>
        %eq3A_124 = arith.cmpi eq, %get3A_121, %eq3A : vector<16xi32>
        %convert_element_type3A = arith.extui %eq3A_124 : vector<16xi1> to vector<16xi32>
        %swap3A = arith.index_cast %add3A_119 : i32 to index
        %swap3A_125 = arith.constant 0 : index
        %swap3A_126 = tpu.vector_load %arg5[%swap3A, %swap3A_125] {strides = array<i32>} : memref<16x512xi32, #tpu.memory_space<vmem>>, vector<16xi32>,
        tpu.vector_store %arg5[%swap3A, %swap3A_125], %convert_element_type3A {strides = array<i32>} : memref<16x512xi32, #tpu.memory_space<vmem>>, vector<16xi32>,
        %get3A_127 = arith.index_cast %add3A_119 : i32 to index
        %get3A_128 = arith.constant 16 : index
        %get3A_129 = tpu.vector_load %arg4[%get3A_127, %get3A_128] {strides = array<i32>} : memref<16x512xi32, #tpu.memory_space<vmem>>, vector<16xi32>,
        %add3A_130 = arith.constant 1 : i32
        %add3A_131 = arith.addi %add3A_80, %add3A_130 : i32
        %eq3A_132 = vector.broadcast %add3A_131 : i32 to vector<16xi32>
        %eq3A_133 = arith.cmpi eq, %get3A_129, %eq3A_132 : vector<16xi32>
        %convert_element_type3A_134 = arith.extui %eq3A_133 : vector<16xi1> to vector<16xi32>
        %swap3A_135 = arith.index_cast %add3A_119 : i32 to index
        %swap3A_136 = arith.constant 16 : index
        %swap3A_137 = tpu.vector_load %arg5[%swap3A_135, %swap3A_136] {strides = array<i32>} : memref<16x512xi32, #tpu.memory_space<vmem>>, vector<16xi32>,
        tpu.vector_store %arg5[%swap3A_135, %swap3A_136], %convert_element_type3A_134 {strides = array<i32>} : memref<16x512xi32, #tpu.memory_space<vmem>>, vector<16xi32>,
        %get3A_138 = arith.index_cast %add3A_119 : i32 to index
        %get3A_139 = arith.constant 32 : index
        %get3A_140 = tpu.vector_load %arg4[%get3A_138, %get3A_139] {strides = array<i32>} : memref<16x512xi32, #tpu.memory_space<vmem>>, vector<16xi32>,
        %add3A_141 = arith.constant 1 : i32
        %add3A_142 = arith.addi %add3A_80, %add3A_141 : i32
        %eq3A_143 = vector.broadcast %add3A_142 : i32 to vector<16xi32>
        %eq3A_144 = arith.cmpi eq, %get3A_140, %eq3A_143 : vector<16xi32>
        %convert_element_type3A_145 = arith.extui %eq3A_144 : vector<16xi1> to vector<16xi32>
        %swap3A_146 = arith.index_cast %add3A_119 : i32 to index
        %swap3A_147 = arith.constant 32 : index
        %swap3A_148 = tpu.vector_load %arg5[%swap3A_146, %swap3A_147] {strides = array<i32>} : memref<16x512xi32, #tpu.memory_space<vmem>>, vector<16xi32>,
        tpu.vector_store %arg5[%swap3A_146, %swap3A_147], %convert_element_type3A_145 {strides = array<i32>} : memref<16x512xi32, #tpu.memory_space<vmem>>, vector<16xi32>,
        %get3A_149 = arith.index_cast %add3A_119 : i32 to index
        %get3A_150 = arith.constant 48 : index
        %get3A_151 = tpu.vector_load %arg4[%get3A_149, %get3A_150] {strides = array<i32>} : memref<16x512xi32, #tpu.memory_space<vmem>>, vector<16xi32>,
        %add3A_152 = arith.constant 1 : i32
        %add3A_153 = arith.addi %add3A_80, %add3A_152 : i32
        %eq3A_154 = vector.broadcast %add3A_153 : i32 to vector<16xi32>
        %eq3A_155 = arith.cmpi eq, %get3A_151, %eq3A_154 : vector<16xi32>
        %convert_element_type3A_156 = arith.extui %eq3A_155 : vector<16xi1> to vector<16xi32>
        %swap3A_157 = arith.index_cast %add3A_119 : i32 to index
        %swap3A_158 = arith.constant 48 : index
        %swap3A_159 = tpu.vector_load %arg5[%swap3A_157, %swap3A_158] {strides = array<i32>} : memref<16x512xi32, #tpu.memory_space<vmem>>, vector<16xi32>,
        tpu.vector_store %arg5[%swap3A_157, %swap3A_158], %convert_element_type3A_156 {strides = array<i32>} : memref<16x512xi32, #tpu.memory_space<vmem>>, vector<16xi32>,
        %get3A_160 = arith.index_cast %add3A_119 : i32 to index
        %get3A_161 = arith.constant 64 : index
        %get3A_162 = tpu.vector_load %arg4[%get3A_160, %get3A_161] {strides = array<i32>} : memref<16x512xi32, #tpu.memory_space<vmem>>, vector<16xi32>,
        %add3A_163 = arith.constant 1 : i32
        %add3A_164 = arith.addi %add3A_80, %add3A_163 : i32
        %eq3A_165 = vector.broadcast %add3A_164 : i32 to vector<16xi32>
        %eq3A_166 = arith.cmpi eq, %get3A_162, %eq3A_165 : vector<16xi32>
        %convert_element_type3A_167 = arith.extui %eq3A_166 : vector<16xi1> to vector<16xi32>
        %swap3A_168 = arith.index_cast %add3A_119 : i32 to index
        %swap3A_169 = arith.constant 64 : index
        %swap3A_170 = tpu.vector_load %arg5[%swap3A_168, %swap3A_169] {strides = array<i32>} : memref<16x512xi32, #tpu.memory_space<vmem>>, vector<16xi32>,
        tpu.vector_store %arg5[%swap3A_168, %swap3A_169], %convert_element_type3A_167 {strides = array<i32>} : memref<16x512xi32, #tpu.memory_space<vmem>>, vector<16xi32>,
        %get3A_171 = arith.index_cast %add3A_119 : i32 to index
        %get3A_172 = arith.constant 80 : index
        %get3A_173 = tpu.vector_load %arg4[%get3A_171, %get3A_172] {strides = array<i32>} : memref<16x512xi32, #tpu.memory_space<vmem>>, vector<16xi32>,
        %add3A_174 = arith.constant 1 : i32
        %add3A_175 = arith.addi %add3A_80, %add3A_174 : i32
        %eq3A_176 = vector.broadcast %add3A_175 : i32 to vector<16xi32>
        %eq3A_177 = arith.cmpi eq, %get3A_173, %eq3A_176 : vector<16xi32>
        %convert_element_type3A_178 = arith.extui %eq3A_177 : vector<16xi1> to vector<16xi32>
        %swap3A_179 = arith.index_cast %add3A_119 : i32 to index
        %swap3A_180 = arith.constant 80 : index
        %swap3A_181 = tpu.vector_load %arg5[%swap3A_179, %swap3A_180] {strides = array<i32>} : memref<16x512xi32, #tpu.memory_space<vmem>>, vector<16xi32>,
        tpu.vector_store %arg5[%swap3A_179, %swap3A_180], %convert_element_type3A_178 {strides = array<i32>} : memref<16x512xi32, #tpu.memory_space<vmem>>, vector<16xi32>,
        %get3A_182 = arith.index_cast %add3A_119 : i32 to index
        %get3A_183 = arith.constant 96 : index
        %get3A_184 = tpu.vector_load %arg4[%get3A_182, %get3A_183] {strides = array<i32>} : memref<16x512xi32, #tpu.memory_space<vmem>>, vector<16xi32>,
        %add3A_185 = arith.constant 1 : i32
        %add3A_186 = arith.addi %add3A_80, %add3A_185 : i32
        %eq3A_187 = vector.broadcast %add3A_186 : i32 to vector<16xi32>
        %eq3A_188 = arith.cmpi eq, %get3A_184, %eq3A_187 : vector<16xi32>
        %convert_element_type3A_189 = arith.extui %eq3A_188 : vector<16xi1> to vector<16xi32>
        %swap3A_190 = arith.index_cast %add3A_119 : i32 to index
        %swap3A_191 = arith.constant 96 : index
        %swap3A_192 = tpu.vector_load %arg5[%swap3A_190, %swap3A_191] {strides = array<i32>} : memref<16x512xi32, #tpu.memory_space<vmem>>, vector<16xi32>,
        tpu.vector_store %arg5[%swap3A_190, %swap3A_191], %convert_element_type3A_189 {strides = array<i32>} : memref<16x512xi32, #tpu.memory_space<vmem>>, vector<16xi32>,
        %get3A_193 = arith.index_cast %add3A_119 : i32 to index
        %get3A_194 = arith.constant 112 : index
        %get3A_195 = tpu.vector_load %arg4[%get3A_193, %get3A_194] {strides = array<i32>} : memref<16x512xi32, #tpu.memory_space<vmem>>, vector<16xi32>,
        %add3A_196 = arith.constant 1 : i32
        %add3A_197 = arith.addi %add3A_80, %add3A_196 : i32
        %eq3A_198 = vector.broadcast %add3A_197 : i32 to vector<16xi32>
        %eq3A_199 = arith.cmpi eq, %get3A_195, %eq3A_198 : vector<16xi32>
        %convert_element_type3A_200 = arith.extui %eq3A_199 : vector<16xi1> to vector<16xi32>
        %swap3A_201 = arith.index_cast %add3A_119 : i32 to index
        %swap3A_202 = arith.constant 112 : index
        %swap3A_203 = tpu.vector_load %arg5[%swap3A_201, %swap3A_202] {strides = array<i32>} : memref<16x512xi32, #tpu.memory_space<vmem>>, vector<16xi32>,
        tpu.vector_store %arg5[%swap3A_201, %swap3A_202], %convert_element_type3A_200 {strides = array<i32>} : memref<16x512xi32, #tpu.memory_space<vmem>>, vector<16xi32>,
        %get3A_204 = arith.index_cast %add3A_119 : i32 to index
        %get3A_205 = arith.constant 128 : index
        %get3A_206 = tpu.vector_load %arg4[%get3A_204, %get3A_205] {strides = array<i32>} : memref<16x512xi32, #tpu.memory_space<vmem>>, vector<16xi32>,
        %add3A_207 = arith.constant 1 : i32
        %add3A_208 = arith.addi %add3A_80, %add3A_207 : i32
        %eq3A_209 = vector.broadcast %add3A_208 : i32 to vector<16xi32>
        %eq3A_210 = arith.cmpi eq, %get3A_206, %eq3A_209 : vector<16xi32>
        %convert_element_type3A_211 = arith.extui %eq3A_210 : vector<16xi1> to vector<16xi32>
        %swap3A_212 = arith.index_cast %add3A_119 : i32 to index
        %swap3A_213 = arith.constant 128 : index
        %swap3A_214 = tpu.vector_load %arg5[%swap3A_212, %swap3A_213] {strides = array<i32>} : memref<16x512xi32, #tpu.memory_space<vmem>>, vector<16xi32>,
        tpu.vector_store %arg5[%swap3A_212, %swap3A_213], %convert_element_type3A_211 {strides = array<i32>} : memref<16x512xi32, #tpu.memory_space<vmem>>, vector<16xi32>,
        %get3A_215 = arith.index_cast %add3A_119 : i32 to index
        %get3A_216 = arith.constant 144 : index
        %get3A_217 = tpu.vector_load %arg4[%get3A_215, %get3A_216] {strides = array<i32>} : memref<16x512xi32, #tpu.memory_space<vmem>>, vector<16xi32>,
        %add3A_218 = arith.constant 1 : i32
        %add3A_219 = arith.addi %add3A_80, %add3A_218 : i32
        %eq3A_220 = vector.broadcast %add3A_219 : i32 to vector<16xi32>
        %eq3A_221 = arith.cmpi eq, %get3A_217, %eq3A_220 : vector<16xi32>
        %convert_element_type3A_222 = arith.extui %eq3A_221 : vector<16xi1> to vector<16xi32>
        %swap3A_223 = arith.index_cast %add3A_119 : i32 to index
        %swap3A_224 = arith.constant 144 : index
        %swap3A_225 = tpu.vector_load %arg5[%swap3A_223, %swap3A_224] {strides = array<i32>} : memref<16x512xi32, #tpu.memory_space<vmem>>, vector<16xi32>,
        tpu.vector_store %arg5[%swap3A_223, %swap3A_224], %convert_element_type3A_222 {strides = array<i32>} : memref<16x512xi32, #tpu.memory_space<vmem>>, vector<16xi32>,
        %get3A_226 = arith.index_cast %add3A_119 : i32 to index
        %get3A_227 = arith.constant 160 : index
        %get3A_228 = tpu.vector_load %arg4[%get3A_226, %get3A_227] {strides = array<i32>} : memref<16x512xi32, #tpu.memory_space<vmem>>, vector<16xi32>,
        %add3A_229 = arith.constant 1 : i32
        %add3A_230 = arith.addi %add3A_80, %add3A_229 : i32
        %eq3A_231 = vector.broadcast %add3A_230 : i32 to vector<16xi32>
        %eq3A_232 = arith.cmpi eq, %get3A_228, %eq3A_231 : vector<16xi32>
        %convert_element_type3A_233 = arith.extui %eq3A_232 : vector<16xi1> to vector<16xi32>
        %swap3A_234 = arith.index_cast %add3A_119 : i32 to index
        %swap3A_235 = arith.constant 160 : index
        %swap3A_236 = tpu.vector_load %arg5[%swap3A_234, %swap3A_235] {strides = array<i32>} : memref<16x512xi32, #tpu.memory_space<vmem>>, vector<16xi32>,
        tpu.vector_store %arg5[%swap3A_234, %swap3A_235], %convert_element_type3A_233 {strides = array<i32>} : memref<16x512xi32, #tpu.memory_space<vmem>>, vector<16xi32>,
        %get3A_237 = arith.index_cast %add3A_119 : i32 to index
        %get3A_238 = arith.constant 176 : index
        %get3A_239 = tpu.vector_load %arg4[%get3A_237, %get3A_238] {strides = array<i32>} : memref<16x512xi32, #tpu.memory_space<vmem>>, vector<16xi32>,
        %add3A_240 = arith.constant 1 : i32
        %add3A_241 = arith.addi %add3A_80, %add3A_240 : i32
        %eq3A_242 = vector.broadcast %add3A_241 : i32 to vector<16xi32>
        %eq3A_243 = arith.cmpi eq, %get3A_239, %eq3A_242 : vector<16xi32>
        %convert_element_type3A_244 = arith.extui %eq3A_243 : vector<16xi1> to vector<16xi32>
        %swap3A_245 = arith.index_cast %add3A_119 : i32 to index
        %swap3A_246 = arith.constant 176 : index
        %swap3A_247 = tpu.vector_load %arg5[%swap3A_245, %swap3A_246] {strides = array<i32>} : memref<16x512xi32, #tpu.memory_space<vmem>>, vector<16xi32>,
        tpu.vector_store %arg5[%swap3A_245, %swap3A_246], %convert_element_type3A_244 {strides = array<i32>} : memref<16x512xi32, #tpu.memory_space<vmem>>, vector<16xi32>,
        %get3A_248 = arith.index_cast %add3A_119 : i32 to index
        %get3A_249 = arith.constant 192 : index
        %get3A_250 = tpu.vector_load %arg4[%get3A_248, %get3A_249] {strides = array<i32>} : memref<16x512xi32, #tpu.memory_space<vmem>>, vector<16xi32>,
        %add3A_251 = arith.constant 1 : i32
        %add3A_252 = arith.addi %add3A_80, %add3A_251 : i32
        %eq3A_253 = vector.broadcast %add3A_252 : i32 to vector<16xi32>
        %eq3A_254 = arith.cmpi eq, %get3A_250, %eq3A_253 : vector<16xi32>
        %convert_element_type3A_255 = arith.extui %eq3A_254 : vector<16xi1> to vector<16xi32>
        %swap3A_256 = arith.index_cast %add3A_119 : i32 to index
        %swap3A_257 = arith.constant 192 : index
        %swap3A_258 = tpu.vector_load %arg5[%swap3A_256, %swap3A_257] {strides = array<i32>} : memref<16x512xi32, #tpu.memory_space<vmem>>, vector<16xi32>,
        tpu.vector_store %arg5[%swap3A_256, %swap3A_257], %convert_element_type3A_255 {strides = array<i32>} : memref<16x512xi32, #tpu.memory_space<vmem>>, vector<16xi32>,
        %get3A_259 = arith.index_cast %add3A_119 : i32 to index
        %get3A_260 = arith.constant 208 : index
        %get3A_261 = tpu.vector_load %arg4[%get3A_259, %get3A_260] {strides = array<i32>} : memref<16x512xi32, #tpu.memory_space<vmem>>, vector<16xi32>,
        %add3A_262 = arith.constant 1 : i32
        %add3A_263 = arith.addi %add3A_80, %add3A_262 : i32
        %eq3A_264 = vector.broadcast %add3A_263 : i32 to vector<16xi32>
        %eq3A_265 = arith.cmpi eq, %get3A_261, %eq3A_264 : vector<16xi32>
        %convert_element_type3A_266 = arith.extui %eq3A_265 : vector<16xi1> to vector<16xi32>
        %swap3A_267 = arith.index_cast %add3A_119 : i32 to index
        %swap3A_268 = arith.constant 208 : index
        %swap3A_269 = tpu.vector_load %arg5[%swap3A_267, %swap3A_268] {strides = array<i32>} : memref<16x512xi32, #tpu.memory_space<vmem>>, vector<16xi32>,
        tpu.vector_store %arg5[%swap3A_267, %swap3A_268], %convert_element_type3A_266 {strides = array<i32>} : memref<16x512xi32, #tpu.memory_space<vmem>>, vector<16xi32>,
        %get3A_270 = arith.index_cast %add3A_119 : i32 to index
        %get3A_271 = arith.constant 224 : index
        %get3A_272 = tpu.vector_load %arg4[%get3A_270, %get3A_271] {strides = array<i32>} : memref<16x512xi32, #tpu.memory_space<vmem>>, vector<16xi32>,
        %add3A_273 = arith.constant 1 : i32
        %add3A_274 = arith.addi %add3A_80, %add3A_273 : i32
        %eq3A_275 = vector.broadcast %add3A_274 : i32 to vector<16xi32>
        %eq3A_276 = arith.cmpi eq, %get3A_272, %eq3A_275 : vector<16xi32>
        %convert_element_type3A_277 = arith.extui %eq3A_276 : vector<16xi1> to vector<16xi32>
        %swap3A_278 = arith.index_cast %add3A_119 : i32 to index
        %swap3A_279 = arith.constant 224 : index
        %swap3A_280 = tpu.vector_load %arg5[%swap3A_278, %swap3A_279] {strides = array<i32>} : memref<16x512xi32, #tpu.memory_space<vmem>>, vector<16xi32>,
        tpu.vector_store %arg5[%swap3A_278, %swap3A_279], %convert_element_type3A_277 {strides = array<i32>} : memref<16x512xi32, #tpu.memory_space<vmem>>, vector<16xi32>,
        %get3A_281 = arith.index_cast %add3A_119 : i32 to index
        %get3A_282 = arith.constant 240 : index
        %get3A_283 = tpu.vector_load %arg4[%get3A_281, %get3A_282] {strides = array<i32>} : memref<16x512xi32, #tpu.memory_space<vmem>>, vector<16xi32>,
        %add3A_284 = arith.constant 1 : i32
        %add3A_285 = arith.addi %add3A_80, %add3A_284 : i32
        %eq3A_286 = vector.broadcast %add3A_285 : i32 to vector<16xi32>
        %eq3A_287 = arith.cmpi eq, %get3A_283, %eq3A_286 : vector<16xi32>
        %convert_element_type3A_288 = arith.extui %eq3A_287 : vector<16xi1> to vector<16xi32>
        %swap3A_289 = arith.index_cast %add3A_119 : i32 to index
        %swap3A_290 = arith.constant 240 : index
        %swap3A_291 = tpu.vector_load %arg5[%swap3A_289, %swap3A_290] {strides = array<i32>} : memref<16x512xi32, #tpu.memory_space<vmem>>, vector<16xi32>,
        tpu.vector_store %arg5[%swap3A_289, %swap3A_290], %convert_element_type3A_288 {strides = array<i32>} : memref<16x512xi32, #tpu.memory_space<vmem>>, vector<16xi32>,
        %get3A_292 = arith.index_cast %add3A_119 : i32 to index
        %get3A_293 = arith.constant 256 : index
        %get3A_294 = tpu.vector_load %arg4[%get3A_292, %get3A_293] {strides = array<i32>} : memref<16x512xi32, #tpu.memory_space<vmem>>, vector<16xi32>,
        %add3A_295 = arith.constant 1 : i32
        %add3A_296 = arith.addi %add3A_80, %add3A_295 : i32
        %eq3A_297 = vector.broadcast %add3A_296 : i32 to vector<16xi32>
        %eq3A_298 = arith.cmpi eq, %get3A_294, %eq3A_297 : vector<16xi32>
        %convert_element_type3A_299 = arith.extui %eq3A_298 : vector<16xi1> to vector<16xi32>
        %swap3A_300 = arith.index_cast %add3A_119 : i32 to index
        %swap3A_301 = arith.constant 256 : index
        %swap3A_302 = tpu.vector_load %arg5[%swap3A_300, %swap3A_301] {strides = array<i32>} : memref<16x512xi32, #tpu.memory_space<vmem>>, vector<16xi32>,
        tpu.vector_store %arg5[%swap3A_300, %swap3A_301], %convert_element_type3A_299 {strides = array<i32>} : memref<16x512xi32, #tpu.memory_space<vmem>>, vector<16xi32>,
        %get3A_303 = arith.index_cast %add3A_119 : i32 to index
        %get3A_304 = arith.constant 272 : index
        %get3A_305 = tpu.vector_load %arg4[%get3A_303, %get3A_304] {strides = array<i32>} : memref<16x512xi32, #tpu.memory_space<vmem>>, vector<16xi32>,
        %add3A_306 = arith.constant 1 : i32
        %add3A_307 = arith.addi %add3A_80, %add3A_306 : i32
        %eq3A_308 = vector.broadcast %add3A_307 : i32 to vector<16xi32>
        %eq3A_309 = arith.cmpi eq, %get3A_305, %eq3A_308 : vector<16xi32>
        %convert_element_type3A_310 = arith.extui %eq3A_309 : vector<16xi1> to vector<16xi32>
        %swap3A_311 = arith.index_cast %add3A_119 : i32 to index
        %swap3A_312 = arith.constant 272 : index
        %swap3A_313 = tpu.vector_load %arg5[%swap3A_311, %swap3A_312] {strides = array<i32>} : memref<16x512xi32, #tpu.memory_space<vmem>>, vector<16xi32>,
        tpu.vector_store %arg5[%swap3A_311, %swap3A_312], %convert_element_type3A_310 {strides = array<i32>} : memref<16x512xi32, #tpu.memory_space<vmem>>, vector<16xi32>,
        %get3A_314 = arith.index_cast %add3A_119 : i32 to index
        %get3A_315 = arith.constant 288 : index
        %get3A_316 = tpu.vector_load %arg4[%get3A_314, %get3A_315] {strides = array<i32>} : memref<16x512xi32, #tpu.memory_space<vmem>>, vector<16xi32>,
        %add3A_317 = arith.constant 1 : i32
        %add3A_318 = arith.addi %add3A_80, %add3A_317 : i32
        %eq3A_319 = vector.broadcast %add3A_318 : i32 to vector<16xi32>
        %eq3A_320 = arith.cmpi eq, %get3A_316, %eq3A_319 : vector<16xi32>
        %convert_element_type3A_321 = arith.extui %eq3A_320 : vector<16xi1> to vector<16xi32>
        %swap3A_322 = arith.index_cast %add3A_119 : i32 to index
        %swap3A_323 = arith.constant 288 : index
        %swap3A_324 = tpu.vector_load %arg5[%swap3A_322, %swap3A_323] {strides = array<i32>} : memref<16x512xi32, #tpu.memory_space<vmem>>, vector<16xi32>,
        tpu.vector_store %arg5[%swap3A_322, %swap3A_323], %convert_element_type3A_321 {strides = array<i32>} : memref<16x512xi32, #tpu.memory_space<vmem>>, vector<16xi32>,
        %get3A_325 = arith.index_cast %add3A_119 : i32 to index
        %get3A_326 = arith.constant 304 : index
        %get3A_327 = tpu.vector_load %arg4[%get3A_325, %get3A_326] {strides = array<i32>} : memref<16x512xi32, #tpu.memory_space<vmem>>, vector<16xi32>,
        %add3A_328 = arith.constant 1 : i32
        %add3A_329 = arith.addi %add3A_80, %add3A_328 : i32
        %eq3A_330 = vector.broadcast %add3A_329 : i32 to vector<16xi32>
        %eq3A_331 = arith.cmpi eq, %get3A_327, %eq3A_330 : vector<16xi32>
        %convert_element_type3A_332 = arith.extui %eq3A_331 : vector<16xi1> to vector<16xi32>
        %swap3A_333 = arith.index_cast %add3A_119 : i32 to index
        %swap3A_334 = arith.constant 304 : index
        %swap3A_335 = tpu.vector_load %arg5[%swap3A_333, %swap3A_334] {strides = array<i32>} : memref<16x512xi32, #tpu.memory_space<vmem>>, vector<16xi32>,
        tpu.vector_store %arg5[%swap3A_333, %swap3A_334], %convert_element_type3A_332 {strides = array<i32>} : memref<16x512xi32, #tpu.memory_space<vmem>>, vector<16xi32>,
        %get3A_336 = arith.index_cast %add3A_119 : i32 to index
        %get3A_337 = arith.constant 320 : index
        %get3A_338 = tpu.vector_load %arg4[%get3A_336, %get3A_337] {strides = array<i32>} : memref<16x512xi32, #tpu.memory_space<vmem>>, vector<16xi32>,
        %add3A_339 = arith.constant 1 : i32
        %add3A_340 = arith.addi %add3A_80, %add3A_339 : i32
        %eq3A_341 = vector.broadcast %add3A_340 : i32 to vector<16xi32>
        %eq3A_342 = arith.cmpi eq, %get3A_338, %eq3A_341 : vector<16xi32>
        %convert_element_type3A_343 = arith.extui %eq3A_342 : vector<16xi1> to vector<16xi32>
        %swap3A_344 = arith.index_cast %add3A_119 : i32 to index
        %swap3A_345 = arith.constant 320 : index
        %swap3A_346 = tpu.vector_load %arg5[%swap3A_344, %swap3A_345] {strides = array<i32>} : memref<16x512xi32, #tpu.memory_space<vmem>>, vector<16xi32>,
        tpu.vector_store %arg5[%swap3A_344, %swap3A_345], %convert_element_type3A_343 {strides = array<i32>} : memref<16x512xi32, #tpu.memory_space<vmem>>, vector<16xi32>,
        %get3A_347 = arith.index_cast %add3A_119 : i32 to index
        %get3A_348 = arith.constant 336 : index
        %get3A_349 = tpu.vector_load %arg4[%get3A_347, %get3A_348] {strides = array<i32>} : memref<16x512xi32, #tpu.memory_space<vmem>>, vector<16xi32>,
        %add3A_350 = arith.constant 1 : i32
        %add3A_351 = arith.addi %add3A_80, %add3A_350 : i32
        %eq3A_352 = vector.broadcast %add3A_351 : i32 to vector<16xi32>
        %eq3A_353 = arith.cmpi eq, %get3A_349, %eq3A_352 : vector<16xi32>
        %convert_element_type3A_354 = arith.extui %eq3A_353 : vector<16xi1> to vector<16xi32>
        %swap3A_355 = arith.index_cast %add3A_119 : i32 to index
        %swap3A_356 = arith.constant 336 : index
        %swap3A_357 = tpu.vector_load %arg5[%swap3A_355, %swap3A_356] {strides = array<i32>} : memref<16x512xi32, #tpu.memory_space<vmem>>, vector<16xi32>,
        tpu.vector_store %arg5[%swap3A_355, %swap3A_356], %convert_element_type3A_354 {strides = array<i32>} : memref<16x512xi32, #tpu.memory_space<vmem>>, vector<16xi32>,
        %get3A_358 = arith.index_cast %add3A_119 : i32 to index
        %get3A_359 = arith.constant 352 : index
        %get3A_360 = tpu.vector_load %arg4[%get3A_358, %get3A_359] {strides = array<i32>} : memref<16x512xi32, #tpu.memory_space<vmem>>, vector<16xi32>,
        %add3A_361 = arith.constant 1 : i32
        %add3A_362 = arith.addi %add3A_80, %add3A_361 : i32
        %eq3A_363 = vector.broadcast %add3A_362 : i32 to vector<16xi32>
        %eq3A_364 = arith.cmpi eq, %get3A_360, %eq3A_363 : vector<16xi32>
        %convert_element_type3A_365 = arith.extui %eq3A_364 : vector<16xi1> to vector<16xi32>
        %swap3A_366 = arith.index_cast %add3A_119 : i32 to index
        %swap3A_367 = arith.constant 352 : index
        %swap3A_368 = tpu.vector_load %arg5[%swap3A_366, %swap3A_367] {strides = array<i32>} : memref<16x512xi32, #tpu.memory_space<vmem>>, vector<16xi32>,
        tpu.vector_store %arg5[%swap3A_366, %swap3A_367], %convert_element_type3A_365 {strides = array<i32>} : memref<16x512xi32, #tpu.memory_space<vmem>>, vector<16xi32>,
        %get3A_369 = arith.index_cast %add3A_119 : i32 to index
        %get3A_370 = arith.constant 368 : index
        %get3A_371 = tpu.vector_load %arg4[%get3A_369, %get3A_370] {strides = array<i32>} : memref<16x512xi32, #tpu.memory_space<vmem>>, vector<16xi32>,
        %add3A_372 = arith.constant 1 : i32
        %add3A_373 = arith.addi %add3A_80, %add3A_372 : i32
        %eq3A_374 = vector.broadcast %add3A_373 : i32 to vector<16xi32>
        %eq3A_375 = arith.cmpi eq, %get3A_371, %eq3A_374 : vector<16xi32>
        %convert_element_type3A_376 = arith.extui %eq3A_375 : vector<16xi1> to vector<16xi32>
        %swap3A_377 = arith.index_cast %add3A_119 : i32 to index
        %swap3A_378 = arith.constant 368 : index
        %swap3A_379 = tpu.vector_load %arg5[%swap3A_377, %swap3A_378] {strides = array<i32>} : memref<16x512xi32, #tpu.memory_space<vmem>>, vector<16xi32>,
        tpu.vector_store %arg5[%swap3A_377, %swap3A_378], %convert_element_type3A_376 {strides = array<i32>} : memref<16x512xi32, #tpu.memory_space<vmem>>, vector<16xi32>,
        %get3A_380 = arith.index_cast %add3A_119 : i32 to index
        %get3A_381 = arith.constant 384 : index
        %get3A_382 = tpu.vector_load %arg4[%get3A_380, %get3A_381] {strides = array<i32>} : memref<16x512xi32, #tpu.memory_space<vmem>>, vector<16xi32>,
        %add3A_383 = arith.constant 1 : i32
        %add3A_384 = arith.addi %add3A_80, %add3A_383 : i32
        %eq3A_385 = vector.broadcast %add3A_384 : i32 to vector<16xi32>
        %eq3A_386 = arith.cmpi eq, %get3A_382, %eq3A_385 : vector<16xi32>
        %convert_element_type3A_387 = arith.extui %eq3A_386 : vector<16xi1> to vector<16xi32>
        %swap3A_388 = arith.index_cast %add3A_119 : i32 to index
        %swap3A_389 = arith.constant 384 : index
        %swap3A_390 = tpu.vector_load %arg5[%swap3A_388, %swap3A_389] {strides = array<i32>} : memref<16x512xi32, #tpu.memory_space<vmem>>, vector<16xi32>,
        tpu.vector_store %arg5[%swap3A_388, %swap3A_389], %convert_element_type3A_387 {strides = array<i32>} : memref<16x512xi32, #tpu.memory_space<vmem>>, vector<16xi32>,
        %get3A_391 = arith.index_cast %add3A_119 : i32 to index
        %get3A_392 = arith.constant 400 : index
        %get3A_393 = tpu.vector_load %arg4[%get3A_391, %get3A_392] {strides = array<i32>} : memref<16x512xi32, #tpu.memory_space<vmem>>, vector<16xi32>,
        %add3A_394 = arith.constant 1 : i32
        %add3A_395 = arith.addi %add3A_80, %add3A_394 : i32
        %eq3A_396 = vector.broadcast %add3A_395 : i32 to vector<16xi32>
        %eq3A_397 = arith.cmpi eq, %get3A_393, %eq3A_396 : vector<16xi32>
        %convert_element_type3A_398 = arith.extui %eq3A_397 : vector<16xi1> to vector<16xi32>
        %swap3A_399 = arith.index_cast %add3A_119 : i32 to index
        %swap3A_400 = arith.constant 400 : index
        %swap3A_401 = tpu.vector_load %arg5[%swap3A_399, %swap3A_400] {strides = array<i32>} : memref<16x512xi32, #tpu.memory_space<vmem>>, vector<16xi32>,
        tpu.vector_store %arg5[%swap3A_399, %swap3A_400], %convert_element_type3A_398 {strides = array<i32>} : memref<16x512xi32, #tpu.memory_space<vmem>>, vector<16xi32>,
        %get3A_402 = arith.index_cast %add3A_119 : i32 to index
        %get3A_403 = arith.constant 416 : index
        %get3A_404 = tpu.vector_load %arg4[%get3A_402, %get3A_403] {strides = array<i32>} : memref<16x512xi32, #tpu.memory_space<vmem>>, vector<16xi32>,
        %add3A_405 = arith.constant 1 : i32
        %add3A_406 = arith.addi %add3A_80, %add3A_405 : i32
        %eq3A_407 = vector.broadcast %add3A_406 : i32 to vector<16xi32>
        %eq3A_408 = arith.cmpi eq, %get3A_404, %eq3A_407 : vector<16xi32>
        %convert_element_type3A_409 = arith.extui %eq3A_408 : vector<16xi1> to vector<16xi32>
        %swap3A_410 = arith.index_cast %add3A_119 : i32 to index
        %swap3A_411 = arith.constant 416 : index
        %swap3A_412 = tpu.vector_load %arg5[%swap3A_410, %swap3A_411] {strides = array<i32>} : memref<16x512xi32, #tpu.memory_space<vmem>>, vector<16xi32>,
        tpu.vector_store %arg5[%swap3A_410, %swap3A_411], %convert_element_type3A_409 {strides = array<i32>} : memref<16x512xi32, #tpu.memory_space<vmem>>, vector<16xi32>,
        %get3A_413 = arith.index_cast %add3A_119 : i32 to index
        %get3A_414 = arith.constant 432 : index
        %get3A_415 = tpu.vector_load %arg4[%get3A_413, %get3A_414] {strides = array<i32>} : memref<16x512xi32, #tpu.memory_space<vmem>>, vector<16xi32>,
        %add3A_416 = arith.constant 1 : i32
        %add3A_417 = arith.addi %add3A_80, %add3A_416 : i32
        %eq3A_418 = vector.broadcast %add3A_417 : i32 to vector<16xi32>
        %eq3A_419 = arith.cmpi eq, %get3A_415, %eq3A_418 : vector<16xi32>
        %convert_element_type3A_420 = arith.extui %eq3A_419 : vector<16xi1> to vector<16xi32>
        %swap3A_421 = arith.index_cast %add3A_119 : i32 to index
        %swap3A_422 = arith.constant 432 : index
        %swap3A_423 = tpu.vector_load %arg5[%swap3A_421, %swap3A_422] {strides = array<i32>} : memref<16x512xi32, #tpu.memory_space<vmem>>, vector<16xi32>,
        tpu.vector_store %arg5[%swap3A_421, %swap3A_422], %convert_element_type3A_420 {strides = array<i32>} : memref<16x512xi32, #tpu.memory_space<vmem>>, vector<16xi32>,
        %get3A_424 = arith.index_cast %add3A_119 : i32 to index
        %get3A_425 = arith.constant 448 : index
        %get3A_426 = tpu.vector_load %arg4[%get3A_424, %get3A_425] {strides = array<i32>} : memref<16x512xi32, #tpu.memory_space<vmem>>, vector<16xi32>,
        %add3A_427 = arith.constant 1 : i32
        %add3A_428 = arith.addi %add3A_80, %add3A_427 : i32
        %eq3A_429 = vector.broadcast %add3A_428 : i32 to vector<16xi32>
        %eq3A_430 = arith.cmpi eq, %get3A_426, %eq3A_429 : vector<16xi32>
        %convert_element_type3A_431 = arith.extui %eq3A_430 : vector<16xi1> to vector<16xi32>
        %swap3A_432 = arith.index_cast %add3A_119 : i32 to index
        %swap3A_433 = arith.constant 448 : index
        %swap3A_434 = tpu.vector_load %arg5[%swap3A_432, %swap3A_433] {strides = array<i32>} : memref<16x512xi32, #tpu.memory_space<vmem>>, vector<16xi32>,
        tpu.vector_store %arg5[%swap3A_432, %swap3A_433], %convert_element_type3A_431 {strides = array<i32>} : memref<16x512xi32, #tpu.memory_space<vmem>>, vector<16xi32>,
        %get3A_435 = arith.index_cast %add3A_119 : i32 to index
        %get3A_436 = arith.constant 464 : index
        %get3A_437 = tpu.vector_load %arg4[%get3A_435, %get3A_436] {strides = array<i32>} : memref<16x512xi32, #tpu.memory_space<vmem>>, vector<16xi32>,
        %add3A_438 = arith.constant 1 : i32
        %add3A_439 = arith.addi %add3A_80, %add3A_438 : i32
        %eq3A_440 = vector.broadcast %add3A_439 : i32 to vector<16xi32>
        %eq3A_441 = arith.cmpi eq, %get3A_437, %eq3A_440 : vector<16xi32>
        %convert_element_type3A_442 = arith.extui %eq3A_441 : vector<16xi1> to vector<16xi32>
        %swap3A_443 = arith.index_cast %add3A_119 : i32 to index
        %swap3A_444 = arith.constant 464 : index
        %swap3A_445 = tpu.vector_load %arg5[%swap3A_443, %swap3A_444] {strides = array<i32>} : memref<16x512xi32, #tpu.memory_space<vmem>>, vector<16xi32>,
        tpu.vector_store %arg5[%swap3A_443, %swap3A_444], %convert_element_type3A_442 {strides = array<i32>} : memref<16x512xi32, #tpu.memory_space<vmem>>, vector<16xi32>,
        %get3A_446 = arith.index_cast %add3A_119 : i32 to index
        %get3A_447 = arith.constant 480 : index
        %get3A_448 = tpu.vector_load %arg4[%get3A_446, %get3A_447] {strides = array<i32>} : memref<16x512xi32, #tpu.memory_space<vmem>>, vector<16xi32>,
        %add3A_449 = arith.constant 1 : i32
        %add3A_450 = arith.addi %add3A_80, %add3A_449 : i32
        %eq3A_451 = vector.broadcast %add3A_450 : i32 to vector<16xi32>
        %eq3A_452 = arith.cmpi eq, %get3A_448, %eq3A_451 : vector<16xi32>
        %convert_element_type3A_453 = arith.extui %eq3A_452 : vector<16xi1> to vector<16xi32>
        %swap3A_454 = arith.index_cast %add3A_119 : i32 to index
        %swap3A_455 = arith.constant 480 : index
        %swap3A_456 = tpu.vector_load %arg5[%swap3A_454, %swap3A_455] {strides = array<i32>} : memref<16x512xi32, #tpu.memory_space<vmem>>, vector<16xi32>,
        tpu.vector_store %arg5[%swap3A_454, %swap3A_455], %convert_element_type3A_453 {strides = array<i32>} : memref<16x512xi32, #tpu.memory_space<vmem>>, vector<16xi32>,
        %get3A_457 = arith.index_cast %add3A_119 : i32 to index
        %get3A_458 = arith.constant 496 : index
        %get3A_459 = tpu.vector_load %arg4[%get3A_457, %get3A_458] {strides = array<i32>} : memref<16x512xi32, #tpu.memory_space<vmem>>, vector<16xi32>,
        %add3A_460 = arith.constant 1 : i32
        %add3A_461 = arith.addi %add3A_80, %add3A_460 : i32
        %eq3A_462 = vector.broadcast %add3A_461 : i32 to vector<16xi32>
        %eq3A_463 = arith.cmpi eq, %get3A_459, %eq3A_462 : vector<16xi32>
        %convert_element_type3A_464 = arith.extui %eq3A_463 : vector<16xi1> to vector<16xi32>
        %swap3A_465 = arith.index_cast %add3A_119 : i32 to index
        %swap3A_466 = arith.constant 496 : index
        %swap3A_467 = tpu.vector_load %arg5[%swap3A_465, %swap3A_466] {strides = array<i32>} : memref<16x512xi32, #tpu.memory_space<vmem>>, vector<16xi32>,
        tpu.vector_store %arg5[%swap3A_465, %swap3A_466], %convert_element_type3A_464 {strides = array<i32>} : memref<16x512xi32, #tpu.memory_space<vmem>>, vector<16xi32>,
      }
      %scan3A_85 = arith.constant 16 : i32
      %dma_start3A_86 = arith.constant 0 : i32
      %dma_start3A_87 = tpu.memref_slice %arg3[%add3A_80, %mul3A_2, %dma_start3A_86] : memref<63x512x512xi32, #tpu.memory_space<hbm>> -> memref<1x16x512xi32, #tpu.memory_space<hbm>>
      %dma_start3A_88 = tpu.memref_squeeze %dma_start3A_87 : memref<1x16x512xi32, #tpu.memory_space<hbm>> -> memref<16x512xi32, #tpu.memory_space<hbm>>
      %dma_start3A_89 = arith.constant 0 : i32
      %dma_start3A_90 = tpu.memref_slice %arg3[%add3A_80, %mul3A_2, %dma_start3A_89] : memref<63x512x512xi32, #tpu.memory_space<hbm>> -> memref<1x16x512xi32, #tpu.memory_space<hbm>>
      %dma_start3A_91 = tpu.memref_squeeze %dma_start3A_90 : memref<1x16x512xi32, #tpu.memory_space<hbm>> -> memref<16x512xi32, #tpu.memory_space<hbm>>
      tpu.enqueue_dma source(%arg5 : memref<16x512xi32, #tpu.memory_space<vmem>>) target(%dma_start3A_91 : memref<16x512xi32, #tpu.memory_space<hbm>>) target_semaphore(%arg7 : memref<!tpu.dma_semaphore, #tpu.memory_space<semaphore_mem>>)
      %add3A_92 = arith.constant 1 : i32
      %add3A_93 = arith.addi %add3A_69, %add3A_92 : i32
      %sub3A_94 = arith.constant 2 : i32
      %sub3A_95 = arith.subi %add3A_93, %sub3A_94 : i32
      %dma_wait3A_96 = arith.constant 0 : i32
      %dma_wait3A_97 = tpu.memref_slice %arg3[%sub3A_95, %mul3A_2, %dma_wait3A_96] : memref<63x512x512xi32, #tpu.memory_space<hbm>> -> memref<1x16x512xi32, #tpu.memory_space<hbm>>
      %dma_wait3A_98 = tpu.memref_squeeze %dma_wait3A_97 : memref<1x16x512xi32, #tpu.memory_space<hbm>> -> memref<16x512xi32, #tpu.memory_space<hbm>>
      %dma_wait3A_99 = arith.constant 0 : i32
      %dma_wait3A_100 = tpu.memref_slice %arg3[%sub3A_95, %mul3A_2, %dma_wait3A_99] : memref<63x512x512xi32, #tpu.memory_space<hbm>> -> memref<1x16x512xi32, #tpu.memory_space<hbm>>
      %dma_wait3A_101 = tpu.memref_squeeze %dma_wait3A_100 : memref<1x16x512xi32, #tpu.memory_space<hbm>> -> memref<16x512xi32, #tpu.memory_space<hbm>>
      tpu.wait_dma2 semaphore(%arg8 : memref<!tpu.dma_semaphore, #tpu.memory_space<semaphore_mem>>) src(%arg6 : memref<16x512xi32, #tpu.memory_space<vmem>>) dst(%dma_wait3A_101 : memref<16x512xi32, #tpu.memory_space<hbm>>)
      %add3A_102 = arith.constant 1 : i32
      %add3A_103 = arith.addi %add3A_69, %add3A_102 : i32
      %scan3A_104 = arith.constant 0 : i32
      %scan3A_105 = arith.constant 16 : i32
      %scan3A_106 = arith.addi %scan3A_104, %scan3A_105 : i32
      %scan3A_107 = arith.constant 1 : i32
      scf.for %scan3A_115 = %scan3A_104 to %scan3A_106 step %scan3A_107  : i32 {
        %mul3A_116 = arith.constant 1 : i32
        %mul3A_117 = arith.muli %scan3A_115, %mul3A_116 : i32
        %add3A_118 = arith.constant 0 : i32
        %add3A_119 = arith.addi %add3A_118, %mul3A_117 : i32
        %get3A = arith.index_cast %add3A_119 : i32 to index
        %get3A_120 = arith.constant 0 : index
        %get3A_121 = tpu.vector_load %arg4[%get3A, %get3A_120] {strides = array<i32>} : memref<16x512xi32, #tpu.memory_space<vmem>>, vector<16xi32>,
        %add3A_122 = arith.constant 1 : i32
        %add3A_123 = arith.addi %add3A_103, %add3A_122 : i32
        %eq3A = vector.broadcast %add3A_123 : i32 to vector<16xi32>
        %eq3A_124 = arith.cmpi eq, %get3A_121, %eq3A : vector<16xi32>
        %convert_element_type3A = arith.extui %eq3A_124 : vector<16xi1> to vector<16xi32>
        %swap3A = arith.index_cast %add3A_119 : i32 to index
        %swap3A_125 = arith.constant 0 : index
        %swap3A_126 = tpu.vector_load %arg6[%swap3A, %swap3A_125] {strides = array<i32>} : memref<16x512xi32, #tpu.memory_space<vmem>>, vector<16xi32>,
        tpu.vector_store %arg6[%swap3A, %swap3A_125], %convert_element_type3A {strides = array<i32>} : memref<16x512xi32, #tpu.memory_space<vmem>>, vector<16xi32>,
        %get3A_127 = arith.index_cast %add3A_119 : i32 to index
        %get3A_128 = arith.constant 16 : index
        %get3A_129 = tpu.vector_load %arg4[%get3A_127, %get3A_128] {strides = array<i32>} : memref<16x512xi32, #tpu.memory_space<vmem>>, vector<16xi32>,
        %add3A_130 = arith.constant 1 : i32
        %add3A_131 = arith.addi %add3A_103, %add3A_130 : i32
        %eq3A_132 = vector.broadcast %add3A_131 : i32 to vector<16xi32>
        %eq3A_133 = arith.cmpi eq, %get3A_129, %eq3A_132 : vector<16xi32>
        %convert_element_type3A_134 = arith.extui %eq3A_133 : vector<16xi1> to vector<16xi32>
        %swap3A_135 = arith.index_cast %add3A_119 : i32 to index
        %swap3A_136 = arith.constant 16 : index
        %swap3A_137 = tpu.vector_load %arg6[%swap3A_135, %swap3A_136] {strides = array<i32>} : memref<16x512xi32, #tpu.memory_space<vmem>>, vector<16xi32>,
        tpu.vector_store %arg6[%swap3A_135, %swap3A_136], %convert_element_type3A_134 {strides = array<i32>} : memref<16x512xi32, #tpu.memory_space<vmem>>, vector<16xi32>,
        %get3A_138 = arith.index_cast %add3A_119 : i32 to index
        %get3A_139 = arith.constant 32 : index
        %get3A_140 = tpu.vector_load %arg4[%get3A_138, %get3A_139] {strides = array<i32>} : memref<16x512xi32, #tpu.memory_space<vmem>>, vector<16xi32>,
        %add3A_141 = arith.constant 1 : i32
        %add3A_142 = arith.addi %add3A_103, %add3A_141 : i32
        %eq3A_143 = vector.broadcast %add3A_142 : i32 to vector<16xi32>
        %eq3A_144 = arith.cmpi eq, %get3A_140, %eq3A_143 : vector<16xi32>
        %convert_element_type3A_145 = arith.extui %eq3A_144 : vector<16xi1> to vector<16xi32>
        %swap3A_146 = arith.index_cast %add3A_119 : i32 to index
        %swap3A_147 = arith.constant 32 : index
        %swap3A_148 = tpu.vector_load %arg6[%swap3A_146, %swap3A_147] {strides = array<i32>} : memref<16x512xi32, #tpu.memory_space<vmem>>, vector<16xi32>,
        tpu.vector_store %arg6[%swap3A_146, %swap3A_147], %convert_element_type3A_145 {strides = array<i32>} : memref<16x512xi32, #tpu.memory_space<vmem>>, vector<16xi32>,
        %get3A_149 = arith.index_cast %add3A_119 : i32 to index
        %get3A_150 = arith.constant 48 : index
        %get3A_151 = tpu.vector_load %arg4[%get3A_149, %get3A_150] {strides = array<i32>} : memref<16x512xi32, #tpu.memory_space<vmem>>, vector<16xi32>,
        %add3A_152 = arith.constant 1 : i32
        %add3A_153 = arith.addi %add3A_103, %add3A_152 : i32
        %eq3A_154 = vector.broadcast %add3A_153 : i32 to vector<16xi32>
        %eq3A_155 = arith.cmpi eq, %get3A_151, %eq3A_154 : vector<16xi32>
        %convert_element_type3A_156 = arith.extui %eq3A_155 : vector<16xi1> to vector<16xi32>
        %swap3A_157 = arith.index_cast %add3A_119 : i32 to index
        %swap3A_158 = arith.constant 48 : index
        %swap3A_159 = tpu.vector_load %arg6[%swap3A_157, %swap3A_158] {strides = array<i32>} : memref<16x512xi32, #tpu.memory_space<vmem>>, vector<16xi32>,
        tpu.vector_store %arg6[%swap3A_157, %swap3A_158], %convert_element_type3A_156 {strides = array<i32>} : memref<16x512xi32, #tpu.memory_space<vmem>>, vector<16xi32>,
        %get3A_160 = arith.index_cast %add3A_119 : i32 to index
        %get3A_161 = arith.constant 64 : index
        %get3A_162 = tpu.vector_load %arg4[%get3A_160, %get3A_161] {strides = array<i32>} : memref<16x512xi32, #tpu.memory_space<vmem>>, vector<16xi32>,
        %add3A_163 = arith.constant 1 : i32
        %add3A_164 = arith.addi %add3A_103, %add3A_163 : i32
        %eq3A_165 = vector.broadcast %add3A_164 : i32 to vector<16xi32>
        %eq3A_166 = arith.cmpi eq, %get3A_162, %eq3A_165 : vector<16xi32>
        %convert_element_type3A_167 = arith.extui %eq3A_166 : vector<16xi1> to vector<16xi32>
        %swap3A_168 = arith.index_cast %add3A_119 : i32 to index
        %swap3A_169 = arith.constant 64 : index
        %swap3A_170 = tpu.vector_load %arg6[%swap3A_168, %swap3A_169] {strides = array<i32>} : memref<16x512xi32, #tpu.memory_space<vmem>>, vector<16xi32>,
        tpu.vector_store %arg6[%swap3A_168, %swap3A_169], %convert_element_type3A_167 {strides = array<i32>} : memref<16x512xi32, #tpu.memory_space<vmem>>, vector<16xi32>,
        %get3A_171 = arith.index_cast %add3A_119 : i32 to index
        %get3A_172 = arith.constant 80 : index
        %get3A_173 = tpu.vector_load %arg4[%get3A_171, %get3A_172] {strides = array<i32>} : memref<16x512xi32, #tpu.memory_space<vmem>>, vector<16xi32>,
        %add3A_174 = arith.constant 1 : i32
        %add3A_175 = arith.addi %add3A_103, %add3A_174 : i32
        %eq3A_176 = vector.broadcast %add3A_175 : i32 to vector<16xi32>
        %eq3A_177 = arith.cmpi eq, %get3A_173, %eq3A_176 : vector<16xi32>
        %convert_element_type3A_178 = arith.extui %eq3A_177 : vector<16xi1> to vector<16xi32>
        %swap3A_179 = arith.index_cast %add3A_119 : i32 to index
        %swap3A_180 = arith.constant 80 : index
        %swap3A_181 = tpu.vector_load %arg6[%swap3A_179, %swap3A_180] {strides = array<i32>} : memref<16x512xi32, #tpu.memory_space<vmem>>, vector<16xi32>,
        tpu.vector_store %arg6[%swap3A_179, %swap3A_180], %convert_element_type3A_178 {strides = array<i32>} : memref<16x512xi32, #tpu.memory_space<vmem>>, vector<16xi32>,
        %get3A_182 = arith.index_cast %add3A_119 : i32 to index
        %get3A_183 = arith.constant 96 : index
        %get3A_184 = tpu.vector_load %arg4[%get3A_182, %get3A_183] {strides = array<i32>} : memref<16x512xi32, #tpu.memory_space<vmem>>, vector<16xi32>,
        %add3A_185 = arith.constant 1 : i32
        %add3A_186 = arith.addi %add3A_103, %add3A_185 : i32
        %eq3A_187 = vector.broadcast %add3A_186 : i32 to vector<16xi32>
        %eq3A_188 = arith.cmpi eq, %get3A_184, %eq3A_187 : vector<16xi32>
        %convert_element_type3A_189 = arith.extui %eq3A_188 : vector<16xi1> to vector<16xi32>
        %swap3A_190 = arith.index_cast %add3A_119 : i32 to index
        %swap3A_191 = arith.constant 96 : index
        %swap3A_192 = tpu.vector_load %arg6[%swap3A_190, %swap3A_191] {strides = array<i32>} : memref<16x512xi32, #tpu.memory_space<vmem>>, vector<16xi32>,
        tpu.vector_store %arg6[%swap3A_190, %swap3A_191], %convert_element_type3A_189 {strides = array<i32>} : memref<16x512xi32, #tpu.memory_space<vmem>>, vector<16xi32>,
        %get3A_193 = arith.index_cast %add3A_119 : i32 to index
        %get3A_194 = arith.constant 112 : index
        %get3A_195 = tpu.vector_load %arg4[%get3A_193, %get3A_194] {strides = array<i32>} : memref<16x512xi32, #tpu.memory_space<vmem>>, vector<16xi32>,
        %add3A_196 = arith.constant 1 : i32
        %add3A_197 = arith.addi %add3A_103, %add3A_196 : i32
        %eq3A_198 = vector.broadcast %add3A_197 : i32 to vector<16xi32>
        %eq3A_199 = arith.cmpi eq, %get3A_195, %eq3A_198 : vector<16xi32>
        %convert_element_type3A_200 = arith.extui %eq3A_199 : vector<16xi1> to vector<16xi32>
        %swap3A_201 = arith.index_cast %add3A_119 : i32 to index
        %swap3A_202 = arith.constant 112 : index
        %swap3A_203 = tpu.vector_load %arg6[%swap3A_201, %swap3A_202] {strides = array<i32>} : memref<16x512xi32, #tpu.memory_space<vmem>>, vector<16xi32>,
        tpu.vector_store %arg6[%swap3A_201, %swap3A_202], %convert_element_type3A_200 {strides = array<i32>} : memref<16x512xi32, #tpu.memory_space<vmem>>, vector<16xi32>,
        %get3A_204 = arith.index_cast %add3A_119 : i32 to index
        %get3A_205 = arith.constant 128 : index
        %get3A_206 = tpu.vector_load %arg4[%get3A_204, %get3A_205] {strides = array<i32>} : memref<16x512xi32, #tpu.memory_space<vmem>>, vector<16xi32>,
        %add3A_207 = arith.constant 1 : i32
        %add3A_208 = arith.addi %add3A_103, %add3A_207 : i32
        %eq3A_209 = vector.broadcast %add3A_208 : i32 to vector<16xi32>
        %eq3A_210 = arith.cmpi eq, %get3A_206, %eq3A_209 : vector<16xi32>
        %convert_element_type3A_211 = arith.extui %eq3A_210 : vector<16xi1> to vector<16xi32>
        %swap3A_212 = arith.index_cast %add3A_119 : i32 to index
        %swap3A_213 = arith.constant 128 : index
        %swap3A_214 = tpu.vector_load %arg6[%swap3A_212, %swap3A_213] {strides = array<i32>} : memref<16x512xi32, #tpu.memory_space<vmem>>, vector<16xi32>,
        tpu.vector_store %arg6[%swap3A_212, %swap3A_213], %convert_element_type3A_211 {strides = array<i32>} : memref<16x512xi32, #tpu.memory_space<vmem>>, vector<16xi32>,
        %get3A_215 = arith.index_cast %add3A_119 : i32 to index
        %get3A_216 = arith.constant 144 : index
        %get3A_217 = tpu.vector_load %arg4[%get3A_215, %get3A_216] {strides = array<i32>} : memref<16x512xi32, #tpu.memory_space<vmem>>, vector<16xi32>,
        %add3A_218 = arith.constant 1 : i32
        %add3A_219 = arith.addi %add3A_103, %add3A_218 : i32
        %eq3A_220 = vector.broadcast %add3A_219 : i32 to vector<16xi32>
        %eq3A_221 = arith.cmpi eq, %get3A_217, %eq3A_220 : vector<16xi32>
        %convert_element_type3A_222 = arith.extui %eq3A_221 : vector<16xi1> to vector<16xi32>
        %swap3A_223 = arith.index_cast %add3A_119 : i32 to index
        %swap3A_224 = arith.constant 144 : index
        %swap3A_225 = tpu.vector_load %arg6[%swap3A_223, %swap3A_224] {strides = array<i32>} : memref<16x512xi32, #tpu.memory_space<vmem>>, vector<16xi32>,
        tpu.vector_store %arg6[%swap3A_223, %swap3A_224], %convert_element_type3A_222 {strides = array<i32>} : memref<16x512xi32, #tpu.memory_space<vmem>>, vector<16xi32>,
        %get3A_226 = arith.index_cast %add3A_119 : i32 to index
        %get3A_227 = arith.constant 160 : index
        %get3A_228 = tpu.vector_load %arg4[%get3A_226, %get3A_227] {strides = array<i32>} : memref<16x512xi32, #tpu.memory_space<vmem>>, vector<16xi32>,
        %add3A_229 = arith.constant 1 : i32
        %add3A_230 = arith.addi %add3A_103, %add3A_229 : i32
        %eq3A_231 = vector.broadcast %add3A_230 : i32 to vector<16xi32>
        %eq3A_232 = arith.cmpi eq, %get3A_228, %eq3A_231 : vector<16xi32>
        %convert_element_type3A_233 = arith.extui %eq3A_232 : vector<16xi1> to vector<16xi32>
        %swap3A_234 = arith.index_cast %add3A_119 : i32 to index
        %swap3A_235 = arith.constant 160 : index
        %swap3A_236 = tpu.vector_load %arg6[%swap3A_234, %swap3A_235] {strides = array<i32>} : memref<16x512xi32, #tpu.memory_space<vmem>>, vector<16xi32>,
        tpu.vector_store %arg6[%swap3A_234, %swap3A_235], %convert_element_type3A_233 {strides = array<i32>} : memref<16x512xi32, #tpu.memory_space<vmem>>, vector<16xi32>,
        %get3A_237 = arith.index_cast %add3A_119 : i32 to index
        %get3A_238 = arith.constant 176 : index
        %get3A_239 = tpu.vector_load %arg4[%get3A_237, %get3A_238] {strides = array<i32>} : memref<16x512xi32, #tpu.memory_space<vmem>>, vector<16xi32>,
        %add3A_240 = arith.constant 1 : i32
        %add3A_241 = arith.addi %add3A_103, %add3A_240 : i32
        %eq3A_242 = vector.broadcast %add3A_241 : i32 to vector<16xi32>
        %eq3A_243 = arith.cmpi eq, %get3A_239, %eq3A_242 : vector<16xi32>
        %convert_element_type3A_244 = arith.extui %eq3A_243 : vector<16xi1> to vector<16xi32>
        %swap3A_245 = arith.index_cast %add3A_119 : i32 to index
        %swap3A_246 = arith.constant 176 : index
        %swap3A_247 = tpu.vector_load %arg6[%swap3A_245, %swap3A_246] {strides = array<i32>} : memref<16x512xi32, #tpu.memory_space<vmem>>, vector<16xi32>,
        tpu.vector_store %arg6[%swap3A_245, %swap3A_246], %convert_element_type3A_244 {strides = array<i32>} : memref<16x512xi32, #tpu.memory_space<vmem>>, vector<16xi32>,
        %get3A_248 = arith.index_cast %add3A_119 : i32 to index
        %get3A_249 = arith.constant 192 : index
        %get3A_250 = tpu.vector_load %arg4[%get3A_248, %get3A_249] {strides = array<i32>} : memref<16x512xi32, #tpu.memory_space<vmem>>, vector<16xi32>,
        %add3A_251 = arith.constant 1 : i32
        %add3A_252 = arith.addi %add3A_103, %add3A_251 : i32
        %eq3A_253 = vector.broadcast %add3A_252 : i32 to vector<16xi32>
        %eq3A_254 = arith.cmpi eq, %get3A_250, %eq3A_253 : vector<16xi32>
        %convert_element_type3A_255 = arith.extui %eq3A_254 : vector<16xi1> to vector<16xi32>
        %swap3A_256 = arith.index_cast %add3A_119 : i32 to index
        %swap3A_257 = arith.constant 192 : index
        %swap3A_258 = tpu.vector_load %arg6[%swap3A_256, %swap3A_257] {strides = array<i32>} : memref<16x512xi32, #tpu.memory_space<vmem>>, vector<16xi32>,
        tpu.vector_store %arg6[%swap3A_256, %swap3A_257], %convert_element_type3A_255 {strides = array<i32>} : memref<16x512xi32, #tpu.memory_space<vmem>>, vector<16xi32>,
        %get3A_259 = arith.index_cast %add3A_119 : i32 to index
        %get3A_260 = arith.constant 208 : index
        %get3A_261 = tpu.vector_load %arg4[%get3A_259, %get3A_260] {strides = array<i32>} : memref<16x512xi32, #tpu.memory_space<vmem>>, vector<16xi32>,
        %add3A_262 = arith.constant 1 : i32
        %add3A_263 = arith.addi %add3A_103, %add3A_262 : i32
        %eq3A_264 = vector.broadcast %add3A_263 : i32 to vector<16xi32>
        %eq3A_265 = arith.cmpi eq, %get3A_261, %eq3A_264 : vector<16xi32>
        %convert_element_type3A_266 = arith.extui %eq3A_265 : vector<16xi1> to vector<16xi32>
        %swap3A_267 = arith.index_cast %add3A_119 : i32 to index
        %swap3A_268 = arith.constant 208 : index
        %swap3A_269 = tpu.vector_load %arg6[%swap3A_267, %swap3A_268] {strides = array<i32>} : memref<16x512xi32, #tpu.memory_space<vmem>>, vector<16xi32>,
        tpu.vector_store %arg6[%swap3A_267, %swap3A_268], %convert_element_type3A_266 {strides = array<i32>} : memref<16x512xi32, #tpu.memory_space<vmem>>, vector<16xi32>,
        %get3A_270 = arith.index_cast %add3A_119 : i32 to index
        %get3A_271 = arith.constant 224 : index
        %get3A_272 = tpu.vector_load %arg4[%get3A_270, %get3A_271] {strides = array<i32>} : memref<16x512xi32, #tpu.memory_space<vmem>>, vector<16xi32>,
        %add3A_273 = arith.constant 1 : i32
        %add3A_274 = arith.addi %add3A_103, %add3A_273 : i32
        %eq3A_275 = vector.broadcast %add3A_274 : i32 to vector<16xi32>
        %eq3A_276 = arith.cmpi eq, %get3A_272, %eq3A_275 : vector<16xi32>
        %convert_element_type3A_277 = arith.extui %eq3A_276 : vector<16xi1> to vector<16xi32>
        %swap3A_278 = arith.index_cast %add3A_119 : i32 to index
        %swap3A_279 = arith.constant 224 : index
        %swap3A_280 = tpu.vector_load %arg6[%swap3A_278, %swap3A_279] {strides = array<i32>} : memref<16x512xi32, #tpu.memory_space<vmem>>, vector<16xi32>,
        tpu.vector_store %arg6[%swap3A_278, %swap3A_279], %convert_element_type3A_277 {strides = array<i32>} : memref<16x512xi32, #tpu.memory_space<vmem>>, vector<16xi32>,
        %get3A_281 = arith.index_cast %add3A_119 : i32 to index
        %get3A_282 = arith.constant 240 : index
        %get3A_283 = tpu.vector_load %arg4[%get3A_281, %get3A_282] {strides = array<i32>} : memref<16x512xi32, #tpu.memory_space<vmem>>, vector<16xi32>,
        %add3A_284 = arith.constant 1 : i32
        %add3A_285 = arith.addi %add3A_103, %add3A_284 : i32
        %eq3A_286 = vector.broadcast %add3A_285 : i32 to vector<16xi32>
        %eq3A_287 = arith.cmpi eq, %get3A_283, %eq3A_286 : vector<16xi32>
        %convert_element_type3A_288 = arith.extui %eq3A_287 : vector<16xi1> to vector<16xi32>
        %swap3A_289 = arith.index_cast %add3A_119 : i32 to index
        %swap3A_290 = arith.constant 240 : index
        %swap3A_291 = tpu.vector_load %arg6[%swap3A_289, %swap3A_290] {strides = array<i32>} : memref<16x512xi32, #tpu.memory_space<vmem>>, vector<16xi32>,
        tpu.vector_store %arg6[%swap3A_289, %swap3A_290], %convert_element_type3A_288 {strides = array<i32>} : memref<16x512xi32, #tpu.memory_space<vmem>>, vector<16xi32>,
        %get3A_292 = arith.index_cast %add3A_119 : i32 to index
        %get3A_293 = arith.constant 256 : index
        %get3A_294 = tpu.vector_load %arg4[%get3A_292, %get3A_293] {strides = array<i32>} : memref<16x512xi32, #tpu.memory_space<vmem>>, vector<16xi32>,
        %add3A_295 = arith.constant 1 : i32
        %add3A_296 = arith.addi %add3A_103, %add3A_295 : i32
        %eq3A_297 = vector.broadcast %add3A_296 : i32 to vector<16xi32>
        %eq3A_298 = arith.cmpi eq, %get3A_294, %eq3A_297 : vector<16xi32>
        %convert_element_type3A_299 = arith.extui %eq3A_298 : vector<16xi1> to vector<16xi32>
        %swap3A_300 = arith.index_cast %add3A_119 : i32 to index
        %swap3A_301 = arith.constant 256 : index
        %swap3A_302 = tpu.vector_load %arg6[%swap3A_300, %swap3A_301] {strides = array<i32>} : memref<16x512xi32, #tpu.memory_space<vmem>>, vector<16xi32>,
        tpu.vector_store %arg6[%swap3A_300, %swap3A_301], %convert_element_type3A_299 {strides = array<i32>} : memref<16x512xi32, #tpu.memory_space<vmem>>, vector<16xi32>,
        %get3A_303 = arith.index_cast %add3A_119 : i32 to index
        %get3A_304 = arith.constant 272 : index
        %get3A_305 = tpu.vector_load %arg4[%get3A_303, %get3A_304] {strides = array<i32>} : memref<16x512xi32, #tpu.memory_space<vmem>>, vector<16xi32>,
        %add3A_306 = arith.constant 1 : i32
        %add3A_307 = arith.addi %add3A_103, %add3A_306 : i32
        %eq3A_308 = vector.broadcast %add3A_307 : i32 to vector<16xi32>
        %eq3A_309 = arith.cmpi eq, %get3A_305, %eq3A_308 : vector<16xi32>
        %convert_element_type3A_310 = arith.extui %eq3A_309 : vector<16xi1> to vector<16xi32>
        %swap3A_311 = arith.index_cast %add3A_119 : i32 to index
        %swap3A_312 = arith.constant 272 : index
        %swap3A_313 = tpu.vector_load %arg6[%swap3A_311, %swap3A_312] {strides = array<i32>} : memref<16x512xi32, #tpu.memory_space<vmem>>, vector<16xi32>,
        tpu.vector_store %arg6[%swap3A_311, %swap3A_312], %convert_element_type3A_310 {strides = array<i32>} : memref<16x512xi32, #tpu.memory_space<vmem>>, vector<16xi32>,
        %get3A_314 = arith.index_cast %add3A_119 : i32 to index
        %get3A_315 = arith.constant 288 : index
        %get3A_316 = tpu.vector_load %arg4[%get3A_314, %get3A_315] {strides = array<i32>} : memref<16x512xi32, #tpu.memory_space<vmem>>, vector<16xi32>,
        %add3A_317 = arith.constant 1 : i32
        %add3A_318 = arith.addi %add3A_103, %add3A_317 : i32
        %eq3A_319 = vector.broadcast %add3A_318 : i32 to vector<16xi32>
        %eq3A_320 = arith.cmpi eq, %get3A_316, %eq3A_319 : vector<16xi32>
        %convert_element_type3A_321 = arith.extui %eq3A_320 : vector<16xi1> to vector<16xi32>
        %swap3A_322 = arith.index_cast %add3A_119 : i32 to index
        %swap3A_323 = arith.constant 288 : index
        %swap3A_324 = tpu.vector_load %arg6[%swap3A_322, %swap3A_323] {strides = array<i32>} : memref<16x512xi32, #tpu.memory_space<vmem>>, vector<16xi32>,
        tpu.vector_store %arg6[%swap3A_322, %swap3A_323], %convert_element_type3A_321 {strides = array<i32>} : memref<16x512xi32, #tpu.memory_space<vmem>>, vector<16xi32>,
        %get3A_325 = arith.index_cast %add3A_119 : i32 to index
        %get3A_326 = arith.constant 304 : index
        %get3A_327 = tpu.vector_load %arg4[%get3A_325, %get3A_326] {strides = array<i32>} : memref<16x512xi32, #tpu.memory_space<vmem>>, vector<16xi32>,
        %add3A_328 = arith.constant 1 : i32
        %add3A_329 = arith.addi %add3A_103, %add3A_328 : i32
        %eq3A_330 = vector.broadcast %add3A_329 : i32 to vector<16xi32>
        %eq3A_331 = arith.cmpi eq, %get3A_327, %eq3A_330 : vector<16xi32>
        %convert_element_type3A_332 = arith.extui %eq3A_331 : vector<16xi1> to vector<16xi32>
        %swap3A_333 = arith.index_cast %add3A_119 : i32 to index
        %swap3A_334 = arith.constant 304 : index
        %swap3A_335 = tpu.vector_load %arg6[%swap3A_333, %swap3A_334] {strides = array<i32>} : memref<16x512xi32, #tpu.memory_space<vmem>>, vector<16xi32>,
        tpu.vector_store %arg6[%swap3A_333, %swap3A_334], %convert_element_type3A_332 {strides = array<i32>} : memref<16x512xi32, #tpu.memory_space<vmem>>, vector<16xi32>,
        %get3A_336 = arith.index_cast %add3A_119 : i32 to index
        %get3A_337 = arith.constant 320 : index
        %get3A_338 = tpu.vector_load %arg4[%get3A_336, %get3A_337] {strides = array<i32>} : memref<16x512xi32, #tpu.memory_space<vmem>>, vector<16xi32>,
        %add3A_339 = arith.constant 1 : i32
        %add3A_340 = arith.addi %add3A_103, %add3A_339 : i32
        %eq3A_341 = vector.broadcast %add3A_340 : i32 to vector<16xi32>
        %eq3A_342 = arith.cmpi eq, %get3A_338, %eq3A_341 : vector<16xi32>
        %convert_element_type3A_343 = arith.extui %eq3A_342 : vector<16xi1> to vector<16xi32>
        %swap3A_344 = arith.index_cast %add3A_119 : i32 to index
        %swap3A_345 = arith.constant 320 : index
        %swap3A_346 = tpu.vector_load %arg6[%swap3A_344, %swap3A_345] {strides = array<i32>} : memref<16x512xi32, #tpu.memory_space<vmem>>, vector<16xi32>,
        tpu.vector_store %arg6[%swap3A_344, %swap3A_345], %convert_element_type3A_343 {strides = array<i32>} : memref<16x512xi32, #tpu.memory_space<vmem>>, vector<16xi32>,
        %get3A_347 = arith.index_cast %add3A_119 : i32 to index
        %get3A_348 = arith.constant 336 : index
        %get3A_349 = tpu.vector_load %arg4[%get3A_347, %get3A_348] {strides = array<i32>} : memref<16x512xi32, #tpu.memory_space<vmem>>, vector<16xi32>,
        %add3A_350 = arith.constant 1 : i32
        %add3A_351 = arith.addi %add3A_103, %add3A_350 : i32
        %eq3A_352 = vector.broadcast %add3A_351 : i32 to vector<16xi32>
        %eq3A_353 = arith.cmpi eq, %get3A_349, %eq3A_352 : vector<16xi32>
        %convert_element_type3A_354 = arith.extui %eq3A_353 : vector<16xi1> to vector<16xi32>
        %swap3A_355 = arith.index_cast %add3A_119 : i32 to index
        %swap3A_356 = arith.constant 336 : index
        %swap3A_357 = tpu.vector_load %arg6[%swap3A_355, %swap3A_356] {strides = array<i32>} : memref<16x512xi32, #tpu.memory_space<vmem>>, vector<16xi32>,
        tpu.vector_store %arg6[%swap3A_355, %swap3A_356], %convert_element_type3A_354 {strides = array<i32>} : memref<16x512xi32, #tpu.memory_space<vmem>>, vector<16xi32>,
        %get3A_358 = arith.index_cast %add3A_119 : i32 to index
        %get3A_359 = arith.constant 352 : index
        %get3A_360 = tpu.vector_load %arg4[%get3A_358, %get3A_359] {strides = array<i32>} : memref<16x512xi32, #tpu.memory_space<vmem>>, vector<16xi32>,
        %add3A_361 = arith.constant 1 : i32
        %add3A_362 = arith.addi %add3A_103, %add3A_361 : i32
        %eq3A_363 = vector.broadcast %add3A_362 : i32 to vector<16xi32>
        %eq3A_364 = arith.cmpi eq, %get3A_360, %eq3A_363 : vector<16xi32>
        %convert_element_type3A_365 = arith.extui %eq3A_364 : vector<16xi1> to vector<16xi32>
        %swap3A_366 = arith.index_cast %add3A_119 : i32 to index
        %swap3A_367 = arith.constant 352 : index
        %swap3A_368 = tpu.vector_load %arg6[%swap3A_366, %swap3A_367] {strides = array<i32>} : memref<16x512xi32, #tpu.memory_space<vmem>>, vector<16xi32>,
        tpu.vector_store %arg6[%swap3A_366, %swap3A_367], %convert_element_type3A_365 {strides = array<i32>} : memref<16x512xi32, #tpu.memory_space<vmem>>, vector<16xi32>,
        %get3A_369 = arith.index_cast %add3A_119 : i32 to index
        %get3A_370 = arith.constant 368 : index
        %get3A_371 = tpu.vector_load %arg4[%get3A_369, %get3A_370] {strides = array<i32>} : memref<16x512xi32, #tpu.memory_space<vmem>>, vector<16xi32>,
        %add3A_372 = arith.constant 1 : i32
        %add3A_373 = arith.addi %add3A_103, %add3A_372 : i32
        %eq3A_374 = vector.broadcast %add3A_373 : i32 to vector<16xi32>
        %eq3A_375 = arith.cmpi eq, %get3A_371, %eq3A_374 : vector<16xi32>
        %convert_element_type3A_376 = arith.extui %eq3A_375 : vector<16xi1> to vector<16xi32>
        %swap3A_377 = arith.index_cast %add3A_119 : i32 to index
        %swap3A_378 = arith.constant 368 : index
        %swap3A_379 = tpu.vector_load %arg6[%swap3A_377, %swap3A_378] {strides = array<i32>} : memref<16x512xi32, #tpu.memory_space<vmem>>, vector<16xi32>,
        tpu.vector_store %arg6[%swap3A_377, %swap3A_378], %convert_element_type3A_376 {strides = array<i32>} : memref<16x512xi32, #tpu.memory_space<vmem>>, vector<16xi32>,
        %get3A_380 = arith.index_cast %add3A_119 : i32 to index
        %get3A_381 = arith.constant 384 : index
        %get3A_382 = tpu.vector_load %arg4[%get3A_380, %get3A_381] {strides = array<i32>} : memref<16x512xi32, #tpu.memory_space<vmem>>, vector<16xi32>,
        %add3A_383 = arith.constant 1 : i32
        %add3A_384 = arith.addi %add3A_103, %add3A_383 : i32
        %eq3A_385 = vector.broadcast %add3A_384 : i32 to vector<16xi32>
        %eq3A_386 = arith.cmpi eq, %get3A_382, %eq3A_385 : vector<16xi32>
        %convert_element_type3A_387 = arith.extui %eq3A_386 : vector<16xi1> to vector<16xi32>
        %swap3A_388 = arith.index_cast %add3A_119 : i32 to index
        %swap3A_389 = arith.constant 384 : index
        %swap3A_390 = tpu.vector_load %arg6[%swap3A_388, %swap3A_389] {strides = array<i32>} : memref<16x512xi32, #tpu.memory_space<vmem>>, vector<16xi32>,
        tpu.vector_store %arg6[%swap3A_388, %swap3A_389], %convert_element_type3A_387 {strides = array<i32>} : memref<16x512xi32, #tpu.memory_space<vmem>>, vector<16xi32>,
        %get3A_391 = arith.index_cast %add3A_119 : i32 to index
        %get3A_392 = arith.constant 400 : index
        %get3A_393 = tpu.vector_load %arg4[%get3A_391, %get3A_392] {strides = array<i32>} : memref<16x512xi32, #tpu.memory_space<vmem>>, vector<16xi32>,
        %add3A_394 = arith.constant 1 : i32
        %add3A_395 = arith.addi %add3A_103, %add3A_394 : i32
        %eq3A_396 = vector.broadcast %add3A_395 : i32 to vector<16xi32>
        %eq3A_397 = arith.cmpi eq, %get3A_393, %eq3A_396 : vector<16xi32>
        %convert_element_type3A_398 = arith.extui %eq3A_397 : vector<16xi1> to vector<16xi32>
        %swap3A_399 = arith.index_cast %add3A_119 : i32 to index
        %swap3A_400 = arith.constant 400 : index
        %swap3A_401 = tpu.vector_load %arg6[%swap3A_399, %swap3A_400] {strides = array<i32>} : memref<16x512xi32, #tpu.memory_space<vmem>>, vector<16xi32>,
        tpu.vector_store %arg6[%swap3A_399, %swap3A_400], %convert_element_type3A_398 {strides = array<i32>} : memref<16x512xi32, #tpu.memory_space<vmem>>, vector<16xi32>,
        %get3A_402 = arith.index_cast %add3A_119 : i32 to index
        %get3A_403 = arith.constant 416 : index
        %get3A_404 = tpu.vector_load %arg4[%get3A_402, %get3A_403] {strides = array<i32>} : memref<16x512xi32, #tpu.memory_space<vmem>>, vector<16xi32>,
        %add3A_405 = arith.constant 1 : i32
        %add3A_406 = arith.addi %add3A_103, %add3A_405 : i32
        %eq3A_407 = vector.broadcast %add3A_406 : i32 to vector<16xi32>
        %eq3A_408 = arith.cmpi eq, %get3A_404, %eq3A_407 : vector<16xi32>
        %convert_element_type3A_409 = arith.extui %eq3A_408 : vector<16xi1> to vector<16xi32>
        %swap3A_410 = arith.index_cast %add3A_119 : i32 to index
        %swap3A_411 = arith.constant 416 : index
        %swap3A_412 = tpu.vector_load %arg6[%swap3A_410, %swap3A_411] {strides = array<i32>} : memref<16x512xi32, #tpu.memory_space<vmem>>, vector<16xi32>,
        tpu.vector_store %arg6[%swap3A_410, %swap3A_411], %convert_element_type3A_409 {strides = array<i32>} : memref<16x512xi32, #tpu.memory_space<vmem>>, vector<16xi32>,
        %get3A_413 = arith.index_cast %add3A_119 : i32 to index
        %get3A_414 = arith.constant 432 : index
        %get3A_415 = tpu.vector_load %arg4[%get3A_413, %get3A_414] {strides = array<i32>} : memref<16x512xi32, #tpu.memory_space<vmem>>, vector<16xi32>,
        %add3A_416 = arith.constant 1 : i32
        %add3A_417 = arith.addi %add3A_103, %add3A_416 : i32
        %eq3A_418 = vector.broadcast %add3A_417 : i32 to vector<16xi32>
        %eq3A_419 = arith.cmpi eq, %get3A_415, %eq3A_418 : vector<16xi32>
        %convert_element_type3A_420 = arith.extui %eq3A_419 : vector<16xi1> to vector<16xi32>
        %swap3A_421 = arith.index_cast %add3A_119 : i32 to index
        %swap3A_422 = arith.constant 432 : index
        %swap3A_423 = tpu.vector_load %arg6[%swap3A_421, %swap3A_422] {strides = array<i32>} : memref<16x512xi32, #tpu.memory_space<vmem>>, vector<16xi32>,
        tpu.vector_store %arg6[%swap3A_421, %swap3A_422], %convert_element_type3A_420 {strides = array<i32>} : memref<16x512xi32, #tpu.memory_space<vmem>>, vector<16xi32>,
        %get3A_424 = arith.index_cast %add3A_119 : i32 to index
        %get3A_425 = arith.constant 448 : index
        %get3A_426 = tpu.vector_load %arg4[%get3A_424, %get3A_425] {strides = array<i32>} : memref<16x512xi32, #tpu.memory_space<vmem>>, vector<16xi32>,
        %add3A_427 = arith.constant 1 : i32
        %add3A_428 = arith.addi %add3A_103, %add3A_427 : i32
        %eq3A_429 = vector.broadcast %add3A_428 : i32 to vector<16xi32>
        %eq3A_430 = arith.cmpi eq, %get3A_426, %eq3A_429 : vector<16xi32>
        %convert_element_type3A_431 = arith.extui %eq3A_430 : vector<16xi1> to vector<16xi32>
        %swap3A_432 = arith.index_cast %add3A_119 : i32 to index
        %swap3A_433 = arith.constant 448 : index
        %swap3A_434 = tpu.vector_load %arg6[%swap3A_432, %swap3A_433] {strides = array<i32>} : memref<16x512xi32, #tpu.memory_space<vmem>>, vector<16xi32>,
        tpu.vector_store %arg6[%swap3A_432, %swap3A_433], %convert_element_type3A_431 {strides = array<i32>} : memref<16x512xi32, #tpu.memory_space<vmem>>, vector<16xi32>,
        %get3A_435 = arith.index_cast %add3A_119 : i32 to index
        %get3A_436 = arith.constant 464 : index
        %get3A_437 = tpu.vector_load %arg4[%get3A_435, %get3A_436] {strides = array<i32>} : memref<16x512xi32, #tpu.memory_space<vmem>>, vector<16xi32>,
        %add3A_438 = arith.constant 1 : i32
        %add3A_439 = arith.addi %add3A_103, %add3A_438 : i32
        %eq3A_440 = vector.broadcast %add3A_439 : i32 to vector<16xi32>
        %eq3A_441 = arith.cmpi eq, %get3A_437, %eq3A_440 : vector<16xi32>
        %convert_element_type3A_442 = arith.extui %eq3A_441 : vector<16xi1> to vector<16xi32>
        %swap3A_443 = arith.index_cast %add3A_119 : i32 to index
        %swap3A_444 = arith.constant 464 : index
        %swap3A_445 = tpu.vector_load %arg6[%swap3A_443, %swap3A_444] {strides = array<i32>} : memref<16x512xi32, #tpu.memory_space<vmem>>, vector<16xi32>,
        tpu.vector_store %arg6[%swap3A_443, %swap3A_444], %convert_element_type3A_442 {strides = array<i32>} : memref<16x512xi32, #tpu.memory_space<vmem>>, vector<16xi32>,
        %get3A_446 = arith.index_cast %add3A_119 : i32 to index
        %get3A_447 = arith.constant 480 : index
        %get3A_448 = tpu.vector_load %arg4[%get3A_446, %get3A_447] {strides = array<i32>} : memref<16x512xi32, #tpu.memory_space<vmem>>, vector<16xi32>,
        %add3A_449 = arith.constant 1 : i32
        %add3A_450 = arith.addi %add3A_103, %add3A_449 : i32
        %eq3A_451 = vector.broadcast %add3A_450 : i32 to vector<16xi32>
        %eq3A_452 = arith.cmpi eq, %get3A_448, %eq3A_451 : vector<16xi32>
        %convert_element_type3A_453 = arith.extui %eq3A_452 : vector<16xi1> to vector<16xi32>
        %swap3A_454 = arith.index_cast %add3A_119 : i32 to index
        %swap3A_455 = arith.constant 480 : index
        %swap3A_456 = tpu.vector_load %arg6[%swap3A_454, %swap3A_455] {strides = array<i32>} : memref<16x512xi32, #tpu.memory_space<vmem>>, vector<16xi32>,
        tpu.vector_store %arg6[%swap3A_454, %swap3A_455], %convert_element_type3A_453 {strides = array<i32>} : memref<16x512xi32, #tpu.memory_space<vmem>>, vector<16xi32>,
        %get3A_457 = arith.index_cast %add3A_119 : i32 to index
        %get3A_458 = arith.constant 496 : index
        %get3A_459 = tpu.vector_load %arg4[%get3A_457, %get3A_458] {strides = array<i32>} : memref<16x512xi32, #tpu.memory_space<vmem>>, vector<16xi32>,
        %add3A_460 = arith.constant 1 : i32
        %add3A_461 = arith.addi %add3A_103, %add3A_460 : i32
        %eq3A_462 = vector.broadcast %add3A_461 : i32 to vector<16xi32>
        %eq3A_463 = arith.cmpi eq, %get3A_459, %eq3A_462 : vector<16xi32>
        %convert_element_type3A_464 = arith.extui %eq3A_463 : vector<16xi1> to vector<16xi32>
        %swap3A_465 = arith.index_cast %add3A_119 : i32 to index
        %swap3A_466 = arith.constant 496 : index
        %swap3A_467 = tpu.vector_load %arg6[%swap3A_465, %swap3A_466] {strides = array<i32>} : memref<16x512xi32, #tpu.memory_space<vmem>>, vector<16xi32>,
        tpu.vector_store %arg6[%swap3A_465, %swap3A_466], %convert_element_type3A_464 {strides = array<i32>} : memref<16x512xi32, #tpu.memory_space<vmem>>, vector<16xi32>,
      }
      %scan3A_108 = arith.constant 16 : i32
      %dma_start3A_109 = arith.constant 0 : i32
      %dma_start3A_110 = tpu.memref_slice %arg3[%add3A_103, %mul3A_2, %dma_start3A_109] : memref<63x512x512xi32, #tpu.memory_space<hbm>> -> memref<1x16x512xi32, #tpu.memory_space<hbm>>
      %dma_start3A_111 = tpu.memref_squeeze %dma_start3A_110 : memref<1x16x512xi32, #tpu.memory_space<hbm>> -> memref<16x512xi32, #tpu.memory_space<hbm>>
      %dma_start3A_112 = arith.constant 0 : i32
      %dma_start3A_113 = tpu.memref_slice %arg3[%add3A_103, %mul3A_2, %dma_start3A_112] : memref<63x512x512xi32, #tpu.memory_space<hbm>> -> memref<1x16x512xi32, #tpu.memory_space<hbm>>
      %dma_start3A_114 = tpu.memref_squeeze %dma_start3A_113 : memref<1x16x512xi32, #tpu.memory_space<hbm>> -> memref<16x512xi32, #tpu.memory_space<hbm>>
      tpu.enqueue_dma source(%arg6 : memref<16x512xi32, #tpu.memory_space<vmem>>) target(%dma_start3A_114 : memref<16x512xi32, #tpu.memory_space<hbm>>) target_semaphore(%arg8 : memref<!tpu.dma_semaphore, #tpu.memory_space<semaphore_mem>>)
    }
    %scan3A_31 = arith.constant 30 : i32
    %dma_wait3A = arith.constant 60 : i32
    %dma_wait3A_32 = arith.constant 0 : i32
    %dma_wait3A_33 = tpu.memref_slice %arg3[%dma_wait3A, %mul3A_2, %dma_wait3A_32] : memref<63x512x512xi32, #tpu.memory_space<hbm>> -> memref<1x16x512xi32, #tpu.memory_space<hbm>>
    %dma_wait3A_34 = tpu.memref_squeeze %dma_wait3A_33 : memref<1x16x512xi32, #tpu.memory_space<hbm>> -> memref<16x512xi32, #tpu.memory_space<hbm>>
    %dma_wait3A_35 = arith.constant 0 : i32
    %dma_wait3A_36 = tpu.memref_slice %arg3[%dma_wait3A, %mul3A_2, %dma_wait3A_35] : memref<63x512x512xi32, #tpu.memory_space<hbm>> -> memref<1x16x512xi32, #tpu.memory_space<hbm>>
    %dma_wait3A_37 = tpu.memref_squeeze %dma_wait3A_36 : memref<1x16x512xi32, #tpu.memory_space<hbm>> -> memref<16x512xi32, #tpu.memory_space<hbm>>
    tpu.wait_dma2 semaphore(%arg7 : memref<!tpu.dma_semaphore, #tpu.memory_space<semaphore_mem>>) src(%arg5 : memref<16x512xi32, #tpu.memory_space<vmem>>) dst(%dma_wait3A_37 : memref<16x512xi32, #tpu.memory_space<hbm>>)
    %scan3A_38 = arith.constant 62 : i32
    %scan3A_39 = arith.constant 0 : i32
    %scan3A_40 = arith.constant 16 : i32
    %scan3A_41 = arith.addi %scan3A_39, %scan3A_40 : i32
    %scan3A_42 = arith.constant 1 : i32
    scf.for %scan3A_65 = %scan3A_39 to %scan3A_41 step %scan3A_42  : i32 {
      %mul3A_66 = arith.constant 1 : i32
      %mul3A_67 = arith.muli %scan3A_65, %mul3A_66 : i32
      %add3A_68 = arith.constant 0 : i32
      %add3A_69 = arith.addi %add3A_68, %mul3A_67 : i32
      %get3A = arith.index_cast %add3A_69 : i32 to index
      %get3A_70 = arith.constant 0 : index
      %get3A_71 = tpu.vector_load %arg4[%get3A, %get3A_70] {strides = array<i32>} : memref<16x512xi32, #tpu.memory_space<vmem>>, vector<16xi32>,
      %add3A_72 = arith.constant 1 : i32
      %add3A_73 = arith.addi %scan3A_38, %add3A_72 : i32
      %eq3A = vector.broadcast %add3A_73 : i32 to vector<16xi32>
      %eq3A_74 = arith.cmpi eq, %get3A_71, %eq3A : vector<16xi32>
      %convert_element_type3A = arith.extui %eq3A_74 : vector<16xi1> to vector<16xi32>
      %swap3A = arith.index_cast %add3A_69 : i32 to index
      %swap3A_75 = arith.constant 0 : index
      %swap3A_76 = tpu.vector_load %arg5[%swap3A, %swap3A_75] {strides = array<i32>} : memref<16x512xi32, #tpu.memory_space<vmem>>, vector<16xi32>,
      tpu.vector_store %arg5[%swap3A, %swap3A_75], %convert_element_type3A {strides = array<i32>} : memref<16x512xi32, #tpu.memory_space<vmem>>, vector<16xi32>,
      %get3A_77 = arith.index_cast %add3A_69 : i32 to index
      %get3A_78 = arith.constant 16 : index
      %get3A_79 = tpu.vector_load %arg4[%get3A_77, %get3A_78] {strides = array<i32>} : memref<16x512xi32, #tpu.memory_space<vmem>>, vector<16xi32>,
      %add3A_80 = arith.constant 1 : i32
      %add3A_81 = arith.addi %scan3A_38, %add3A_80 : i32
      %eq3A_82 = vector.broadcast %add3A_81 : i32 to vector<16xi32>
      %eq3A_83 = arith.cmpi eq, %get3A_79, %eq3A_82 : vector<16xi32>
      %convert_element_type3A_84 = arith.extui %eq3A_83 : vector<16xi1> to vector<16xi32>
      %swap3A_85 = arith.index_cast %add3A_69 : i32 to index
      %swap3A_86 = arith.constant 16 : index
      %swap3A_87 = tpu.vector_load %arg5[%swap3A_85, %swap3A_86] {strides = array<i32>} : memref<16x512xi32, #tpu.memory_space<vmem>>, vector<16xi32>,
      tpu.vector_store %arg5[%swap3A_85, %swap3A_86], %convert_element_type3A_84 {strides = array<i32>} : memref<16x512xi32, #tpu.memory_space<vmem>>, vector<16xi32>,
      %get3A_88 = arith.index_cast %add3A_69 : i32 to index
      %get3A_89 = arith.constant 32 : index
      %get3A_90 = tpu.vector_load %arg4[%get3A_88, %get3A_89] {strides = array<i32>} : memref<16x512xi32, #tpu.memory_space<vmem>>, vector<16xi32>,
      %add3A_91 = arith.constant 1 : i32
      %add3A_92 = arith.addi %scan3A_38, %add3A_91 : i32
      %eq3A_93 = vector.broadcast %add3A_92 : i32 to vector<16xi32>
      %eq3A_94 = arith.cmpi eq, %get3A_90, %eq3A_93 : vector<16xi32>
      %convert_element_type3A_95 = arith.extui %eq3A_94 : vector<16xi1> to vector<16xi32>
      %swap3A_96 = arith.index_cast %add3A_69 : i32 to index
      %swap3A_97 = arith.constant 32 : index
      %swap3A_98 = tpu.vector_load %arg5[%swap3A_96, %swap3A_97] {strides = array<i32>} : memref<16x512xi32, #tpu.memory_space<vmem>>, vector<16xi32>,
      tpu.vector_store %arg5[%swap3A_96, %swap3A_97], %convert_element_type3A_95 {strides = array<i32>} : memref<16x512xi32, #tpu.memory_space<vmem>>, vector<16xi32>,
      %get3A_99 = arith.index_cast %add3A_69 : i32 to index
      %get3A_100 = arith.constant 48 : index
      %get3A_101 = tpu.vector_load %arg4[%get3A_99, %get3A_100] {strides = array<i32>} : memref<16x512xi32, #tpu.memory_space<vmem>>, vector<16xi32>,
      %add3A_102 = arith.constant 1 : i32
      %add3A_103 = arith.addi %scan3A_38, %add3A_102 : i32
      %eq3A_104 = vector.broadcast %add3A_103 : i32 to vector<16xi32>
      %eq3A_105 = arith.cmpi eq, %get3A_101, %eq3A_104 : vector<16xi32>
      %convert_element_type3A_106 = arith.extui %eq3A_105 : vector<16xi1> to vector<16xi32>
      %swap3A_107 = arith.index_cast %add3A_69 : i32 to index
      %swap3A_108 = arith.constant 48 : index
      %swap3A_109 = tpu.vector_load %arg5[%swap3A_107, %swap3A_108] {strides = array<i32>} : memref<16x512xi32, #tpu.memory_space<vmem>>, vector<16xi32>,
      tpu.vector_store %arg5[%swap3A_107, %swap3A_108], %convert_element_type3A_106 {strides = array<i32>} : memref<16x512xi32, #tpu.memory_space<vmem>>, vector<16xi32>,
      %get3A_110 = arith.index_cast %add3A_69 : i32 to index
      %get3A_111 = arith.constant 64 : index
      %get3A_112 = tpu.vector_load %arg4[%get3A_110, %get3A_111] {strides = array<i32>} : memref<16x512xi32, #tpu.memory_space<vmem>>, vector<16xi32>,
      %add3A_113 = arith.constant 1 : i32
      %add3A_114 = arith.addi %scan3A_38, %add3A_113 : i32
      %eq3A_115 = vector.broadcast %add3A_114 : i32 to vector<16xi32>
      %eq3A_116 = arith.cmpi eq, %get3A_112, %eq3A_115 : vector<16xi32>
      %convert_element_type3A_117 = arith.extui %eq3A_116 : vector<16xi1> to vector<16xi32>
      %swap3A_118 = arith.index_cast %add3A_69 : i32 to index
      %swap3A_119 = arith.constant 64 : index
      %swap3A_120 = tpu.vector_load %arg5[%swap3A_118, %swap3A_119] {strides = array<i32>} : memref<16x512xi32, #tpu.memory_space<vmem>>, vector<16xi32>,
      tpu.vector_store %arg5[%swap3A_118, %swap3A_119], %convert_element_type3A_117 {strides = array<i32>} : memref<16x512xi32, #tpu.memory_space<vmem>>, vector<16xi32>,
      %get3A_121 = arith.index_cast %add3A_69 : i32 to index
      %get3A_122 = arith.constant 80 : index
      %get3A_123 = tpu.vector_load %arg4[%get3A_121, %get3A_122] {strides = array<i32>} : memref<16x512xi32, #tpu.memory_space<vmem>>, vector<16xi32>,
      %add3A_124 = arith.constant 1 : i32
      %add3A_125 = arith.addi %scan3A_38, %add3A_124 : i32
      %eq3A_126 = vector.broadcast %add3A_125 : i32 to vector<16xi32>
      %eq3A_127 = arith.cmpi eq, %get3A_123, %eq3A_126 : vector<16xi32>
      %convert_element_type3A_128 = arith.extui %eq3A_127 : vector<16xi1> to vector<16xi32>
      %swap3A_129 = arith.index_cast %add3A_69 : i32 to index
      %swap3A_130 = arith.constant 80 : index
      %swap3A_131 = tpu.vector_load %arg5[%swap3A_129, %swap3A_130] {strides = array<i32>} : memref<16x512xi32, #tpu.memory_space<vmem>>, vector<16xi32>,
      tpu.vector_store %arg5[%swap3A_129, %swap3A_130], %convert_element_type3A_128 {strides = array<i32>} : memref<16x512xi32, #tpu.memory_space<vmem>>, vector<16xi32>,
      %get3A_132 = arith.index_cast %add3A_69 : i32 to index
      %get3A_133 = arith.constant 96 : index
      %get3A_134 = tpu.vector_load %arg4[%get3A_132, %get3A_133] {strides = array<i32>} : memref<16x512xi32, #tpu.memory_space<vmem>>, vector<16xi32>,
      %add3A_135 = arith.constant 1 : i32
      %add3A_136 = arith.addi %scan3A_38, %add3A_135 : i32
      %eq3A_137 = vector.broadcast %add3A_136 : i32 to vector<16xi32>
      %eq3A_138 = arith.cmpi eq, %get3A_134, %eq3A_137 : vector<16xi32>
      %convert_element_type3A_139 = arith.extui %eq3A_138 : vector<16xi1> to vector<16xi32>
      %swap3A_140 = arith.index_cast %add3A_69 : i32 to index
      %swap3A_141 = arith.constant 96 : index
      %swap3A_142 = tpu.vector_load %arg5[%swap3A_140, %swap3A_141] {strides = array<i32>} : memref<16x512xi32, #tpu.memory_space<vmem>>, vector<16xi32>,
      tpu.vector_store %arg5[%swap3A_140, %swap3A_141], %convert_element_type3A_139 {strides = array<i32>} : memref<16x512xi32, #tpu.memory_space<vmem>>, vector<16xi32>,
      %get3A_143 = arith.index_cast %add3A_69 : i32 to index
      %get3A_144 = arith.constant 112 : index
      %get3A_145 = tpu.vector_load %arg4[%get3A_143, %get3A_144] {strides = array<i32>} : memref<16x512xi32, #tpu.memory_space<vmem>>, vector<16xi32>,
      %add3A_146 = arith.constant 1 : i32
      %add3A_147 = arith.addi %scan3A_38, %add3A_146 : i32
      %eq3A_148 = vector.broadcast %add3A_147 : i32 to vector<16xi32>
      %eq3A_149 = arith.cmpi eq, %get3A_145, %eq3A_148 : vector<16xi32>
      %convert_element_type3A_150 = arith.extui %eq3A_149 : vector<16xi1> to vector<16xi32>
      %swap3A_151 = arith.index_cast %add3A_69 : i32 to index
      %swap3A_152 = arith.constant 112 : index
      %swap3A_153 = tpu.vector_load %arg5[%swap3A_151, %swap3A_152] {strides = array<i32>} : memref<16x512xi32, #tpu.memory_space<vmem>>, vector<16xi32>,
      tpu.vector_store %arg5[%swap3A_151, %swap3A_152], %convert_element_type3A_150 {strides = array<i32>} : memref<16x512xi32, #tpu.memory_space<vmem>>, vector<16xi32>,
      %get3A_154 = arith.index_cast %add3A_69 : i32 to index
      %get3A_155 = arith.constant 128 : index
      %get3A_156 = tpu.vector_load %arg4[%get3A_154, %get3A_155] {strides = array<i32>} : memref<16x512xi32, #tpu.memory_space<vmem>>, vector<16xi32>,
      %add3A_157 = arith.constant 1 : i32
      %add3A_158 = arith.addi %scan3A_38, %add3A_157 : i32
      %eq3A_159 = vector.broadcast %add3A_158 : i32 to vector<16xi32>
      %eq3A_160 = arith.cmpi eq, %get3A_156, %eq3A_159 : vector<16xi32>
      %convert_element_type3A_161 = arith.extui %eq3A_160 : vector<16xi1> to vector<16xi32>
      %swap3A_162 = arith.index_cast %add3A_69 : i32 to index
      %swap3A_163 = arith.constant 128 : index
      %swap3A_164 = tpu.vector_load %arg5[%swap3A_162, %swap3A_163] {strides = array<i32>} : memref<16x512xi32, #tpu.memory_space<vmem>>, vector<16xi32>,
      tpu.vector_store %arg5[%swap3A_162, %swap3A_163], %convert_element_type3A_161 {strides = array<i32>} : memref<16x512xi32, #tpu.memory_space<vmem>>, vector<16xi32>,
      %get3A_165 = arith.index_cast %add3A_69 : i32 to index
      %get3A_166 = arith.constant 144 : index
      %get3A_167 = tpu.vector_load %arg4[%get3A_165, %get3A_166] {strides = array<i32>} : memref<16x512xi32, #tpu.memory_space<vmem>>, vector<16xi32>,
      %add3A_168 = arith.constant 1 : i32
      %add3A_169 = arith.addi %scan3A_38, %add3A_168 : i32
      %eq3A_170 = vector.broadcast %add3A_169 : i32 to vector<16xi32>
      %eq3A_171 = arith.cmpi eq, %get3A_167, %eq3A_170 : vector<16xi32>
      %convert_element_type3A_172 = arith.extui %eq3A_171 : vector<16xi1> to vector<16xi32>
      %swap3A_173 = arith.index_cast %add3A_69 : i32 to index
      %swap3A_174 = arith.constant 144 : index
      %swap3A_175 = tpu.vector_load %arg5[%swap3A_173, %swap3A_174] {strides = array<i32>} : memref<16x512xi32, #tpu.memory_space<vmem>>, vector<16xi32>,
      tpu.vector_store %arg5[%swap3A_173, %swap3A_174], %convert_element_type3A_172 {strides = array<i32>} : memref<16x512xi32, #tpu.memory_space<vmem>>, vector<16xi32>,
      %get3A_176 = arith.index_cast %add3A_69 : i32 to index
      %get3A_177 = arith.constant 160 : index
      %get3A_178 = tpu.vector_load %arg4[%get3A_176, %get3A_177] {strides = array<i32>} : memref<16x512xi32, #tpu.memory_space<vmem>>, vector<16xi32>,
      %add3A_179 = arith.constant 1 : i32
      %add3A_180 = arith.addi %scan3A_38, %add3A_179 : i32
      %eq3A_181 = vector.broadcast %add3A_180 : i32 to vector<16xi32>
      %eq3A_182 = arith.cmpi eq, %get3A_178, %eq3A_181 : vector<16xi32>
      %convert_element_type3A_183 = arith.extui %eq3A_182 : vector<16xi1> to vector<16xi32>
      %swap3A_184 = arith.index_cast %add3A_69 : i32 to index
      %swap3A_185 = arith.constant 160 : index
      %swap3A_186 = tpu.vector_load %arg5[%swap3A_184, %swap3A_185] {strides = array<i32>} : memref<16x512xi32, #tpu.memory_space<vmem>>, vector<16xi32>,
      tpu.vector_store %arg5[%swap3A_184, %swap3A_185], %convert_element_type3A_183 {strides = array<i32>} : memref<16x512xi32, #tpu.memory_space<vmem>>, vector<16xi32>,
      %get3A_187 = arith.index_cast %add3A_69 : i32 to index
      %get3A_188 = arith.constant 176 : index
      %get3A_189 = tpu.vector_load %arg4[%get3A_187, %get3A_188] {strides = array<i32>} : memref<16x512xi32, #tpu.memory_space<vmem>>, vector<16xi32>,
      %add3A_190 = arith.constant 1 : i32
      %add3A_191 = arith.addi %scan3A_38, %add3A_190 : i32
      %eq3A_192 = vector.broadcast %add3A_191 : i32 to vector<16xi32>
      %eq3A_193 = arith.cmpi eq, %get3A_189, %eq3A_192 : vector<16xi32>
      %convert_element_type3A_194 = arith.extui %eq3A_193 : vector<16xi1> to vector<16xi32>
      %swap3A_195 = arith.index_cast %add3A_69 : i32 to index
      %swap3A_196 = arith.constant 176 : index
      %swap3A_197 = tpu.vector_load %arg5[%swap3A_195, %swap3A_196] {strides = array<i32>} : memref<16x512xi32, #tpu.memory_space<vmem>>, vector<16xi32>,
      tpu.vector_store %arg5[%swap3A_195, %swap3A_196], %convert_element_type3A_194 {strides = array<i32>} : memref<16x512xi32, #tpu.memory_space<vmem>>, vector<16xi32>,
      %get3A_198 = arith.index_cast %add3A_69 : i32 to index
      %get3A_199 = arith.constant 192 : index
      %get3A_200 = tpu.vector_load %arg4[%get3A_198, %get3A_199] {strides = array<i32>} : memref<16x512xi32, #tpu.memory_space<vmem>>, vector<16xi32>,
      %add3A_201 = arith.constant 1 : i32
      %add3A_202 = arith.addi %scan3A_38, %add3A_201 : i32
      %eq3A_203 = vector.broadcast %add3A_202 : i32 to vector<16xi32>
      %eq3A_204 = arith.cmpi eq, %get3A_200, %eq3A_203 : vector<16xi32>
      %convert_element_type3A_205 = arith.extui %eq3A_204 : vector<16xi1> to vector<16xi32>
      %swap3A_206 = arith.index_cast %add3A_69 : i32 to index
      %swap3A_207 = arith.constant 192 : index
      %swap3A_208 = tpu.vector_load %arg5[%swap3A_206, %swap3A_207] {strides = array<i32>} : memref<16x512xi32, #tpu.memory_space<vmem>>, vector<16xi32>,
      tpu.vector_store %arg5[%swap3A_206, %swap3A_207], %convert_element_type3A_205 {strides = array<i32>} : memref<16x512xi32, #tpu.memory_space<vmem>>, vector<16xi32>,
      %get3A_209 = arith.index_cast %add3A_69 : i32 to index
      %get3A_210 = arith.constant 208 : index
      %get3A_211 = tpu.vector_load %arg4[%get3A_209, %get3A_210] {strides = array<i32>} : memref<16x512xi32, #tpu.memory_space<vmem>>, vector<16xi32>,
      %add3A_212 = arith.constant 1 : i32
      %add3A_213 = arith.addi %scan3A_38, %add3A_212 : i32
      %eq3A_214 = vector.broadcast %add3A_213 : i32 to vector<16xi32>
      %eq3A_215 = arith.cmpi eq, %get3A_211, %eq3A_214 : vector<16xi32>
      %convert_element_type3A_216 = arith.extui %eq3A_215 : vector<16xi1> to vector<16xi32>
      %swap3A_217 = arith.index_cast %add3A_69 : i32 to index
      %swap3A_218 = arith.constant 208 : index
      %swap3A_219 = tpu.vector_load %arg5[%swap3A_217, %swap3A_218] {strides = array<i32>} : memref<16x512xi32, #tpu.memory_space<vmem>>, vector<16xi32>,
      tpu.vector_store %arg5[%swap3A_217, %swap3A_218], %convert_element_type3A_216 {strides = array<i32>} : memref<16x512xi32, #tpu.memory_space<vmem>>, vector<16xi32>,
      %get3A_220 = arith.index_cast %add3A_69 : i32 to index
      %get3A_221 = arith.constant 224 : index
      %get3A_222 = tpu.vector_load %arg4[%get3A_220, %get3A_221] {strides = array<i32>} : memref<16x512xi32, #tpu.memory_space<vmem>>, vector<16xi32>,
      %add3A_223 = arith.constant 1 : i32
      %add3A_224 = arith.addi %scan3A_38, %add3A_223 : i32
      %eq3A_225 = vector.broadcast %add3A_224 : i32 to vector<16xi32>
      %eq3A_226 = arith.cmpi eq, %get3A_222, %eq3A_225 : vector<16xi32>
      %convert_element_type3A_227 = arith.extui %eq3A_226 : vector<16xi1> to vector<16xi32>
      %swap3A_228 = arith.index_cast %add3A_69 : i32 to index
      %swap3A_229 = arith.constant 224 : index
      %swap3A_230 = tpu.vector_load %arg5[%swap3A_228, %swap3A_229] {strides = array<i32>} : memref<16x512xi32, #tpu.memory_space<vmem>>, vector<16xi32>,
      tpu.vector_store %arg5[%swap3A_228, %swap3A_229], %convert_element_type3A_227 {strides = array<i32>} : memref<16x512xi32, #tpu.memory_space<vmem>>, vector<16xi32>,
      %get3A_231 = arith.index_cast %add3A_69 : i32 to index
      %get3A_232 = arith.constant 240 : index
      %get3A_233 = tpu.vector_load %arg4[%get3A_231, %get3A_232] {strides = array<i32>} : memref<16x512xi32, #tpu.memory_space<vmem>>, vector<16xi32>,
      %add3A_234 = arith.constant 1 : i32
      %add3A_235 = arith.addi %scan3A_38, %add3A_234 : i32
      %eq3A_236 = vector.broadcast %add3A_235 : i32 to vector<16xi32>
      %eq3A_237 = arith.cmpi eq, %get3A_233, %eq3A_236 : vector<16xi32>
      %convert_element_type3A_238 = arith.extui %eq3A_237 : vector<16xi1> to vector<16xi32>
      %swap3A_239 = arith.index_cast %add3A_69 : i32 to index
      %swap3A_240 = arith.constant 240 : index
      %swap3A_241 = tpu.vector_load %arg5[%swap3A_239, %swap3A_240] {strides = array<i32>} : memref<16x512xi32, #tpu.memory_space<vmem>>, vector<16xi32>,
      tpu.vector_store %arg5[%swap3A_239, %swap3A_240], %convert_element_type3A_238 {strides = array<i32>} : memref<16x512xi32, #tpu.memory_space<vmem>>, vector<16xi32>,
      %get3A_242 = arith.index_cast %add3A_69 : i32 to index
      %get3A_243 = arith.constant 256 : index
      %get3A_244 = tpu.vector_load %arg4[%get3A_242, %get3A_243] {strides = array<i32>} : memref<16x512xi32, #tpu.memory_space<vmem>>, vector<16xi32>,
      %add3A_245 = arith.constant 1 : i32
      %add3A_246 = arith.addi %scan3A_38, %add3A_245 : i32
      %eq3A_247 = vector.broadcast %add3A_246 : i32 to vector<16xi32>
      %eq3A_248 = arith.cmpi eq, %get3A_244, %eq3A_247 : vector<16xi32>
      %convert_element_type3A_249 = arith.extui %eq3A_248 : vector<16xi1> to vector<16xi32>
      %swap3A_250 = arith.index_cast %add3A_69 : i32 to index
      %swap3A_251 = arith.constant 256 : index
      %swap3A_252 = tpu.vector_load %arg5[%swap3A_250, %swap3A_251] {strides = array<i32>} : memref<16x512xi32, #tpu.memory_space<vmem>>, vector<16xi32>,
      tpu.vector_store %arg5[%swap3A_250, %swap3A_251], %convert_element_type3A_249 {strides = array<i32>} : memref<16x512xi32, #tpu.memory_space<vmem>>, vector<16xi32>,
      %get3A_253 = arith.index_cast %add3A_69 : i32 to index
      %get3A_254 = arith.constant 272 : index
      %get3A_255 = tpu.vector_load %arg4[%get3A_253, %get3A_254] {strides = array<i32>} : memref<16x512xi32, #tpu.memory_space<vmem>>, vector<16xi32>,
      %add3A_256 = arith.constant 1 : i32
      %add3A_257 = arith.addi %scan3A_38, %add3A_256 : i32
      %eq3A_258 = vector.broadcast %add3A_257 : i32 to vector<16xi32>
      %eq3A_259 = arith.cmpi eq, %get3A_255, %eq3A_258 : vector<16xi32>
      %convert_element_type3A_260 = arith.extui %eq3A_259 : vector<16xi1> to vector<16xi32>
      %swap3A_261 = arith.index_cast %add3A_69 : i32 to index
      %swap3A_262 = arith.constant 272 : index
      %swap3A_263 = tpu.vector_load %arg5[%swap3A_261, %swap3A_262] {strides = array<i32>} : memref<16x512xi32, #tpu.memory_space<vmem>>, vector<16xi32>,
      tpu.vector_store %arg5[%swap3A_261, %swap3A_262], %convert_element_type3A_260 {strides = array<i32>} : memref<16x512xi32, #tpu.memory_space<vmem>>, vector<16xi32>,
      %get3A_264 = arith.index_cast %add3A_69 : i32 to index
      %get3A_265 = arith.constant 288 : index
      %get3A_266 = tpu.vector_load %arg4[%get3A_264, %get3A_265] {strides = array<i32>} : memref<16x512xi32, #tpu.memory_space<vmem>>, vector<16xi32>,
      %add3A_267 = arith.constant 1 : i32
      %add3A_268 = arith.addi %scan3A_38, %add3A_267 : i32
      %eq3A_269 = vector.broadcast %add3A_268 : i32 to vector<16xi32>
      %eq3A_270 = arith.cmpi eq, %get3A_266, %eq3A_269 : vector<16xi32>
      %convert_element_type3A_271 = arith.extui %eq3A_270 : vector<16xi1> to vector<16xi32>
      %swap3A_272 = arith.index_cast %add3A_69 : i32 to index
      %swap3A_273 = arith.constant 288 : index
      %swap3A_274 = tpu.vector_load %arg5[%swap3A_272, %swap3A_273] {strides = array<i32>} : memref<16x512xi32, #tpu.memory_space<vmem>>, vector<16xi32>,
      tpu.vector_store %arg5[%swap3A_272, %swap3A_273], %convert_element_type3A_271 {strides = array<i32>} : memref<16x512xi32, #tpu.memory_space<vmem>>, vector<16xi32>,
      %get3A_275 = arith.index_cast %add3A_69 : i32 to index
      %get3A_276 = arith.constant 304 : index
      %get3A_277 = tpu.vector_load %arg4[%get3A_275, %get3A_276] {strides = array<i32>} : memref<16x512xi32, #tpu.memory_space<vmem>>, vector<16xi32>,
      %add3A_278 = arith.constant 1 : i32
      %add3A_279 = arith.addi %scan3A_38, %add3A_278 : i32
      %eq3A_280 = vector.broadcast %add3A_279 : i32 to vector<16xi32>
      %eq3A_281 = arith.cmpi eq, %get3A_277, %eq3A_280 : vector<16xi32>
      %convert_element_type3A_282 = arith.extui %eq3A_281 : vector<16xi1> to vector<16xi32>
      %swap3A_283 = arith.index_cast %add3A_69 : i32 to index
      %swap3A_284 = arith.constant 304 : index
      %swap3A_285 = tpu.vector_load %arg5[%swap3A_283, %swap3A_284] {strides = array<i32>} : memref<16x512xi32, #tpu.memory_space<vmem>>, vector<16xi32>,
      tpu.vector_store %arg5[%swap3A_283, %swap3A_284], %convert_element_type3A_282 {strides = array<i32>} : memref<16x512xi32, #tpu.memory_space<vmem>>, vector<16xi32>,
      %get3A_286 = arith.index_cast %add3A_69 : i32 to index
      %get3A_287 = arith.constant 320 : index
      %get3A_288 = tpu.vector_load %arg4[%get3A_286, %get3A_287] {strides = array<i32>} : memref<16x512xi32, #tpu.memory_space<vmem>>, vector<16xi32>,
      %add3A_289 = arith.constant 1 : i32
      %add3A_290 = arith.addi %scan3A_38, %add3A_289 : i32
      %eq3A_291 = vector.broadcast %add3A_290 : i32 to vector<16xi32>
      %eq3A_292 = arith.cmpi eq, %get3A_288, %eq3A_291 : vector<16xi32>
      %convert_element_type3A_293 = arith.extui %eq3A_292 : vector<16xi1> to vector<16xi32>
      %swap3A_294 = arith.index_cast %add3A_69 : i32 to index
      %swap3A_295 = arith.constant 320 : index
      %swap3A_296 = tpu.vector_load %arg5[%swap3A_294, %swap3A_295] {strides = array<i32>} : memref<16x512xi32, #tpu.memory_space<vmem>>, vector<16xi32>,
      tpu.vector_store %arg5[%swap3A_294, %swap3A_295], %convert_element_type3A_293 {strides = array<i32>} : memref<16x512xi32, #tpu.memory_space<vmem>>, vector<16xi32>,
      %get3A_297 = arith.index_cast %add3A_69 : i32 to index
      %get3A_298 = arith.constant 336 : index
      %get3A_299 = tpu.vector_load %arg4[%get3A_297, %get3A_298] {strides = array<i32>} : memref<16x512xi32, #tpu.memory_space<vmem>>, vector<16xi32>,
      %add3A_300 = arith.constant 1 : i32
      %add3A_301 = arith.addi %scan3A_38, %add3A_300 : i32
      %eq3A_302 = vector.broadcast %add3A_301 : i32 to vector<16xi32>
      %eq3A_303 = arith.cmpi eq, %get3A_299, %eq3A_302 : vector<16xi32>
      %convert_element_type3A_304 = arith.extui %eq3A_303 : vector<16xi1> to vector<16xi32>
      %swap3A_305 = arith.index_cast %add3A_69 : i32 to index
      %swap3A_306 = arith.constant 336 : index
      %swap3A_307 = tpu.vector_load %arg5[%swap3A_305, %swap3A_306] {strides = array<i32>} : memref<16x512xi32, #tpu.memory_space<vmem>>, vector<16xi32>,
      tpu.vector_store %arg5[%swap3A_305, %swap3A_306], %convert_element_type3A_304 {strides = array<i32>} : memref<16x512xi32, #tpu.memory_space<vmem>>, vector<16xi32>,
      %get3A_308 = arith.index_cast %add3A_69 : i32 to index
      %get3A_309 = arith.constant 352 : index
      %get3A_310 = tpu.vector_load %arg4[%get3A_308, %get3A_309] {strides = array<i32>} : memref<16x512xi32, #tpu.memory_space<vmem>>, vector<16xi32>,
      %add3A_311 = arith.constant 1 : i32
      %add3A_312 = arith.addi %scan3A_38, %add3A_311 : i32
      %eq3A_313 = vector.broadcast %add3A_312 : i32 to vector<16xi32>
      %eq3A_314 = arith.cmpi eq, %get3A_310, %eq3A_313 : vector<16xi32>
      %convert_element_type3A_315 = arith.extui %eq3A_314 : vector<16xi1> to vector<16xi32>
      %swap3A_316 = arith.index_cast %add3A_69 : i32 to index
      %swap3A_317 = arith.constant 352 : index
      %swap3A_318 = tpu.vector_load %arg5[%swap3A_316, %swap3A_317] {strides = array<i32>} : memref<16x512xi32, #tpu.memory_space<vmem>>, vector<16xi32>,
      tpu.vector_store %arg5[%swap3A_316, %swap3A_317], %convert_element_type3A_315 {strides = array<i32>} : memref<16x512xi32, #tpu.memory_space<vmem>>, vector<16xi32>,
      %get3A_319 = arith.index_cast %add3A_69 : i32 to index
      %get3A_320 = arith.constant 368 : index
      %get3A_321 = tpu.vector_load %arg4[%get3A_319, %get3A_320] {strides = array<i32>} : memref<16x512xi32, #tpu.memory_space<vmem>>, vector<16xi32>,
      %add3A_322 = arith.constant 1 : i32
      %add3A_323 = arith.addi %scan3A_38, %add3A_322 : i32
      %eq3A_324 = vector.broadcast %add3A_323 : i32 to vector<16xi32>
      %eq3A_325 = arith.cmpi eq, %get3A_321, %eq3A_324 : vector<16xi32>
      %convert_element_type3A_326 = arith.extui %eq3A_325 : vector<16xi1> to vector<16xi32>
      %swap3A_327 = arith.index_cast %add3A_69 : i32 to index
      %swap3A_328 = arith.constant 368 : index
      %swap3A_329 = tpu.vector_load %arg5[%swap3A_327, %swap3A_328] {strides = array<i32>} : memref<16x512xi32, #tpu.memory_space<vmem>>, vector<16xi32>,
      tpu.vector_store %arg5[%swap3A_327, %swap3A_328], %convert_element_type3A_326 {strides = array<i32>} : memref<16x512xi32, #tpu.memory_space<vmem>>, vector<16xi32>,
      %get3A_330 = arith.index_cast %add3A_69 : i32 to index
      %get3A_331 = arith.constant 384 : index
      %get3A_332 = tpu.vector_load %arg4[%get3A_330, %get3A_331] {strides = array<i32>} : memref<16x512xi32, #tpu.memory_space<vmem>>, vector<16xi32>,
      %add3A_333 = arith.constant 1 : i32
      %add3A_334 = arith.addi %scan3A_38, %add3A_333 : i32
      %eq3A_335 = vector.broadcast %add3A_334 : i32 to vector<16xi32>
      %eq3A_336 = arith.cmpi eq, %get3A_332, %eq3A_335 : vector<16xi32>
      %convert_element_type3A_337 = arith.extui %eq3A_336 : vector<16xi1> to vector<16xi32>
      %swap3A_338 = arith.index_cast %add3A_69 : i32 to index
      %swap3A_339 = arith.constant 384 : index
      %swap3A_340 = tpu.vector_load %arg5[%swap3A_338, %swap3A_339] {strides = array<i32>} : memref<16x512xi32, #tpu.memory_space<vmem>>, vector<16xi32>,
      tpu.vector_store %arg5[%swap3A_338, %swap3A_339], %convert_element_type3A_337 {strides = array<i32>} : memref<16x512xi32, #tpu.memory_space<vmem>>, vector<16xi32>,
      %get3A_341 = arith.index_cast %add3A_69 : i32 to index
      %get3A_342 = arith.constant 400 : index
      %get3A_343 = tpu.vector_load %arg4[%get3A_341, %get3A_342] {strides = array<i32>} : memref<16x512xi32, #tpu.memory_space<vmem>>, vector<16xi32>,
      %add3A_344 = arith.constant 1 : i32
      %add3A_345 = arith.addi %scan3A_38, %add3A_344 : i32
      %eq3A_346 = vector.broadcast %add3A_345 : i32 to vector<16xi32>
      %eq3A_347 = arith.cmpi eq, %get3A_343, %eq3A_346 : vector<16xi32>
      %convert_element_type3A_348 = arith.extui %eq3A_347 : vector<16xi1> to vector<16xi32>
      %swap3A_349 = arith.index_cast %add3A_69 : i32 to index
      %swap3A_350 = arith.constant 400 : index
      %swap3A_351 = tpu.vector_load %arg5[%swap3A_349, %swap3A_350] {strides = array<i32>} : memref<16x512xi32, #tpu.memory_space<vmem>>, vector<16xi32>,
      tpu.vector_store %arg5[%swap3A_349, %swap3A_350], %convert_element_type3A_348 {strides = array<i32>} : memref<16x512xi32, #tpu.memory_space<vmem>>, vector<16xi32>,
      %get3A_352 = arith.index_cast %add3A_69 : i32 to index
      %get3A_353 = arith.constant 416 : index
      %get3A_354 = tpu.vector_load %arg4[%get3A_352, %get3A_353] {strides = array<i32>} : memref<16x512xi32, #tpu.memory_space<vmem>>, vector<16xi32>,
      %add3A_355 = arith.constant 1 : i32
      %add3A_356 = arith.addi %scan3A_38, %add3A_355 : i32
      %eq3A_357 = vector.broadcast %add3A_356 : i32 to vector<16xi32>
      %eq3A_358 = arith.cmpi eq, %get3A_354, %eq3A_357 : vector<16xi32>
      %convert_element_type3A_359 = arith.extui %eq3A_358 : vector<16xi1> to vector<16xi32>
      %swap3A_360 = arith.index_cast %add3A_69 : i32 to index
      %swap3A_361 = arith.constant 416 : index
      %swap3A_362 = tpu.vector_load %arg5[%swap3A_360, %swap3A_361] {strides = array<i32>} : memref<16x512xi32, #tpu.memory_space<vmem>>, vector<16xi32>,
      tpu.vector_store %arg5[%swap3A_360, %swap3A_361], %convert_element_type3A_359 {strides = array<i32>} : memref<16x512xi32, #tpu.memory_space<vmem>>, vector<16xi32>,
      %get3A_363 = arith.index_cast %add3A_69 : i32 to index
      %get3A_364 = arith.constant 432 : index
      %get3A_365 = tpu.vector_load %arg4[%get3A_363, %get3A_364] {strides = array<i32>} : memref<16x512xi32, #tpu.memory_space<vmem>>, vector<16xi32>,
      %add3A_366 = arith.constant 1 : i32
      %add3A_367 = arith.addi %scan3A_38, %add3A_366 : i32
      %eq3A_368 = vector.broadcast %add3A_367 : i32 to vector<16xi32>
      %eq3A_369 = arith.cmpi eq, %get3A_365, %eq3A_368 : vector<16xi32>
      %convert_element_type3A_370 = arith.extui %eq3A_369 : vector<16xi1> to vector<16xi32>
      %swap3A_371 = arith.index_cast %add3A_69 : i32 to index
      %swap3A_372 = arith.constant 432 : index
      %swap3A_373 = tpu.vector_load %arg5[%swap3A_371, %swap3A_372] {strides = array<i32>} : memref<16x512xi32, #tpu.memory_space<vmem>>, vector<16xi32>,
      tpu.vector_store %arg5[%swap3A_371, %swap3A_372], %convert_element_type3A_370 {strides = array<i32>} : memref<16x512xi32, #tpu.memory_space<vmem>>, vector<16xi32>,
      %get3A_374 = arith.index_cast %add3A_69 : i32 to index
      %get3A_375 = arith.constant 448 : index
      %get3A_376 = tpu.vector_load %arg4[%get3A_374, %get3A_375] {strides = array<i32>} : memref<16x512xi32, #tpu.memory_space<vmem>>, vector<16xi32>,
      %add3A_377 = arith.constant 1 : i32
      %add3A_378 = arith.addi %scan3A_38, %add3A_377 : i32
      %eq3A_379 = vector.broadcast %add3A_378 : i32 to vector<16xi32>
      %eq3A_380 = arith.cmpi eq, %get3A_376, %eq3A_379 : vector<16xi32>
      %convert_element_type3A_381 = arith.extui %eq3A_380 : vector<16xi1> to vector<16xi32>
      %swap3A_382 = arith.index_cast %add3A_69 : i32 to index
      %swap3A_383 = arith.constant 448 : index
      %swap3A_384 = tpu.vector_load %arg5[%swap3A_382, %swap3A_383] {strides = array<i32>} : memref<16x512xi32, #tpu.memory_space<vmem>>, vector<16xi32>,
      tpu.vector_store %arg5[%swap3A_382, %swap3A_383], %convert_element_type3A_381 {strides = array<i32>} : memref<16x512xi32, #tpu.memory_space<vmem>>, vector<16xi32>,
      %get3A_385 = arith.index_cast %add3A_69 : i32 to index
      %get3A_386 = arith.constant 464 : index
      %get3A_387 = tpu.vector_load %arg4[%get3A_385, %get3A_386] {strides = array<i32>} : memref<16x512xi32, #tpu.memory_space<vmem>>, vector<16xi32>,
      %add3A_388 = arith.constant 1 : i32
      %add3A_389 = arith.addi %scan3A_38, %add3A_388 : i32
      %eq3A_390 = vector.broadcast %add3A_389 : i32 to vector<16xi32>
      %eq3A_391 = arith.cmpi eq, %get3A_387, %eq3A_390 : vector<16xi32>
      %convert_element_type3A_392 = arith.extui %eq3A_391 : vector<16xi1> to vector<16xi32>
      %swap3A_393 = arith.index_cast %add3A_69 : i32 to index
      %swap3A_394 = arith.constant 464 : index
      %swap3A_395 = tpu.vector_load %arg5[%swap3A_393, %swap3A_394] {strides = array<i32>} : memref<16x512xi32, #tpu.memory_space<vmem>>, vector<16xi32>,
      tpu.vector_store %arg5[%swap3A_393, %swap3A_394], %convert_element_type3A_392 {strides = array<i32>} : memref<16x512xi32, #tpu.memory_space<vmem>>, vector<16xi32>,
      %get3A_396 = arith.index_cast %add3A_69 : i32 to index
      %get3A_397 = arith.constant 480 : index
      %get3A_398 = tpu.vector_load %arg4[%get3A_396, %get3A_397] {strides = array<i32>} : memref<16x512xi32, #tpu.memory_space<vmem>>, vector<16xi32>,
      %add3A_399 = arith.constant 1 : i32
      %add3A_400 = arith.addi %scan3A_38, %add3A_399 : i32
      %eq3A_401 = vector.broadcast %add3A_400 : i32 to vector<16xi32>
      %eq3A_402 = arith.cmpi eq, %get3A_398, %eq3A_401 : vector<16xi32>
      %convert_element_type3A_403 = arith.extui %eq3A_402 : vector<16xi1> to vector<16xi32>
      %swap3A_404 = arith.index_cast %add3A_69 : i32 to index
      %swap3A_405 = arith.constant 480 : index
      %swap3A_406 = tpu.vector_load %arg5[%swap3A_404, %swap3A_405] {strides = array<i32>} : memref<16x512xi32, #tpu.memory_space<vmem>>, vector<16xi32>,
      tpu.vector_store %arg5[%swap3A_404, %swap3A_405], %convert_element_type3A_403 {strides = array<i32>} : memref<16x512xi32, #tpu.memory_space<vmem>>, vector<16xi32>,
      %get3A_407 = arith.index_cast %add3A_69 : i32 to index
      %get3A_408 = arith.constant 496 : index
      %get3A_409 = tpu.vector_load %arg4[%get3A_407, %get3A_408] {strides = array<i32>} : memref<16x512xi32, #tpu.memory_space<vmem>>, vector<16xi32>,
      %add3A_410 = arith.constant 1 : i32
      %add3A_411 = arith.addi %scan3A_38, %add3A_410 : i32
      %eq3A_412 = vector.broadcast %add3A_411 : i32 to vector<16xi32>
      %eq3A_413 = arith.cmpi eq, %get3A_409, %eq3A_412 : vector<16xi32>
      %convert_element_type3A_414 = arith.extui %eq3A_413 : vector<16xi1> to vector<16xi32>
      %swap3A_415 = arith.index_cast %add3A_69 : i32 to index
      %swap3A_416 = arith.constant 496 : index
      %swap3A_417 = tpu.vector_load %arg5[%swap3A_415, %swap3A_416] {strides = array<i32>} : memref<16x512xi32, #tpu.memory_space<vmem>>, vector<16xi32>,
      tpu.vector_store %arg5[%swap3A_415, %swap3A_416], %convert_element_type3A_414 {strides = array<i32>} : memref<16x512xi32, #tpu.memory_space<vmem>>, vector<16xi32>,
    }
    %scan3A_43 = arith.constant 16 : i32
    %dma_start3A_44 = arith.constant 62 : i32
    %dma_start3A_45 = arith.constant 0 : i32
    %dma_start3A_46 = tpu.memref_slice %arg3[%dma_start3A_44, %mul3A_2, %dma_start3A_45] : memref<63x512x512xi32, #tpu.memory_space<hbm>> -> memref<1x16x512xi32, #tpu.memory_space<hbm>>
    %dma_start3A_47 = tpu.memref_squeeze %dma_start3A_46 : memref<1x16x512xi32, #tpu.memory_space<hbm>> -> memref<16x512xi32, #tpu.memory_space<hbm>>
    %dma_start3A_48 = arith.constant 0 : i32
    %dma_start3A_49 = tpu.memref_slice %arg3[%dma_start3A_44, %mul3A_2, %dma_start3A_48] : memref<63x512x512xi32, #tpu.memory_space<hbm>> -> memref<1x16x512xi32, #tpu.memory_space<hbm>>
    %dma_start3A_50 = tpu.memref_squeeze %dma_start3A_49 : memref<1x16x512xi32, #tpu.memory_space<hbm>> -> memref<16x512xi32, #tpu.memory_space<hbm>>
    tpu.enqueue_dma source(%arg5 : memref<16x512xi32, #tpu.memory_space<vmem>>) target(%dma_start3A_50 : memref<16x512xi32, #tpu.memory_space<hbm>>) target_semaphore(%arg7 : memref<!tpu.dma_semaphore, #tpu.memory_space<semaphore_mem>>)
    %dma_wait3A_51 = arith.constant 61 : i32
    %dma_wait3A_52 = arith.constant 0 : i32
    %dma_wait3A_53 = tpu.memref_slice %arg3[%dma_wait3A_51, %mul3A_2, %dma_wait3A_52] : memref<63x512x512xi32, #tpu.memory_space<hbm>> -> memref<1x16x512xi32, #tpu.memory_space<hbm>>
    %dma_wait3A_54 = tpu.memref_squeeze %dma_wait3A_53 : memref<1x16x512xi32, #tpu.memory_space<hbm>> -> memref<16x512xi32, #tpu.memory_space<hbm>>
    %dma_wait3A_55 = arith.constant 0 : i32
    %dma_wait3A_56 = tpu.memref_slice %arg3[%dma_wait3A_51, %mul3A_2, %dma_wait3A_55] : memref<63x512x512xi32, #tpu.memory_space<hbm>> -> memref<1x16x512xi32, #tpu.memory_space<hbm>>
    %dma_wait3A_57 = tpu.memref_squeeze %dma_wait3A_56 : memref<1x16x512xi32, #tpu.memory_space<hbm>> -> memref<16x512xi32, #tpu.memory_space<hbm>>
    tpu.wait_dma2 semaphore(%arg8 : memref<!tpu.dma_semaphore, #tpu.memory_space<semaphore_mem>>) src(%arg6 : memref<16x512xi32, #tpu.memory_space<vmem>>) dst(%dma_wait3A_57 : memref<16x512xi32, #tpu.memory_space<hbm>>)
    %dma_wait3A_58 = arith.constant 62 : i32
    %dma_wait3A_59 = arith.constant 0 : i32
    %dma_wait3A_60 = tpu.memref_slice %arg3[%dma_wait3A_58, %mul3A_2, %dma_wait3A_59] : memref<63x512x512xi32, #tpu.memory_space<hbm>> -> memref<1x16x512xi32, #tpu.memory_space<hbm>>
    %dma_wait3A_61 = tpu.memref_squeeze %dma_wait3A_60 : memref<1x16x512xi32, #tpu.memory_space<hbm>> -> memref<16x512xi32, #tpu.memory_space<hbm>>
    %dma_wait3A_62 = arith.constant 0 : i32
    %dma_wait3A_63 = tpu.memref_slice %arg3[%dma_wait3A_58, %mul3A_2, %dma_wait3A_62] : memref<63x512x512xi32, #tpu.memory_space<hbm>> -> memref<1x16x512xi32, #tpu.memory_space<hbm>>
    %dma_wait3A_64 = tpu.memref_squeeze %dma_wait3A_63 : memref<1x16x512xi32, #tpu.memory_space<hbm>> -> memref<16x512xi32, #tpu.memory_space<hbm>>
    tpu.wait_dma2 semaphore(%arg7 : memref<!tpu.dma_semaphore, #tpu.memory_space<semaphore_mem>>) src(%arg5 : memref<16x512xi32, #tpu.memory_space<vmem>>) dst(%dma_wait3A_64 : memref<16x512xi32, #tpu.memory_space<hbm>>)
    return
  }
}

</mosaic_0001>

<sc_bundles>
// kernel: _onehot.3.cloned.1.call-start
scs
__scs_entry_jumppad:
0x0: {  	(pc) =	sbr.rel $0x88, $3  }
0x1: {  	(tag) =	ssettag $0x0;
	lr =	simm.s32 $0x1  }
0x2: {  	[smem:$0x3FA0] =	sst lr;
	_ =	strace $0xD0000000  }
0x3: {  	_ = 	snop  }
0x4: {  	_ = 	snop  }
0x5: {  	_ = 	snop  }
0x6: {  	_ = 	snop  }
0x7: {  	_ = 	snop  }
__scs_overlays_trampoline_lowered:
0x8: {  	[smem:$0x3FAF] =	sst s0  }
0x9: {  	[smem:$0x3FB0] =	sst s1  }
0xa: {  	[smem:$0x3FB1] =	sst s2  }
0xb: {  	[smem:$0x3FB2] =	sst s3  }
0xc: {  	[smem:$0x3FB3] =	sst s4  }
0xd: {  	[smem:$0x3FB4] =	sst s5  }
0xe: {  	[smem:$0x3FB5] =	sst s6  }
0xf: {  	[smem:$0x3FB6] =	sst s7  }
0x10: {  	[smem:$0x3FB7] =	sst s8  }
0x11: {  	[smem:$0x3FB8] =	sst s9;
	s0 =	simm.s32 @!p0 $0x0  }
0x12: {  	s1 =	sld [smem:$0x3F9E];
	s0 =	simm.s32 @p0 $0x1  }
0x13: {  	[smem:$0x3FB9] =	sst s0;
	s0 =	simm.s32 @!p1 $0x0  }
0x14: {  	s2 =	sld [smem:$0x3F9D];
	s0 =	simm.s32 @p1 $0x1  }
0x15: {  	[smem:$0x3FBA] =	sst s0;
	s0 =	simm.s32 @!p2 $0x0  }
0x16: {  	s3 =	sld [smem:$0x3FDB];
	s0 =	simm.s32 @p2 $0x1  }
0x17: {  	s4 =	simm.s32 $0x1BF5;
	[smem:$0x3FBC] =	sst s0  }
0x18: {  	s0 =	sld [smem:$0x3F9F];
	_ =	swait.ge [sflag:s4], $0x0  }
0x19: {  	s7 =	sld [smem:$0x3FA0]  }
0x1a: {  	s8 =	sadd.s32 $0xFFFFE003, lr  }
0x1b: {  	s9 =	sadd.s32 $0xFFFFFEF7, lr;
	s5 =	simm.s32 $0xFFFFFFFF;
	p2 =	slt.u32 s8, $0xFFFFF086  }
0x1c: {  	p1 =	slt.u32 s9, $0xF7A;
	s5 =	simm.s32 @!p2 $0x0  }
0x1d: {  	s5 =	simm.s32 @p1 $0x1;
	p0 =	seq.s32 s7, s2  }
0x1e: {  	s7 =	smul.u32 @!p0 $0xF7A, s2;
	p2 =	seq.s32 @!p0 s5, $0x0  }
0x1f: {  	s9 =	smul.u32 $0xF7A, s1;
	s8 =	simm.s32 @!p0 $0x1BF5;
	p2 =	por !p2, p0  }
0x20: {  	[sflag:s8] =	ssyncset.s32 @!p0 $0xFFFFF086;
	s6 =	sadd.s32 @!p0 s3, s7;
	s7 =	simm.s32 @!p0 $0x108  }
0x21: {  	s3 =	sadd.s32 s3, s9;
	s6 =	sadd.s32 @!p0 $0x88, s6;
	s7 =	simm.s32 @p2 $0x1082  }
0x22: {  	[simem:s7], [sflag:s8] =	dma.local @!p0 [hbm:s6], $0xF7A  }
0x23: {  	s9 =	sor.u32 $0xD0000000, s2;
	s6 =	simm.s32 $0x108;
	_ =	swait.ge @!p0 [sflag:s8], $0x0  }
0x24: {  	s3 =	sadd.s32 $0x88, s3;
	s6 =	simm.s32 @!p1 $0x1082;
	[sflag:s4] =	ssyncset.s32 $0xFFFFF086  }
0x25: {  	[simem:s6], [sflag:s4] =	dma.local [hbm:s3], $0xF7A  }
0x26: {  	[smem:$0x3FA0] =	sst s1;
	(tag) =	ssettag s2;
	_ =	strace s9  }
0x27: {  	s1 =	sld [smem:$0x3FB0]  }
0x28: {  	s2 =	sld [smem:$0x3FB1]  }
0x29: {  	s4 =	sld [smem:$0x3FB3]  }
0x2a: {  	p0 =	seq.s32 s5, $0x0;
	s5 =	sld [smem:$0x3FB4]  }
0x2b: {  	s6 =	sld [smem:$0x3FB5]  }
0x2c: {  	s7 =	sld [smem:$0x3FB6]  }
0x2d: {  	s3 =	simm.s32 $0x108;
	s8 =	sld [smem:$0x3FB7]  }
0x2e: {  	s3 =	simm.s32 @!p0 $0x1082;
	s9 =	sld [smem:$0x3FB8]  }
0x2f: {  	lr =	sadd.s32 s0, s3;
	s0 =	sld [smem:$0x3FAF]  }
0x30: {  	s3 =	sld [smem:$0x3FB2]  }
0x31: {  	[smem:$0x3FBB] =	sst s10  }
0x32: {  	s10 =	sld [smem:$0x3FB9];
	_ =	sdelay $0x3  }
0x33: {  	p0 =	seq.s32 s10, $0x1;
	s10 =	sld [smem:$0x3FBB];
	_ =	sdelay $0x3  }
0x34: {  	[smem:$0x3FBB] =	sst s10  }
0x35: {  	s10 =	sld [smem:$0x3FBA];
	_ =	sdelay $0x3  }
0x36: {  	p1 =	seq.s32 s10, $0x1;
	s10 =	sld [smem:$0x3FBB];
	_ =	sdelay $0x3  }
0x37: {  	[smem:$0x3FBB] =	sst s10  }
0x38: {  	s10 =	sld [smem:$0x3FBC]  }
0x39: {  	_ = 	snop;
	(pc) =	sbr.ind lr, $3  }
0x3a: {  	_ = 	snop  }
0x3b: {  	_ = 	snop  }
0x3c: {  	p2 =	seq.s32 s10, $0x1;
	s10 =	sld [smem:$0x3FBB]  }
0x3d: {  	_ =	shalt  }
0x3e: {  	_ =	shalt  }
0x3f: {  	_ =	shalt  }
0x40: {  	_ =	shalt  }
0x41: {  	_ =	shalt  }
0x42: {  	_ =	shalt  }
0x43: {  	_ =	shalt  }
0x44: {  	_ =	shalt  }
0x45: {  	_ =	shalt  }
0x46: {  	_ =	shalt  }
0x47: {  	_ =	shalt  }
0x48: {  	_ =	shalt  }
0x49: {  	_ =	shalt  }
0x4a: {  	_ =	shalt  }
0x4b: {  	_ =	shalt  }
0x4c: {  	_ =	shalt  }
0x4d: {  	_ =	shalt  }
0x4e: {  	_ =	shalt  }
0x4f: {  	_ =	shalt  }
0x50: {  	_ =	shalt  }
0x51: {  	_ =	shalt  }
0x52: {  	_ =	shalt  }
0x53: {  	_ =	shalt  }
0x54: {  	_ =	shalt  }
0x55: {  	_ =	shalt  }
0x56: {  	_ =	shalt  }
0x57: {  	_ =	shalt  }
0x58: {  	_ =	shalt  }
0x59: {  	_ =	shalt  }
0x5a: {  	_ =	shalt  }
0x5b: {  	_ =	shalt  }
0x5c: {  	_ =	shalt  }
0x5d: {  	_ =	shalt  }
0x5e: {  	_ =	shalt  }
0x5f: {  	_ =	shalt  }
0x60: {  	_ =	shalt  }
0x61: {  	_ =	shalt  }
0x62: {  	_ =	shalt  }
0x63: {  	_ =	shalt  }
0x64: {  	_ =	shalt  }
0x65: {  	_ =	shalt  }
0x66: {  	_ =	shalt  }
0x67: {  	_ =	shalt  }
0x68: {  	_ =	shalt  }
0x69: {  	_ =	shalt  }
0x6a: {  	_ =	shalt  }
0x6b: {  	_ =	shalt  }
0x6c: {  	_ =	shalt  }
0x6d: {  	_ =	shalt  }
0x6e: {  	_ =	shalt  }
0x6f: {  	_ =	shalt  }
0x70: {  	_ =	shalt  }
0x71: {  	_ =	shalt  }
0x72: {  	_ =	shalt  }
0x73: {  	_ =	shalt  }
0x74: {  	_ =	shalt  }
0x75: {  	_ =	shalt  }
0x76: {  	_ =	shalt  }
0x77: {  	_ =	shalt  }
0x78: {  	_ =	shalt  }
0x79: {  	_ =	shalt  }
0x7a: {  	_ =	shalt  }
0x7b: {  	_ =	shalt  }
0x7c: {  	_ =	shalt  }
0x7d: {  	_ =	shalt  }
0x7e: {  	_ =	shalt  }
0x7f: {  	_ =	shalt  }
0x80: {  	_ =	shalt  }
0x81: {  	_ =	shalt  }
0x82: {  	_ =	shalt  }
0x83: {  	_ =	shalt  }
0x84: {  	_ =	shalt  }
0x85: {  	_ =	shalt  }
0x86: {  	_ =	shalt  }
0x87: {  	_ =	shalt  }
.Lfunc_end0:
.L_simem_size_0:
called_computation_lowered:
.L_overlay_start_0:
0x88: {  	s2 =	sld [smem:$0x3FD9]  }
0x89: {  	s3 =	sld [smem:$0x3FFE];
	_ =	sdelay $0x1  }
0x8a: {  	s1 =	srdreg.scid  }
0x8b: {  	s0 =	sand.u32 $0x1, s1  }
0x8c: {  	s18 =	sshll.u32 s0, $0xA;
	s2 =	sadd.s32 s3, s2  }
0x8d: {  	s2 =	sadd.s32 s2, s18  }
0x8e: {  	[smem:$0x3FC7] =	sst s2  }
0x8f: {  	_ = 	snop  }
0x90: {  	s2 =	sld [smem:$0x3FC9]  }
0x91: {  	s19 =	sld [smem:$0x3FD0];
	(tm) =	ssettm $0x1  }
0x92: {  	s4 =	sld [smem:$0x3FFB];
	_ =	sdelay $0x3  }
0x93: {  	_ =	strace s4  }
0x94: {  	s4 =	sld [smem:$0x3FFC];
	_ =	sdelay $0x3  }
0x95: {  	_ =	strace s4  }
0x96: {  	s4 =	sld [smem:$0x3FFD];
	_ =	sdelay $0x3  }
0x97: {  	_ =	strace s4  }
0x98: {  	_ =	strace $0x8FFFFFFF  }
0x99: {  	s20 =	sld [smem:$0x3FDB];
	_ =	sdelay $0x1  }
0x9a: {  	s5 =	simm.s32 $_scs_section_size  }
0x9b: {  	s6 =	simm.s32 $_size__tile_overlayer_lowered;
	s7 =	simm.s32 $_tile_overlayer_lowered  }
0x9c: {  	s23 =	simm.s32 $0x1BFF;
	s22 =	sshll.u32 s7, $0x1;
	s4 =	sadd.s32 s5, s20  }
0x9d: {  	s8 =	simm.s32 $0x0;
	s21 =	sshll.u32 s6, $0x1;
	s6 =	sadd.s32 s22, s4  }
0x9e: {  	[timem:s8], [sflag:s23] =	dma.local [hbm:s6], s21  }
0x9f: {  	_ =	swait.ge [sflag:s23], s21  }
0xa0: {  	s5 =	ssub.s32 $0x0, s21;
	[sflag:s23] =	ssyncset.done $0x0  }
0xa1: {  	[sflag:s23] =	ssyncadd.s32 s5;
	_ =	sdelay $0x1  }
0xa2: {  	s24 =	simm.s32 $0x1B8B  }
0xa3: {  	_ =	swait.ge [sflag:s24], $0x1  }
0xa4: {  	[sflag:s24] =	ssyncset.done $0x0  }
0xa5: {  	s25 =	simm.s32 $0x1B8E;
	[sflag:s24] =	ssyncadd.s32 $0xFFFFFFFF  }
0xa6: {  	s26 =	simm.s32 $execute0_lowered;
	[smem:$0x3FD2] =	sst s25  }
0xa7: {  	s5 =	sshll.u32 s26, $0x1;
	_ =	strace $0x80000046;
	[dreg:$0x1] =	wrdreg $0xFFFFFFFF  }
0xa8: {  	s28 =	simm.s32 $_size_execute0_lowered;
	s4 =	sadd.s32 s4, s5;
	[dreg:$0x0] =	wrdreg $0x0  }
0xa9: {  	s5 =	sshll.u32 s28, $0x1;
	[dreg:$0x2] =	wrdreg s4  }
0xaa: {  	[dreg:$0x3] =	wrdreg s5  }
0xab: {  	[dreg:$0x4] =	wrdreg $0xC0  }
0xac: {  	_ =	task [dreg:s8], $0x5FFFF  }
0xad: {  	[dreg:$0x1] =	wrdreg $0xFFFFFFFF  }
0xae: {  	[dreg:$0x0] =	wrdreg $0x60  }
0xaf: {  	[dreg:$0x2] =	wrdreg s2  }
0xb0: {  	[dreg:$0x3] =	wrdreg s19  }
0xb1: {  	[dreg:$0x4] =	wrdreg $0x9  }
0xb2: {  	_ =	task.clear_ibuf [dreg:s8], $0x5FFFF;
	_ =	strace $0x90000046  }
0xb3: {  	s29 =	simm.s32 $0x9;
	_ =	strace $0x80000048  }
0xb4: {  	_ =	swait.ge [sflag:s29], $0x1  }
0xb5: {  	[sflag:s29] =	ssyncadd.s32 $0xFFFFFFFF  }
0xb6: {  	_ =	strace $0x90000048  }
0xb7: {  	_ =	sfence  }
0xb8: {  	s30 =	sld [smem:$0x0];
	_ =	sdelay $0x2  }
0xb9: {  	s31 =	sshll.u32 s1, $0xD;
	s1 =	sshrl.u32 s1, $0x2  }
0xba: {  	s3 =	sand.u32 $0x4000, s31;
	s1 =	sadd.s32 s1, s30  }
0xbb: {  	s0 =	sor.u32 s3, s0;
	s1 =	sshll.u32 s1, $0x11  }
0xbc: {  	s0 =	sor.u32 s1, s0  }
0xbd: {  	s0 =	sadd.s32 $0x8F2B, s0  }
0xbe: {  	[sflag:s0] =	ssyncadd.remote.s32 $0x1  }
0xbf: {  	_ =	sfence.sel $0xFFFF  }
0xc0: {  	[dreg:$0x0] =	wrdreg $0xFFFFFFFF;
	(pc) =	sbr.abs _section_cstart, $3  }
0xc1: {  	[dreg:$0x1] =	wrdreg $0xFFFFFFFF  }
0xc2: {  	_ =	task.clear_ibuf [dreg:s8], $0x2FFFF;
	_ =	strace $0x9FFFFFFF  }
0xc3: {  	(tm) =	ssettm $0x7FFFFFFF  }
tec
execute0_lowered:
.L_overlay_start_1:
0x0: {  	(tag) =	ssettag $0x1  }
0x1: {  	s5 =	rddreg [dreg:$0x0];
	s0 =	srdreg.scid  }
0x2: {  	s2 =	rddreg [dreg:$0x1];
	s1 =	stileid.u32;
	s3 =	simm.s32 $0x0  }
0x3: {  	s11 =	simm.s32 $0x3;
	s12 =	simm.s32 $0x2000;
	s13 =	simm.s32 $0x4000  }
0x4: {  	s14 =	simm.s32 $0x1;
	s15 =	simm.s32 $0x2;
	s4 =	sand.u32 $0x1, s0  }
0x5: {  	s16 =	simm.s32 $0x0;
	s7 =	sshll.u32 s1, $0xD;
	s6 =	sshll.u32 s4, $0x11  }
0x6: {  	s0 =	rddreg [dreg:$0x2];
	s4 =	ssub.s32 $0x2, s4;
	s8 =	sor.u32 s7, s6  }
0x7: {  	[smem:$0x7FF] =	sst s3;
	s31 =	sshrl.u32 s4, $0x1;
	s7 =	sshrl.u32 s8, $0x3  }
0x8: {  	_ =	strace $0x80000047;
	s10 =	ssub.s32 s4, s31;
	s4 =	sadd.s32 s2, s7  }
0x9: {  	s5 =	sadd.s32 s5, s7;
	s7 =	sor.u32 $0x80000, s8;
	s8 =	sor.u32 $0xC0000, s8  }
0xa: {  	v0 =	vimm.s32 $0x0;
	s10 =	smax.u32 s10, $0x1;
	s6 =	sadd.s32 $0x8000, s4;
	s9 =	sadd.s32 $0x1F0000, s4  }
.LBB2_1:
0xb: {  	[tilespmem:s3], [sflag:$0x3] =	stream.linear.gather [hbm4b:s5+s3], $0x2000, $0x38;
	[tilespmem:$0x6000] =	vst v63  }
0xc: {  	_ =	swait.ge [sflag:s11], $0x2000  }
0xd: {  	s17 =	sand.u32 $0x1000, s3;
	s18 =	sand.u32 $0x380, s3;
	[sflag:s11] =	ssyncset.done $0x0  }
0xe: {  	s17 =	sor.u32 s18, s17;
	[sflag:s11] =	ssyncadd.s32 $0xFFFFE000  }
0xf: {  	v1 =	vld [tilespmem:s17+$0xC70]  }
0x10: {  	v2 =	vld [tilespmem:s17+$0x0]  }
0x11: {  	v3 =	vld [tilespmem:s17+$0x10]  }
0x12: {  	v4 =	vld [tilespmem:s17+$0x20]  }
0x13: {  	v5 =	vld [tilespmem:s17+$0x30]  }
0x14: {  	v6 =	vld [tilespmem:s17+$0x40];
	vm0 =	veq.s32 v1, $0x1  }
0x15: {  	v1 =	vld [tilespmem:s17+$0x50];
	vm1 =	veq.s32 v2, $0x1;
	v2 =	vsel vm0, $0x1, v0  }
0x16: {  	v7 =	vld [tilespmem:s17+$0x60];
	vm0 =	veq.s32 v3, $0x1;
	[tilespmem:s17+$0x2C70] =	vst v2;
	v2 =	vsel vm1, $0x1, v0  }
0x17: {  	v3 =	vld [tilespmem:s17+$0x70];
	[tilespmem:s17+$0x2000] =	vst v2;
	v2 =	vsel vm0, $0x1, v0;
	vm0 =	veq.s32 v4, $0x1  }
0x18: {  	v4 =	vld [tilespmem:s17+$0x400];
	[tilespmem:s17+$0x2010] =	vst v2;
	v2 =	vsel vm0, $0x1, v0;
	vm0 =	veq.s32 v5, $0x1  }
0x19: {  	v5 =	vld [tilespmem:s17+$0x410];
	[tilespmem:s17+$0x2020] =	vst v2;
	v2 =	vsel vm0, $0x1, v0;
	vm0 =	veq.s32 v6, $0x1  }
0x1a: {  	v6 =	vld [tilespmem:s17+$0x420];
	[tilespmem:s17+$0x2030] =	vst v2;
	v2 =	vsel vm0, $0x1, v0;
	vm0 =	veq.s32 v1, $0x1  }
0x1b: {  	[tilespmem:s17+$0x2040] =	vst v2;
	v1 =	vsel vm0, $0x1, v0;
	v2 =	vld [tilespmem:s17+$0x430];
	vm0 =	veq.s32 v7, $0x1  }
0x1c: {  	v7 =	vld [tilespmem:s17+$0x440];
	[tilespmem:s17+$0x2050] =	vst v1;
	v1 =	vsel vm0, $0x1, v0;
	vm0 =	veq.s32 v3, $0x1  }
0x1d: {  	v3 =	vld [tilespmem:s17+$0x450];
	[tilespmem:s17+$0x2060] =	vst v1;
	v1 =	vsel vm0, $0x1, v0;
	vm0 =	veq.s32 v4, $0x1  }
0x1e: {  	v4 =	vld [tilespmem:s17+$0x460];
	[tilespmem:s17+$0x2070] =	vst v1;
	v1 =	vsel vm0, $0x1, v0;
	vm0 =	veq.s32 v5, $0x1  }
0x1f: {  	v5 =	vld [tilespmem:s17+$0x470];
	[tilespmem:s17+$0x2400] =	vst v1;
	v1 =	vsel vm0, $0x1, v0;
	vm0 =	veq.s32 v6, $0x1  }
0x20: {  	v6 =	vld [tilespmem:s17+$0x800];
	[tilespmem:s17+$0x2410] =	vst v1;
	v1 =	vsel vm0, $0x1, v0;
	vm0 =	veq.s32 v2, $0x1  }
0x21: {  	v2 =	vld [tilespmem:s17+$0x810];
	[tilespmem:s17+$0x2420] =	vst v1;
	v1 =	vsel vm0, $0x1, v0;
	vm0 =	veq.s32 v7, $0x1  }
0x22: {  	v7 =	vld [tilespmem:s17+$0x820];
	[tilespmem:s17+$0x2430] =	vst v1;
	v1 =	vsel vm0, $0x1, v0;
	vm0 =	veq.s32 v3, $0x1  }
0x23: {  	v3 =	vld [tilespmem:s17+$0x830];
	[tilespmem:s17+$0x2440] =	vst v1;
	v1 =	vsel vm0, $0x1, v0;
	vm0 =	veq.s32 v4, $0x1  }
0x24: {  	v8 =	vld [tilespmem:s17+$0x840];
	[tilespmem:s17+$0x2450] =	vst v1;
	v1 =	vsel vm0, $0x1, v0;
	vm0 =	veq.s32 v5, $0x1  }
0x25: {  	v5 =	vld [tilespmem:s17+$0x850];
	[tilespmem:s17+$0x2460] =	vst v1;
	v1 =	vsel vm0, $0x1, v0;
	vm0 =	veq.s32 v6, $0x1  }
0x26: {  	v6 =	vld [tilespmem:s17+$0x860];
	[tilespmem:s17+$0x2470] =	vst v1;
	v1 =	vsel vm0, $0x1, v0;
	vm0 =	veq.s32 v2, $0x1  }
0x27: {  	v9 =	vld [tilespmem:s17+$0x870];
	[tilespmem:s17+$0x2800] =	vst v1;
	v1 =	vsel vm0, $0x1, v0;
	vm0 =	veq.s32 v7, $0x1  }
0x28: {  	v7 =	vld [tilespmem:s17+$0xC00];
	[tilespmem:s17+$0x2810] =	vst v1;
	v1 =	vsel vm0, $0x1, v0;
	vm0 =	veq.s32 v3, $0x1  }
0x29: {  	v4 =	vld [tilespmem:s17+$0xC10];
	[tilespmem:s17+$0x2820] =	vst v1;
	v1 =	vsel vm0, $0x1, v0;
	vm0 =	veq.s32 v8, $0x1  }
0x2a: {  	[tilespmem:s17+$0x2830] =	vst v1;
	v2 =	vsel vm0, $0x1, v0;
	v1 =	vld [tilespmem:s17+$0xC20];
	vm0 =	veq.s32 v5, $0x1  }
0x2b: {  	[tilespmem:s17+$0x2840] =	vst v2;
	v3 =	vsel vm0, $0x1, v0;
	v2 =	vld [tilespmem:s17+$0xC30];
	vm0 =	veq.s32 v6, $0x1  }
0x2c: {  	s19 =	simm.s32 $0x200;
	s18 =	simm.s32 $0x80;
	[tilespmem:s17+$0x2850] =	vst v3;
	v5 =	vsel vm0, $0x1, v0;
	v3 =	vld [tilespmem:s17+$0xC40];
	vm0 =	veq.s32 v9, $0x1  }
0x2d: {  	s20 =	sand.u32 $0x1000, s19;
	s19 =	simm.s32 $0x400;
	s21 =	sand.u32 $0x380, s18;
	[tilespmem:s17+$0x2860] =	vst v5;
	v6 =	vsel vm0, $0x1, v0;
	vm0 =	veq.s32 v7, $0x1;
	v5 =	vld [tilespmem:s17+$0xC50]  }
.LBB2_2:
0x2e: {  	p0 =	sne.s32 s19, $0x1E00;
	s20 =	sor.u32 s21, s20;
	[tilespmem:s17+$0x2870] =	vst v6;
	v6 =	vsel vm0, $0x1, v0;
	vm0 =	veq.s32 v4, $0x1;
	v4 =	vld [tilespmem:s17+$0xC60]  }
0x2f: {  	v7 =	vld [tilespmem:s20+$0xC70];
	[tilespmem:s17+$0x2C00] =	vst v6;
	v6 =	vsel vm0, $0x1, v0;
	vm0 =	veq.s32 v1, $0x1  }
0x30: {  	v1 =	vld [tilespmem:s20+$0x0];
	[tilespmem:s17+$0x2C10] =	vst v6;
	v6 =	vsel vm0, $0x1, v0;
	vm0 =	veq.s32 v2, $0x1  }
0x31: {  	v2 =	vld [tilespmem:s20+$0x10];
	[tilespmem:s17+$0x2C20] =	vst v6;
	v6 =	vsel vm0, $0x1, v0;
	vm0 =	veq.s32 v3, $0x1  }
0x32: {  	v3 =	vld [tilespmem:s20+$0x20];
	[tilespmem:s17+$0x2C30] =	vst v6;
	v6 =	vsel vm0, $0x1, v0;
	vm0 =	veq.s32 v5, $0x1  }
0x33: {  	v5 =	vld [tilespmem:s20+$0x30];
	[tilespmem:s17+$0x2C40] =	vst v6;
	v6 =	vsel vm0, $0x1, v0;
	vm0 =	veq.s32 v4, $0x1  }
0x34: {  	v4 =	vld [tilespmem:s20+$0x40];
	vm1 =	veq.s32 v7, $0x1;
	[tilespmem:s17+$0x2C50] =	vst v6;
	v6 =	vsel vm0, $0x1, v0  }
0x35: {  	vm0 =	veq.s32 v1, $0x1;
	v1 =	vld [tilespmem:s20+$0x50];
	v7 =	vsel vm1, $0x1, v0;
	[tilespmem:s17+$0x2C60] =	vst v6;
	s17 =	smov.u32 s20  }
0x36: {  	v6 =	vsel vm0, $0x1, v0;
	vm0 =	veq.s32 v2, $0x1;
	v2 =	vld [tilespmem:s17+$0x60];
	[tilespmem:s17+$0x2C70] =	vst v7  }
0x37: {  	[tilespmem:s17+$0x2000] =	vst v6;
	v6 =	vsel vm0, $0x1, v0;
	vm0 =	veq.s32 v3, $0x1;
	v3 =	vld [tilespmem:s17+$0x70]  }
0x38: {  	[tilespmem:s17+$0x2010] =	vst v6;
	v6 =	vsel vm0, $0x1, v0;
	vm0 =	veq.s32 v5, $0x1;
	v5 =	vld [tilespmem:s17+$0x400]  }
0x39: {  	[tilespmem:s17+$0x2020] =	vst v6;
	v6 =	vsel vm0, $0x1, v0;
	vm0 =	veq.s32 v4, $0x1;
	v4 =	vld [tilespmem:s17+$0x410]  }
0x3a: {  	[tilespmem:s17+$0x2030] =	vst v6;
	v6 =	vsel vm0, $0x1, v0;
	vm0 =	veq.s32 v1, $0x1;
	v1 =	vld [tilespmem:s17+$0x420]  }
0x3b: {  	[tilespmem:s17+$0x2040] =	vst v6;
	v6 =	vsel vm0, $0x1, v0;
	vm0 =	veq.s32 v2, $0x1;
	v2 =	vld [tilespmem:s17+$0x430]  }
0x3c: {  	[tilespmem:s17+$0x2050] =	vst v6;
	v6 =	vsel vm0, $0x1, v0;
	vm0 =	veq.s32 v3, $0x1;
	v3 =	vld [tilespmem:s17+$0x440]  }
0x3d: {  	[tilespmem:s17+$0x2060] =	vst v6;
	v6 =	vsel vm0, $0x1, v0;
	vm0 =	veq.s32 v5, $0x1;
	v5 =	vld [tilespmem:s17+$0x450]  }
0x3e: {  	[tilespmem:s17+$0x2070] =	vst v6;
	v6 =	vsel vm0, $0x1, v0;
	vm0 =	veq.s32 v4, $0x1;
	v4 =	vld [tilespmem:s17+$0x460]  }
0x3f: {  	[tilespmem:s17+$0x2400] =	vst v6;
	v6 =	vsel vm0, $0x1, v0;
	vm0 =	veq.s32 v1, $0x1;
	v1 =	vld [tilespmem:s17+$0x470]  }
0x40: {  	[tilespmem:s17+$0x2410] =	vst v6;
	v6 =	vsel vm0, $0x1, v0;
	vm0 =	veq.s32 v2, $0x1;
	v2 =	vld [tilespmem:s17+$0x800]  }
0x41: {  	[tilespmem:s17+$0x2420] =	vst v6;
	v6 =	vsel vm0, $0x1, v0;
	vm0 =	veq.s32 v3, $0x1;
	v3 =	vld [tilespmem:s17+$0x810]  }
0x42: {  	[tilespmem:s17+$0x2430] =	vst v6;
	v6 =	vsel vm0, $0x1, v0;
	vm0 =	veq.s32 v5, $0x1;
	v5 =	vld [tilespmem:s17+$0x820]  }
0x43: {  	[tilespmem:s17+$0x2440] =	vst v6;
	v6 =	vsel vm0, $0x1, v0;
	vm0 =	veq.s32 v4, $0x1;
	v4 =	vld [tilespmem:s17+$0x830]  }
0x44: {  	[tilespmem:s17+$0x2450] =	vst v6;
	v6 =	vsel vm0, $0x1, v0;
	vm0 =	veq.s32 v1, $0x1;
	v1 =	vld [tilespmem:s17+$0x840]  }
0x45: {  	[tilespmem:s17+$0x2460] =	vst v6;
	v6 =	vsel vm0, $0x1, v0;
	vm0 =	veq.s32 v2, $0x1;
	v2 =	vld [tilespmem:s17+$0x850]  }
0x46: {  	[tilespmem:s17+$0x2470] =	vst v6;
	v6 =	vsel vm0, $0x1, v0;
	vm0 =	veq.s32 v3, $0x1;
	v3 =	vld [tilespmem:s17+$0x860]  }
0x47: {  	[tilespmem:s17+$0x2800] =	vst v6;
	v6 =	vsel vm0, $0x1, v0;
	vm0 =	veq.s32 v5, $0x1;
	v5 =	vld [tilespmem:s17+$0x870]  }
0x48: {  	[tilespmem:s17+$0x2810] =	vst v6;
	v6 =	vsel vm0, $0x1, v0;
	vm0 =	veq.s32 v4, $0x1;
	v7 =	vld [tilespmem:s17+$0xC00]  }
.Ltmp0:
0x49: {  	[tilespmem:s17+$0x2820] =	vst v6;
	v6 =	vsel vm0, $0x1, v0;
	vm0 =	veq.s32 v1, $0x1;
	v4 =	vld [tilespmem:s17+$0xC10];
	(pc) =	sbr.rel @p0 .LBB2_2-.Ltmp0, $4  }
0x4a: {  	[tilespmem:s17+$0x2830] =	vst v6;
	v6 =	vsel vm0, $0x1, v0;
	vm0 =	veq.s32 v2, $0x1;
	v1 =	vld [tilespmem:s17+$0xC20]  }
0x4b: {  	[tilespmem:s17+$0x2840] =	vst v6;
	v6 =	vsel vm0, $0x1, v0;
	vm0 =	veq.s32 v3, $0x1;
	v2 =	vld [tilespmem:s17+$0xC30]  }
0x4c: {  	s18 =	sadd.s32 $0x80, s18;
	[tilespmem:s17+$0x2850] =	vst v6;
	v6 =	vsel vm0, $0x1, v0;
	vm0 =	veq.s32 v5, $0x1;
	v3 =	vld [tilespmem:s17+$0xC40]  }
0x4d: {  	s21 =	sand.u32 $0x380, s18;
	s20 =	sand.u32 $0x1000, s19;
	s19 =	sadd.s32 $0x200, s19;
	[tilespmem:s17+$0x2860] =	vst v6;
	v6 =	vsel vm0, $0x1, v0;
	vm0 =	veq.s32 v7, $0x1;
	v5 =	vld [tilespmem:s17+$0xC50]  }
0x4e: {  	[tilespmem:s17+$0x2870] =	vst v6;
	s18 =	sor.u32 s21, s20;
	v6 =	vld [tilespmem:s17+$0xC60];
	v7 =	vsel vm0, $0x1, v0;
	vm0 =	veq.s32 v4, $0x1  }
0x4f: {  	v8 =	vld [tilespmem:s18+$0xC70];
	[tilespmem:s17+$0x2C00] =	vst v7;
	v4 =	vsel vm0, $0x1, v0;
	vm0 =	veq.s32 v1, $0x1  }
0x50: {  	v7 =	vld [tilespmem:s18+$0x0];
	[tilespmem:s17+$0x2C10] =	vst v4;
	v1 =	vsel vm0, $0x1, v0;
	vm0 =	veq.s32 v2, $0x1  }
0x51: {  	v4 =	vld [tilespmem:s18+$0x10];
	[tilespmem:s17+$0x2C20] =	vst v1;
	v1 =	vsel vm0, $0x1, v0;
	vm0 =	veq.s32 v3, $0x1  }
0x52: {  	v2 =	vld [tilespmem:s18+$0x20];
	[tilespmem:s17+$0x2C30] =	vst v1;
	v1 =	vsel vm0, $0x1, v0;
	vm0 =	veq.s32 v5, $0x1  }
0x53: {  	v3 =	vld [tilespmem:s18+$0x30];
	[tilespmem:s17+$0x2C40] =	vst v1;
	v1 =	vsel vm0, $0x1, v0;
	vm0 =	veq.s32 v6, $0x1  }
0x54: {  	v5 =	vld [tilespmem:s18+$0x40];
	[tilespmem:s17+$0x2C50] =	vst v1;
	vm1 =	veq.s32 v8, $0x1;
	v1 =	vsel vm0, $0x1, v0  }
0x55: {  	v6 =	vld [tilespmem:s18+$0x50];
	vm0 =	veq.s32 v7, $0x1;
	v7 =	vsel vm1, $0x1, v0;
	[tilespmem:s17+$0x2C60] =	vst v1  }
0x56: {  	v1 =	vsel vm0, $0x1, v0;
	vm0 =	veq.s32 v4, $0x1;
	v4 =	vld [tilespmem:s18+$0x60];
	[tilespmem:s18+$0x2C70] =	vst v7  }
0x57: {  	[tilespmem:s18+$0x2000] =	vst v1;
	v1 =	vsel vm0, $0x1, v0;
	vm0 =	veq.s32 v2, $0x1;
	v2 =	vld [tilespmem:s18+$0x70]  }
0x58: {  	[tilespmem:s18+$0x2010] =	vst v1;
	v1 =	vsel vm0, $0x1, v0;
	vm0 =	veq.s32 v3, $0x1;
	v3 =	vld [tilespmem:s18+$0x400]  }
0x59: {  	[tilespmem:s18+$0x2020] =	vst v1;
	v1 =	vsel vm0, $0x1, v0;
	vm0 =	veq.s32 v5, $0x1;
	v5 =	vld [tilespmem:s18+$0x410]  }
0x5a: {  	[tilespmem:s18+$0x2030] =	vst v1;
	v1 =	vsel vm0, $0x1, v0;
	vm0 =	veq.s32 v6, $0x1;
	v6 =	vld [tilespmem:s18+$0x420]  }
0x5b: {  	[tilespmem:s18+$0x2040] =	vst v1;
	v1 =	vsel vm0, $0x1, v0;
	vm0 =	veq.s32 v4, $0x1;
	v4 =	vld [tilespmem:s18+$0x430]  }
0x5c: {  	[tilespmem:s18+$0x2050] =	vst v1;
	v1 =	vsel vm0, $0x1, v0;
	vm0 =	veq.s32 v2, $0x1;
	v2 =	vld [tilespmem:s18+$0x440]  }
0x5d: {  	[tilespmem:s18+$0x2060] =	vst v1;
	v1 =	vsel vm0, $0x1, v0;
	vm0 =	veq.s32 v3, $0x1;
	v3 =	vld [tilespmem:s18+$0x450]  }
0x5e: {  	[tilespmem:s18+$0x2070] =	vst v1;
	v1 =	vsel vm0, $0x1, v0;
	vm0 =	veq.s32 v5, $0x1;
	v5 =	vld [tilespmem:s18+$0x460]  }
0x5f: {  	[tilespmem:s18+$0x2400] =	vst v1;
	v1 =	vsel vm0, $0x1, v0;
	vm0 =	veq.s32 v6, $0x1;
	v6 =	vld [tilespmem:s18+$0x470]  }
0x60: {  	[tilespmem:s18+$0x2410] =	vst v1;
	v1 =	vsel vm0, $0x1, v0;
	vm0 =	veq.s32 v4, $0x1;
	v4 =	vld [tilespmem:s18+$0x800]  }
0x61: {  	[tilespmem:s18+$0x2420] =	vst v1;
	v1 =	vsel vm0, $0x1, v0;
	vm0 =	veq.s32 v2, $0x1;
	v2 =	vld [tilespmem:s18+$0x810]  }
0x62: {  	[tilespmem:s18+$0x2430] =	vst v1;
	v1 =	vsel vm0, $0x1, v0;
	vm0 =	veq.s32 v3, $0x1;
	v3 =	vld [tilespmem:s18+$0x820]  }
0x63: {  	[tilespmem:s18+$0x2440] =	vst v1;
	v1 =	vsel vm0, $0x1, v0;
	vm0 =	veq.s32 v5, $0x1;
	v5 =	vld [tilespmem:s18+$0x830]  }
0x64: {  	[tilespmem:s18+$0x2450] =	vst v1;
	v1 =	vsel vm0, $0x1, v0;
	vm0 =	veq.s32 v6, $0x1;
	v6 =	vld [tilespmem:s18+$0x840]  }
0x65: {  	[tilespmem:s18+$0x2460] =	vst v1;
	v1 =	vsel vm0, $0x1, v0;
	vm0 =	veq.s32 v4, $0x1;
	v4 =	vld [tilespmem:s18+$0x850]  }
0x66: {  	[tilespmem:s18+$0x2470] =	vst v1;
	v1 =	vsel vm0, $0x1, v0;
	vm0 =	veq.s32 v2, $0x1;
	v2 =	vld [tilespmem:s18+$0x860]  }
0x67: {  	[tilespmem:s18+$0x2800] =	vst v1;
	v1 =	vsel vm0, $0x1, v0;
	vm0 =	veq.s32 v3, $0x1;
	v3 =	vld [tilespmem:s18+$0x870]  }
0x68: {  	[tilespmem:s18+$0x2810] =	vst v1;
	v1 =	vsel vm0, $0x1, v0;
	vm0 =	veq.s32 v5, $0x1;
	v5 =	vld [tilespmem:s18+$0xC00]  }
0x69: {  	[tilespmem:s18+$0x2820] =	vst v1;
	v1 =	vsel vm0, $0x1, v0;
	vm0 =	veq.s32 v6, $0x1;
	v6 =	vld [tilespmem:s18+$0xC10]  }
0x6a: {  	[tilespmem:s18+$0x2830] =	vst v1;
	v1 =	vsel vm0, $0x1, v0;
	vm0 =	veq.s32 v4, $0x1;
	v4 =	vld [tilespmem:s18+$0xC20]  }
0x6b: {  	[tilespmem:s18+$0x2840] =	vst v1;
	v1 =	vsel vm0, $0x1, v0;
	vm0 =	veq.s32 v2, $0x1;
	v2 =	vld [tilespmem:s18+$0xC30]  }
0x6c: {  	[tilespmem:s18+$0x2850] =	vst v1;
	v1 =	vsel vm0, $0x1, v0;
	vm0 =	veq.s32 v3, $0x1;
	v3 =	vld [tilespmem:s18+$0xC40]  }
0x6d: {  	[tilespmem:s18+$0x2860] =	vst v1;
	v1 =	vsel vm0, $0x1, v0;
	vm0 =	veq.s32 v5, $0x1;
	v5 =	vld [tilespmem:s18+$0xC50]  }
0x6e: {  	[tilespmem:s18+$0x2870] =	vst v1;
	v1 =	vsel vm0, $0x1, v0;
	vm0 =	veq.s32 v6, $0x1;
	v6 =	vld [tilespmem:s18+$0xC60]  }
0x6f: {  	[tilespmem:s18+$0x2C00] =	vst v1;
	v1 =	vsel vm0, $0x1, v0;
	vm0 =	veq.s32 v4, $0x1  }
0x70: {  	[tilespmem:s18+$0x2C10] =	vst v1;
	v1 =	vsel vm0, $0x1, v0;
	vm0 =	veq.s32 v2, $0x1  }
0x71: {  	[tilespmem:s18+$0x2C20] =	vst v1;
	v1 =	vsel vm0, $0x1, v0;
	vm0 =	veq.s32 v3, $0x1  }
0x72: {  	[tilespmem:s18+$0x2C30] =	vst v1;
	v1 =	vsel vm0, $0x1, v0;
	vm0 =	veq.s32 v5, $0x1  }
0x73: {  	s30 =	simm.s32 $0x0;
	[tilespmem:s18+$0x2C40] =	vst v1;
	v1 =	vsel vm0, $0x1, v0;
	vm0 =	veq.s32 v6, $0x1  }
0x74: {  	s31 =	sand.u32 $0x1000, s30;
	s17 =	sand.u32 $0x380, s30;
	[tilespmem:s18+$0x2C50] =	vst v1;
	v1 =	vsel vm0, $0x1, v0  }
0x75: {  	s17 =	sor.u32 s17, s31;
	[tilespmem:s18+$0x2C60] =	vst v1  }
0x76: {  	[hbm4b:s4+s30] =	stream.linear.scatter [tilespmem:s12], [sflag:$0x1], $0x2000, $0x38;
	[tilespmem:$0x6000] =	vst v63  }
0x77: {  	v1 =	vld [tilespmem:s17+$0xC70]  }
0x78: {  	v2 =	vld [tilespmem:s17+$0x0]  }
0x79: {  	v3 =	vld [tilespmem:s17+$0x10]  }
0x7a: {  	v4 =	vld [tilespmem:s17+$0x20]  }
0x7b: {  	v5 =	vld [tilespmem:s17+$0x30]  }
0x7c: {  	v6 =	vld [tilespmem:s17+$0x40];
	vm0 =	veq.s32 v1, $0x2  }
0x7d: {  	v1 =	vld [tilespmem:s17+$0x50];
	vm1 =	veq.s32 v2, $0x2;
	v2 =	vsel vm0, $0x1, v0  }
0x7e: {  	v7 =	vld [tilespmem:s17+$0x60];
	vm0 =	veq.s32 v3, $0x2;
	[tilespmem:s17+$0x4C70] =	vst v2;
	v2 =	vsel vm1, $0x1, v0  }
0x7f: {  	v3 =	vld [tilespmem:s17+$0x70];
	[tilespmem:s17+$0x4000] =	vst v2;
	v2 =	vsel vm0, $0x1, v0;
	vm0 =	veq.s32 v4, $0x2  }
0x80: {  	v4 =	vld [tilespmem:s17+$0x400];
	[tilespmem:s17+$0x4010] =	vst v2;
	v2 =	vsel vm0, $0x1, v0;
	vm0 =	veq.s32 v5, $0x2  }
0x81: {  	v5 =	vld [tilespmem:s17+$0x410];
	[tilespmem:s17+$0x4020] =	vst v2;
	v2 =	vsel vm0, $0x1, v0;
	vm0 =	veq.s32 v6, $0x2  }
0x82: {  	v6 =	vld [tilespmem:s17+$0x420];
	[tilespmem:s17+$0x4030] =	vst v2;
	v2 =	vsel vm0, $0x1, v0;
	vm0 =	veq.s32 v1, $0x2  }
0x83: {  	[tilespmem:s17+$0x4040] =	vst v2;
	v1 =	vsel vm0, $0x1, v0;
	v2 =	vld [tilespmem:s17+$0x430];
	vm0 =	veq.s32 v7, $0x2  }
0x84: {  	v7 =	vld [tilespmem:s17+$0x440];
	[tilespmem:s17+$0x4050] =	vst v1;
	v1 =	vsel vm0, $0x1, v0;
	vm0 =	veq.s32 v3, $0x2  }
0x85: {  	v3 =	vld [tilespmem:s17+$0x450];
	[tilespmem:s17+$0x4060] =	vst v1;
	v1 =	vsel vm0, $0x1, v0;
	vm0 =	veq.s32 v4, $0x2  }
0x86: {  	v4 =	vld [tilespmem:s17+$0x460];
	[tilespmem:s17+$0x4070] =	vst v1;
	v1 =	vsel vm0, $0x1, v0;
	vm0 =	veq.s32 v5, $0x2  }
0x87: {  	v5 =	vld [tilespmem:s17+$0x470];
	[tilespmem:s17+$0x4400] =	vst v1;
	v1 =	vsel vm0, $0x1, v0;
	vm0 =	veq.s32 v6, $0x2  }
0x88: {  	v6 =	vld [tilespmem:s17+$0x800];
	[tilespmem:s17+$0x4410] =	vst v1;
	v1 =	vsel vm0, $0x1, v0;
	vm0 =	veq.s32 v2, $0x2  }
0x89: {  	v2 =	vld [tilespmem:s17+$0x810];
	[tilespmem:s17+$0x4420] =	vst v1;
	v1 =	vsel vm0, $0x1, v0;
	vm0 =	veq.s32 v7, $0x2  }
0x8a: {  	v7 =	vld [tilespmem:s17+$0x820];
	[tilespmem:s17+$0x4430] =	vst v1;
	v1 =	vsel vm0, $0x1, v0;
	vm0 =	veq.s32 v3, $0x2  }
0x8b: {  	v3 =	vld [tilespmem:s17+$0x830];
	[tilespmem:s17+$0x4440] =	vst v1;
	v1 =	vsel vm0, $0x1, v0;
	vm0 =	veq.s32 v4, $0x2  }
0x8c: {  	v8 =	vld [tilespmem:s17+$0x840];
	[tilespmem:s17+$0x4450] =	vst v1;
	v1 =	vsel vm0, $0x1, v0;
	vm0 =	veq.s32 v5, $0x2  }
0x8d: {  	v5 =	vld [tilespmem:s17+$0x850];
	[tilespmem:s17+$0x4460] =	vst v1;
	v1 =	vsel vm0, $0x1, v0;
	vm0 =	veq.s32 v6, $0x2  }
0x8e: {  	v6 =	vld [tilespmem:s17+$0x860];
	[tilespmem:s17+$0x4470] =	vst v1;
	v1 =	vsel vm0, $0x1, v0;
	vm0 =	veq.s32 v2, $0x2  }
0x8f: {  	v9 =	vld [tilespmem:s17+$0x870];
	[tilespmem:s17+$0x4800] =	vst v1;
	v1 =	vsel vm0, $0x1, v0;
	vm0 =	veq.s32 v7, $0x2  }
0x90: {  	v7 =	vld [tilespmem:s17+$0xC00];
	[tilespmem:s17+$0x4810] =	vst v1;
	v1 =	vsel vm0, $0x1, v0;
	vm0 =	veq.s32 v3, $0x2  }
0x91: {  	v4 =	vld [tilespmem:s17+$0xC10];
	[tilespmem:s17+$0x4820] =	vst v1;
	v1 =	vsel vm0, $0x1, v0;
	vm0 =	veq.s32 v8, $0x2  }
0x92: {  	[tilespmem:s17+$0x4830] =	vst v1;
	v2 =	vsel vm0, $0x1, v0;
	v1 =	vld [tilespmem:s17+$0xC20];
	vm0 =	veq.s32 v5, $0x2  }
0x93: {  	[tilespmem:s17+$0x4840] =	vst v2;
	v3 =	vsel vm0, $0x1, v0;
	v2 =	vld [tilespmem:s17+$0xC30];
	vm0 =	veq.s32 v6, $0x2  }
0x94: {  	s19 =	simm.s32 $0x200;
	s18 =	simm.s32 $0x80;
	[tilespmem:s17+$0x4850] =	vst v3;
	v5 =	vsel vm0, $0x1, v0;
	v3 =	vld [tilespmem:s17+$0xC40];
	vm0 =	veq.s32 v9, $0x2  }
0x95: {  	s20 =	sand.u32 $0x1000, s19;
	s19 =	simm.s32 $0x400;
	s21 =	sand.u32 $0x380, s18;
	[tilespmem:s17+$0x4860] =	vst v5;
	v6 =	vsel vm0, $0x1, v0;
	vm0 =	veq.s32 v7, $0x2;
	v5 =	vld [tilespmem:s17+$0xC50]  }
.LBB2_4:
0x96: {  	p0 =	sne.s32 s19, $0x1E00;
	s20 =	sor.u32 s21, s20;
	[tilespmem:s17+$0x4870] =	vst v6;
	v6 =	vsel vm0, $0x1, v0;
	vm0 =	veq.s32 v4, $0x2;
	v4 =	vld [tilespmem:s17+$0xC60]  }
0x97: {  	v7 =	vld [tilespmem:s20+$0xC70];
	[tilespmem:s17+$0x4C00] =	vst v6;
	v6 =	vsel vm0, $0x1, v0;
	vm0 =	veq.s32 v1, $0x2  }
0x98: {  	v1 =	vld [tilespmem:s20+$0x0];
	[tilespmem:s17+$0x4C10] =	vst v6;
	v6 =	vsel vm0, $0x1, v0;
	vm0 =	veq.s32 v2, $0x2  }
0x99: {  	v2 =	vld [tilespmem:s20+$0x10];
	[tilespmem:s17+$0x4C20] =	vst v6;
	v6 =	vsel vm0, $0x1, v0;
	vm0 =	veq.s32 v3, $0x2  }
0x9a: {  	v3 =	vld [tilespmem:s20+$0x20];
	[tilespmem:s17+$0x4C30] =	vst v6;
	v6 =	vsel vm0, $0x1, v0;
	vm0 =	veq.s32 v5, $0x2  }
0x9b: {  	v5 =	vld [tilespmem:s20+$0x30];
	[tilespmem:s17+$0x4C40] =	vst v6;
	v6 =	vsel vm0, $0x1, v0;
	vm0 =	veq.s32 v4, $0x2  }
0x9c: {  	v4 =	vld [tilespmem:s20+$0x40];
	vm1 =	veq.s32 v7, $0x2;
	[tilespmem:s17+$0x4C50] =	vst v6;
	v6 =	vsel vm0, $0x1, v0  }
0x9d: {  	vm0 =	veq.s32 v1, $0x2;
	v1 =	vld [tilespmem:s20+$0x50];
	v7 =	vsel vm1, $0x1, v0;
	[tilespmem:s17+$0x4C60] =	vst v6;
	s17 =	smov.u32 s20  }
0x9e: {  	v6 =	vsel vm0, $0x1, v0;
	vm0 =	veq.s32 v2, $0x2;
	v2 =	vld [tilespmem:s17+$0x60];
	[tilespmem:s17+$0x4C70] =	vst v7  }
0x9f: {  	[tilespmem:s17+$0x4000] =	vst v6;
	v6 =	vsel vm0, $0x1, v0;
	vm0 =	veq.s32 v3, $0x2;
	v3 =	vld [tilespmem:s17+$0x70]  }
0xa0: {  	[tilespmem:s17+$0x4010] =	vst v6;
	v6 =	vsel vm0, $0x1, v0;
	vm0 =	veq.s32 v5, $0x2;
	v5 =	vld [tilespmem:s17+$0x400]  }
0xa1: {  	[tilespmem:s17+$0x4020] =	vst v6;
	v6 =	vsel vm0, $0x1, v0;
	vm0 =	veq.s32 v4, $0x2;
	v4 =	vld [tilespmem:s17+$0x410]  }
0xa2: {  	[tilespmem:s17+$0x4030] =	vst v6;
	v6 =	vsel vm0, $0x1, v0;
	vm0 =	veq.s32 v1, $0x2;
	v1 =	vld [tilespmem:s17+$0x420]  }
0xa3: {  	[tilespmem:s17+$0x4040] =	vst v6;
	v6 =	vsel vm0, $0x1, v0;
	vm0 =	veq.s32 v2, $0x2;
	v2 =	vld [tilespmem:s17+$0x430]  }
0xa4: {  	[tilespmem:s17+$0x4050] =	vst v6;
	v6 =	vsel vm0, $0x1, v0;
	vm0 =	veq.s32 v3, $0x2;
	v3 =	vld [tilespmem:s17+$0x440]  }
0xa5: {  	[tilespmem:s17+$0x4060] =	vst v6;
	v6 =	vsel vm0, $0x1, v0;
	vm0 =	veq.s32 v5, $0x2;
	v5 =	vld [tilespmem:s17+$0x450]  }
0xa6: {  	[tilespmem:s17+$0x4070] =	vst v6;
	v6 =	vsel vm0, $0x1, v0;
	vm0 =	veq.s32 v4, $0x2;
	v4 =	vld [tilespmem:s17+$0x460]  }
0xa7: {  	[tilespmem:s17+$0x4400] =	vst v6;
	v6 =	vsel vm0, $0x1, v0;
	vm0 =	veq.s32 v1, $0x2;
	v1 =	vld [tilespmem:s17+$0x470]  }
0xa8: {  	[tilespmem:s17+$0x4410] =	vst v6;
	v6 =	vsel vm0, $0x1, v0;
	vm0 =	veq.s32 v2, $0x2;
	v2 =	vld [tilespmem:s17+$0x800]  }
0xa9: {  	[tilespmem:s17+$0x4420] =	vst v6;
	v6 =	vsel vm0, $0x1, v0;
	vm0 =	veq.s32 v3, $0x2;
	v3 =	vld [tilespmem:s17+$0x810]  }
0xaa: {  	[tilespmem:s17+$0x4430] =	vst v6;
	v6 =	vsel vm0, $0x1, v0;
	vm0 =	veq.s32 v5, $0x2;
	v5 =	vld [tilespmem:s17+$0x820]  }
0xab: {  	[tilespmem:s17+$0x4440] =	vst v6;
	v6 =	vsel vm0, $0x1, v0;
	vm0 =	veq.s32 v4, $0x2;
	v4 =	vld [tilespmem:s17+$0x830]  }
0xac: {  	[tilespmem:s17+$0x4450] =	vst v6;
	v6 =	vsel vm0, $0x1, v0;
	vm0 =	veq.s32 v1, $0x2;
	v1 =	vld [tilespmem:s17+$0x840]  }
0xad: {  	[tilespmem:s17+$0x4460] =	vst v6;
	v6 =	vsel vm0, $0x1, v0;
	vm0 =	veq.s32 v2, $0x2;
	v2 =	vld [tilespmem:s17+$0x850]  }
0xae: {  	[tilespmem:s17+$0x4470] =	vst v6;
	v6 =	vsel vm0, $0x1, v0;
	vm0 =	veq.s32 v3, $0x2;
	v3 =	vld [tilespmem:s17+$0x860]  }
0xaf: {  	[tilespmem:s17+$0x4800] =	vst v6;
	v6 =	vsel vm0, $0x1, v0;
	vm0 =	veq.s32 v5, $0x2;
	v5 =	vld [tilespmem:s17+$0x870]  }
0xb0: {  	[tilespmem:s17+$0x4810] =	vst v6;
	v6 =	vsel vm0, $0x1, v0;
	vm0 =	veq.s32 v4, $0x2;
	v7 =	vld [tilespmem:s17+$0xC00]  }
.Ltmp1:
0xb1: {  	[tilespmem:s17+$0x4820] =	vst v6;
	v6 =	vsel vm0, $0x1, v0;
	vm0 =	veq.s32 v1, $0x2;
	v4 =	vld [tilespmem:s17+$0xC10];
	(pc) =	sbr.rel @p0 .LBB2_4-.Ltmp1, $4  }
0xb2: {  	[tilespmem:s17+$0x4830] =	vst v6;
	v6 =	vsel vm0, $0x1, v0;
	vm0 =	veq.s32 v2, $0x2;
	v1 =	vld [tilespmem:s17+$0xC20]  }
0xb3: {  	[tilespmem:s17+$0x4840] =	vst v6;
	v6 =	vsel vm0, $0x1, v0;
	vm0 =	veq.s32 v3, $0x2;
	v2 =	vld [tilespmem:s17+$0xC30]  }
0xb4: {  	s18 =	sadd.s32 $0x80, s18;
	[tilespmem:s17+$0x4850] =	vst v6;
	v6 =	vsel vm0, $0x1, v0;
	vm0 =	veq.s32 v5, $0x2;
	v3 =	vld [tilespmem:s17+$0xC40]  }
0xb5: {  	s21 =	sand.u32 $0x380, s18;
	s20 =	sand.u32 $0x1000, s19;
	s19 =	sadd.s32 $0x200, s19;
	[tilespmem:s17+$0x4860] =	vst v6;
	v6 =	vsel vm0, $0x1, v0;
	vm0 =	veq.s32 v7, $0x2;
	v5 =	vld [tilespmem:s17+$0xC50]  }
0xb6: {  	[tilespmem:s17+$0x4870] =	vst v6;
	s18 =	sor.u32 s21, s20;
	v45 =	vld [tilespmem:s17+$0xC60];
	v7 =	vsel vm0, $0x1, v0;
	vm15 =	veq.s32 v4, $0x2  }
0xb7: {  	v8 =	vld [tilespmem:s18+$0xC70];
	[tilespmem:s17+$0x4C00] =	vst v7;
	v4 =	vsel vm15, $0x1, v0;
	vm4 =	veq.s32 v1, $0x2  }
0xb8: {  	v7 =	vld [tilespmem:s18+$0x0];
	[tilespmem:s17+$0x4C10] =	vst v4;
	v1 =	vsel vm4, $0x1, v0;
	vm5 =	veq.s32 v2, $0x2  }
0xb9: {  	v4 =	vld [tilespmem:s18+$0x10];
	[tilespmem:s17+$0x4C20] =	vst v1;
	v1 =	vsel vm5, $0x1, v0;
	vm6 =	veq.s32 v3, $0x2  }
0xba: {  	v2 =	vld [tilespmem:s18+$0x20];
	[tilespmem:s17+$0x4C30] =	vst v1;
	v1 =	vsel vm6, $0x1, v0;
	vm7 =	veq.s32 v5, $0x2  }
0xbb: {  	v3 =	vld [tilespmem:s18+$0x30];
	[tilespmem:s17+$0x4C40] =	vst v1;
	v1 =	vsel vm7, $0x1, v0;
	vm8 =	veq.s32 v45, $0x2  }
0xbc: {  	v46 =	vld [tilespmem:s18+$0x40];
	[tilespmem:s17+$0x4C50] =	vst v1;
	vm1 =	veq.s32 v8, $0x2;
	v1 =	vsel vm8, $0x1, v0  }
0xbd: {  	v47 =	vld [tilespmem:s18+$0x50];
	vm9 =	veq.s32 v7, $0x2;
	v48 =	vsel vm1, $0x1, v0;
	[tilespmem:s17+$0x4C60] =	vst v1  }
0xbe: {  	v1 =	vsel vm9, $0x1, v0;
	vm10 =	veq.s32 v4, $0x2;
	v49 =	vld [tilespmem:s18+$0x60];
	[tilespmem:s18+$0x4C70] =	vst v48  }
0xbf: {  	[tilespmem:s18+$0x4000] =	vst v1;
	v1 =	vsel vm10, $0x1, v0;
	vm11 =	veq.s32 v2, $0x2;
	v2 =	vld [tilespmem:s18+$0x70]  }
0xc0: {  	[tilespmem:s18+$0x4010] =	vst v1;
	v1 =	vsel vm11, $0x1, v0;
	vm12 =	veq.s32 v3, $0x2;
	v3 =	vld [tilespmem:s18+$0x400]  }
0xc1: {  	v50 =	vld [tilespmem:s18+$0x410];
	[tilespmem:s18+$0x4020] =	vst v1;
	v1 =	vsel vm12, $0x1, v0;
	vm13 =	veq.s32 v46, $0x2  }
0xc2: {  	v51 =	vld [tilespmem:s18+$0x420];
	[tilespmem:s18+$0x4030] =	vst v1;
	v1 =	vsel vm13, $0x1, v0;
	vm14 =	veq.s32 v47, $0x2  }
0xc3: {  	v52 =	vld [tilespmem:s18+$0x430];
	[tilespmem:s18+$0x4040] =	vst v1;
	v1 =	vsel vm14, $0x1, v0;
	vm15 =	veq.s32 v49, $0x2  }
0xc4: {  	[tilespmem:s18+$0x4050] =	vst v1;
	v1 =	vsel vm15, $0x1, v0;
	vm4 =	veq.s32 v2, $0x2;
	v2 =	vld [tilespmem:s18+$0x440]  }
0xc5: {  	[tilespmem:s18+$0x4060] =	vst v1;
	v1 =	vsel vm4, $0x1, v0;
	vm5 =	veq.s32 v3, $0x2;
	v3 =	vld [tilespmem:s18+$0x450]  }
0xc6: {  	v53 =	vld [tilespmem:s18+$0x460];
	vm6 =	veq.s32 v50, $0x2;
	[tilespmem:s18+$0x4070] =	vst v1;
	v1 =	vsel vm5, $0x1, v0  }
0xc7: {  	v54 =	vld [tilespmem:s18+$0x470];
	vm7 =	veq.s32 v51, $0x2;
	[tilespmem:s18+$0x4400] =	vst v1;
	v1 =	vsel vm6, $0x1, v0  }
0xc8: {  	v55 =	vld [tilespmem:s18+$0x800];
	vm8 =	veq.s32 v52, $0x2;
	[tilespmem:s18+$0x4410] =	vst v1;
	v1 =	vsel vm7, $0x1, v0  }
0xc9: {  	[tilespmem:s18+$0x4420] =	vst v1;
	v1 =	vsel vm8, $0x1, v0;
	vm9 =	veq.s32 v2, $0x2;
	v2 =	vld [tilespmem:s18+$0x810]  }
0xca: {  	[tilespmem:s18+$0x4430] =	vst v1;
	v1 =	vsel vm9, $0x1, v0;
	vm10 =	veq.s32 v3, $0x2;
	v3 =	vld [tilespmem:s18+$0x820]  }
0xcb: {  	v56 =	vld [tilespmem:s18+$0x830];
	vm11 =	veq.s32 v53, $0x2;
	[tilespmem:s18+$0x4440] =	vst v1;
	v1 =	vsel vm10, $0x1, v0  }
0xcc: {  	v57 =	vld [tilespmem:s18+$0x840];
	vm12 =	veq.s32 v54, $0x2;
	[tilespmem:s18+$0x4450] =	vst v1;
	v1 =	vsel vm11, $0x1, v0  }
0xcd: {  	v58 =	vld [tilespmem:s18+$0x850];
	vm13 =	veq.s32 v55, $0x2;
	[tilespmem:s18+$0x4460] =	vst v1;
	v1 =	vsel vm12, $0x1, v0  }
0xce: {  	[tilespmem:s18+$0x4470] =	vst v1;
	v1 =	vsel vm13, $0x1, v0;
	vm14 =	veq.s32 v2, $0x2;
	v2 =	vld [tilespmem:s18+$0x860]  }
0xcf: {  	[tilespmem:s18+$0x4800] =	vst v1;
	v1 =	vsel vm14, $0x1, v0;
	vm15 =	veq.s32 v3, $0x2;
	v3 =	vld [tilespmem:s18+$0x870]  }
0xd0: {  	v59 =	vld [tilespmem:s18+$0xC00];
	vm4 =	veq.s32 v56, $0x2;
	[tilespmem:s18+$0x4810] =	vst v1;
	v1 =	vsel vm15, $0x1, v0  }
0xd1: {  	v60 =	vld [tilespmem:s18+$0xC10];
	vm5 =	veq.s32 v57, $0x2;
	[tilespmem:s18+$0x4820] =	vst v1;
	v1 =	vsel vm4, $0x1, v0  }
0xd2: {  	v61 =	vld [tilespmem:s18+$0xC20];
	vm6 =	veq.s32 v58, $0x2;
	[tilespmem:s18+$0x4830] =	vst v1;
	v1 =	vsel vm5, $0x1, v0  }
0xd3: {  	[tilespmem:s18+$0x4840] =	vst v1;
	v1 =	vsel vm6, $0x1, v0;
	vm7 =	veq.s32 v2, $0x2;
	v2 =	vld [tilespmem:s18+$0xC30]  }
0xd4: {  	[tilespmem:s18+$0x4850] =	vst v1;
	v1 =	vsel vm7, $0x1, v0;
	vm8 =	veq.s32 v3, $0x2;
	v3 =	vld [tilespmem:s18+$0xC40]  }
0xd5: {  	v62 =	vld [tilespmem:s18+$0xC50];
	vm9 =	veq.s32 v59, $0x2;
	[tilespmem:s18+$0x4860] =	vst v1;
	v1 =	vsel vm8, $0x1, v0  }
0xd6: {  	v63 =	vld [tilespmem:s18+$0xC60];
	vm10 =	veq.s32 v60, $0x2;
	[tilespmem:s18+$0x4870] =	vst v1;
	v1 =	vsel vm9, $0x1, v0  }
0xd7: {  	vm11 =	veq.s32 v61, $0x2;
	[tilespmem:s18+$0x4C00] =	vst v1;
	v1 =	vsel vm10, $0x1, v0  }
0xd8: {  	[tilespmem:s18+$0x4C10] =	vst v1;
	v1 =	vsel vm11, $0x1, v0;
	vm12 =	veq.s32 v2, $0x2  }
0xd9: {  	[tilespmem:s18+$0x4C20] =	vst v1;
	v1 =	vsel vm12, $0x1, v0;
	vm13 =	veq.s32 v3, $0x2  }
0xda: {  	vm14 =	veq.s32 v62, $0x2;
	[tilespmem:s18+$0x4C30] =	vst v1;
	v1 =	vsel vm13, $0x1, v0  }
0xdb: {  	vm15 =	veq.s32 v63, $0x2;
	[tilespmem:s18+$0x4C40] =	vst v1;
	v1 =	vsel vm14, $0x1, v0  }
0xdc: {  	[tilespmem:s18+$0x4C50] =	vst v1;
	v1 =	vsel vm15, $0x1, v0  }
0xdd: {  	s17 =	simm.s32 $0x0;
	[tilespmem:s18+$0x4C60] =	vst v1;
	s18 =	simm.s32 $0x0  }
0xde: {  	[hbm4b:s6+s17] =	stream.linear.scatter [tilespmem:s13], [sflag:$0x2], $0x2000, $0x38;
	[tilespmem:$0x6000] =	vst v63  }
.LBB2_6:
0xdf: {  	_ =	swait.ge [sflag:s14], $0x2000  }
0xe0: {  	s19 =	sand.u32 $0x1000, s17;
	s20 =	sand.u32 $0x380, s17;
	[sflag:s14] =	ssyncset.done $0x0  }
0xe1: {  	s19 =	sor.u32 s20, s19;
	[sflag:s14] =	ssyncadd.s32 $0xFFFFE000  }
0xe2: {  	v2 =	vld [tilespmem:s19+$0xC70]  }
0xe3: {  	v3 =	vld [tilespmem:s19+$0x0]  }
0xe4: {  	s20 =	sshll.u32 s18, $0x1;
	v4 =	vld [tilespmem:s19+$0x10]  }
0xe5: {  	s21 =	sadd.s32 $0x3, s20;
	v5 =	vld [tilespmem:s19+$0x20]  }
0xe6: {  	v6 =	vld [tilespmem:s19+$0x30];
	v1 =	vmov s21  }
0xe7: {  	v7 =	vld [tilespmem:s19+$0x40];
	vm0 =	veq.s32 v2, v1  }
0xe8: {  	v2 =	vld [tilespmem:s19+$0x50];
	vm1 =	veq.s32 v3, v1;
	v3 =	vsel vm0, $0x1, v0  }
0xe9: {  	v8 =	vld [tilespmem:s19+$0x60];
	vm0 =	veq.s32 v4, v1;
	[tilespmem:s19+$0x2C70] =	vst v3;
	v3 =	vsel vm1, $0x1, v0  }
0xea: {  	v4 =	vld [tilespmem:s19+$0x70];
	[tilespmem:s19+$0x2000] =	vst v3;
	v3 =	vsel vm0, $0x1, v0;
	vm0 =	veq.s32 v5, v1  }
0xeb: {  	v5 =	vld [tilespmem:s19+$0x400];
	[tilespmem:s19+$0x2010] =	vst v3;
	v3 =	vsel vm0, $0x1, v0;
	vm0 =	veq.s32 v6, v1  }
0xec: {  	v6 =	vld [tilespmem:s19+$0x410];
	[tilespmem:s19+$0x2020] =	vst v3;
	v3 =	vsel vm0, $0x1, v0;
	vm0 =	veq.s32 v7, v1  }
0xed: {  	v7 =	vld [tilespmem:s19+$0x420];
	[tilespmem:s19+$0x2030] =	vst v3;
	v3 =	vsel vm0, $0x1, v0;
	vm0 =	veq.s32 v2, v1  }
0xee: {  	[tilespmem:s19+$0x2040] =	vst v3;
	v2 =	vsel vm0, $0x1, v0;
	v3 =	vld [tilespmem:s19+$0x430];
	vm0 =	veq.s32 v8, v1  }
0xef: {  	v8 =	vld [tilespmem:s19+$0x440];
	[tilespmem:s19+$0x2050] =	vst v2;
	v2 =	vsel vm0, $0x1, v0;
	vm0 =	veq.s32 v4, v1  }
0xf0: {  	v4 =	vld [tilespmem:s19+$0x450];
	[tilespmem:s19+$0x2060] =	vst v2;
	v2 =	vsel vm0, $0x1, v0;
	vm0 =	veq.s32 v5, v1  }
0xf1: {  	v5 =	vld [tilespmem:s19+$0x460];
	[tilespmem:s19+$0x2070] =	vst v2;
	v2 =	vsel vm0, $0x1, v0;
	vm0 =	veq.s32 v6, v1  }
0xf2: {  	v6 =	vld [tilespmem:s19+$0x470];
	[tilespmem:s19+$0x2400] =	vst v2;
	v2 =	vsel vm0, $0x1, v0;
	vm0 =	veq.s32 v7, v1  }
0xf3: {  	v7 =	vld [tilespmem:s19+$0x800];
	[tilespmem:s19+$0x2410] =	vst v2;
	v2 =	vsel vm0, $0x1, v0;
	vm0 =	veq.s32 v3, v1  }
0xf4: {  	v3 =	vld [tilespmem:s19+$0x810];
	[tilespmem:s19+$0x2420] =	vst v2;
	v2 =	vsel vm0, $0x1, v0;
	vm0 =	veq.s32 v8, v1  }
0xf5: {  	v8 =	vld [tilespmem:s19+$0x820];
	[tilespmem:s19+$0x2430] =	vst v2;
	v2 =	vsel vm0, $0x1, v0;
	vm0 =	veq.s32 v4, v1  }
0xf6: {  	v4 =	vld [tilespmem:s19+$0x830];
	[tilespmem:s19+$0x2440] =	vst v2;
	v2 =	vsel vm0, $0x1, v0;
	vm0 =	veq.s32 v5, v1  }
0xf7: {  	v9 =	vld [tilespmem:s19+$0x840];
	[tilespmem:s19+$0x2450] =	vst v2;
	v2 =	vsel vm0, $0x1, v0;
	vm0 =	veq.s32 v6, v1  }
0xf8: {  	v6 =	vld [tilespmem:s19+$0x850];
	[tilespmem:s19+$0x2460] =	vst v2;
	v2 =	vsel vm0, $0x1, v0;
	vm0 =	veq.s32 v7, v1  }
0xf9: {  	v7 =	vld [tilespmem:s19+$0x860];
	[tilespmem:s19+$0x2470] =	vst v2;
	v2 =	vsel vm0, $0x1, v0;
	vm0 =	veq.s32 v3, v1  }
0xfa: {  	v10 =	vld [tilespmem:s19+$0x870];
	[tilespmem:s19+$0x2800] =	vst v2;
	v2 =	vsel vm0, $0x1, v0;
	vm0 =	veq.s32 v8, v1  }
0xfb: {  	v8 =	vld [tilespmem:s19+$0xC00];
	[tilespmem:s19+$0x2810] =	vst v2;
	v2 =	vsel vm0, $0x1, v0;
	vm0 =	veq.s32 v4, v1  }
0xfc: {  	v5 =	vld [tilespmem:s19+$0xC10];
	[tilespmem:s19+$0x2820] =	vst v2;
	v2 =	vsel vm0, $0x1, v0;
	vm0 =	veq.s32 v9, v1  }
0xfd: {  	[tilespmem:s19+$0x2830] =	vst v2;
	v3 =	vsel vm0, $0x1, v0;
	v2 =	vld [tilespmem:s19+$0xC20];
	vm0 =	veq.s32 v6, v1  }
0xfe: {  	[tilespmem:s19+$0x2840] =	vst v3;
	v4 =	vsel vm0, $0x1, v0;
	v3 =	vld [tilespmem:s19+$0xC30];
	vm0 =	veq.s32 v7, v1  }
0xff: {  	s22 =	simm.s32 $0x200;
	s21 =	simm.s32 $0x80;
	[tilespmem:s19+$0x2850] =	vst v4;
	v6 =	vsel vm0, $0x1, v0;
	v4 =	vld [tilespmem:s19+$0xC40];
	vm0 =	veq.s32 v10, v1  }
0x100: {  	s23 =	sand.u32 $0x1000, s22;
	s22 =	simm.s32 $0x400;
	s24 =	sand.u32 $0x380, s21;
	[tilespmem:s19+$0x2860] =	vst v6;
	v7 =	vsel vm0, $0x1, v0;
	vm0 =	veq.s32 v8, v1;
	v6 =	vld [tilespmem:s19+$0xC50]  }
.LBB2_7:
0x101: {  	p0 =	sne.s32 s22, $0x1E00;
	s23 =	sor.u32 s24, s23;
	[tilespmem:s19+$0x2870] =	vst v7;
	v7 =	vsel vm0, $0x1, v0;
	vm0 =	veq.s32 v5, v1;
	v5 =	vld [tilespmem:s19+$0xC60]  }
0x102: {  	v8 =	vld [tilespmem:s23+$0xC70];
	[tilespmem:s19+$0x2C00] =	vst v7;
	v7 =	vsel vm0, $0x1, v0;
	vm0 =	veq.s32 v2, v1  }
0x103: {  	v2 =	vld [tilespmem:s23+$0x0];
	[tilespmem:s19+$0x2C10] =	vst v7;
	v7 =	vsel vm0, $0x1, v0;
	vm0 =	veq.s32 v3, v1  }
0x104: {  	v3 =	vld [tilespmem:s23+$0x10];
	[tilespmem:s19+$0x2C20] =	vst v7;
	v7 =	vsel vm0, $0x1, v0;
	vm0 =	veq.s32 v4, v1  }
0x105: {  	v4 =	vld [tilespmem:s23+$0x20];
	[tilespmem:s19+$0x2C30] =	vst v7;
	v7 =	vsel vm0, $0x1, v0;
	vm0 =	veq.s32 v6, v1  }
0x106: {  	v6 =	vld [tilespmem:s23+$0x30];
	[tilespmem:s19+$0x2C40] =	vst v7;
	v7 =	vsel vm0, $0x1, v0;
	vm0 =	veq.s32 v5, v1  }
0x107: {  	v5 =	vld [tilespmem:s23+$0x40];
	vm1 =	veq.s32 v8, v1;
	[tilespmem:s19+$0x2C50] =	vst v7;
	v7 =	vsel vm0, $0x1, v0  }
0x108: {  	vm0 =	veq.s32 v2, v1;
	v2 =	vld [tilespmem:s23+$0x50];
	v8 =	vsel vm1, $0x1, v0;
	[tilespmem:s19+$0x2C60] =	vst v7;
	s19 =	smov.u32 s23  }
0x109: {  	v7 =	vsel vm0, $0x1, v0;
	vm0 =	veq.s32 v3, v1;
	v3 =	vld [tilespmem:s19+$0x60];
	[tilespmem:s19+$0x2C70] =	vst v8  }
0x10a: {  	[tilespmem:s19+$0x2000] =	vst v7;
	v7 =	vsel vm0, $0x1, v0;
	vm0 =	veq.s32 v4, v1;
	v4 =	vld [tilespmem:s19+$0x70]  }
0x10b: {  	[tilespmem:s19+$0x2010] =	vst v7;
	v7 =	vsel vm0, $0x1, v0;
	vm0 =	veq.s32 v6, v1;
	v6 =	vld [tilespmem:s19+$0x400]  }
0x10c: {  	[tilespmem:s19+$0x2020] =	vst v7;
	v7 =	vsel vm0, $0x1, v0;
	vm0 =	veq.s32 v5, v1;
	v5 =	vld [tilespmem:s19+$0x410]  }
0x10d: {  	[tilespmem:s19+$0x2030] =	vst v7;
	v7 =	vsel vm0, $0x1, v0;
	vm0 =	veq.s32 v2, v1;
	v2 =	vld [tilespmem:s19+$0x420]  }
0x10e: {  	[tilespmem:s19+$0x2040] =	vst v7;
	v7 =	vsel vm0, $0x1, v0;
	vm0 =	veq.s32 v3, v1;
	v3 =	vld [tilespmem:s19+$0x430]  }
0x10f: {  	[tilespmem:s19+$0x2050] =	vst v7;
	v7 =	vsel vm0, $0x1, v0;
	vm0 =	veq.s32 v4, v1;
	v4 =	vld [tilespmem:s19+$0x440]  }
0x110: {  	[tilespmem:s19+$0x2060] =	vst v7;
	v7 =	vsel vm0, $0x1, v0;
	vm0 =	veq.s32 v6, v1;
	v6 =	vld [tilespmem:s19+$0x450]  }
0x111: {  	[tilespmem:s19+$0x2070] =	vst v7;
	v7 =	vsel vm0, $0x1, v0;
	vm0 =	veq.s32 v5, v1;
	v5 =	vld [tilespmem:s19+$0x460]  }
0x112: {  	[tilespmem:s19+$0x2400] =	vst v7;
	v7 =	vsel vm0, $0x1, v0;
	vm0 =	veq.s32 v2, v1;
	v2 =	vld [tilespmem:s19+$0x470]  }
0x113: {  	[tilespmem:s19+$0x2410] =	vst v7;
	v7 =	vsel vm0, $0x1, v0;
	vm0 =	veq.s32 v3, v1;
	v3 =	vld [tilespmem:s19+$0x800]  }
0x114: {  	[tilespmem:s19+$0x2420] =	vst v7;
	v7 =	vsel vm0, $0x1, v0;
	vm0 =	veq.s32 v4, v1;
	v4 =	vld [tilespmem:s19+$0x810]  }
0x115: {  	[tilespmem:s19+$0x2430] =	vst v7;
	v7 =	vsel vm0, $0x1, v0;
	vm0 =	veq.s32 v6, v1;
	v6 =	vld [tilespmem:s19+$0x820]  }
0x116: {  	[tilespmem:s19+$0x2440] =	vst v7;
	v7 =	vsel vm0, $0x1, v0;
	vm0 =	veq.s32 v5, v1;
	v5 =	vld [tilespmem:s19+$0x830]  }
0x117: {  	[tilespmem:s19+$0x2450] =	vst v7;
	v7 =	vsel vm0, $0x1, v0;
	vm0 =	veq.s32 v2, v1;
	v2 =	vld [tilespmem:s19+$0x840]  }
0x118: {  	[tilespmem:s19+$0x2460] =	vst v7;
	v7 =	vsel vm0, $0x1, v0;
	vm0 =	veq.s32 v3, v1;
	v3 =	vld [tilespmem:s19+$0x850]  }
0x119: {  	[tilespmem:s19+$0x2470] =	vst v7;
	v7 =	vsel vm0, $0x1, v0;
	vm0 =	veq.s32 v4, v1;
	v4 =	vld [tilespmem:s19+$0x860]  }
0x11a: {  	[tilespmem:s19+$0x2800] =	vst v7;
	v7 =	vsel vm0, $0x1, v0;
	vm0 =	veq.s32 v6, v1;
	v6 =	vld [tilespmem:s19+$0x870]  }
0x11b: {  	[tilespmem:s19+$0x2810] =	vst v7;
	v7 =	vsel vm0, $0x1, v0;
	vm0 =	veq.s32 v5, v1;
	v8 =	vld [tilespmem:s19+$0xC00]  }
.Ltmp2:
0x11c: {  	[tilespmem:s19+$0x2820] =	vst v7;
	v7 =	vsel vm0, $0x1, v0;
	vm0 =	veq.s32 v2, v1;
	v5 =	vld [tilespmem:s19+$0xC10];
	(pc) =	sbr.rel @p0 .LBB2_7-.Ltmp2, $4  }
0x11d: {  	[tilespmem:s19+$0x2830] =	vst v7;
	v7 =	vsel vm0, $0x1, v0;
	vm0 =	veq.s32 v3, v1;
	v2 =	vld [tilespmem:s19+$0xC20]  }
0x11e: {  	[tilespmem:s19+$0x2840] =	vst v7;
	v7 =	vsel vm0, $0x1, v0;
	vm0 =	veq.s32 v4, v1;
	v3 =	vld [tilespmem:s19+$0xC30]  }
0x11f: {  	s21 =	sadd.s32 $0x80, s21;
	[tilespmem:s19+$0x2850] =	vst v7;
	v7 =	vsel vm0, $0x1, v0;
	vm0 =	veq.s32 v6, v1;
	v4 =	vld [tilespmem:s19+$0xC40]  }
0x120: {  	s24 =	sand.u32 $0x380, s21;
	s23 =	sand.u32 $0x1000, s22;
	s22 =	sadd.s32 $0x200, s22;
	[tilespmem:s19+$0x2860] =	vst v7;
	v7 =	vsel vm0, $0x1, v0;
	vm0 =	veq.s32 v8, v1;
	v6 =	vld [tilespmem:s19+$0xC50]  }
0x121: {  	[tilespmem:s19+$0x2870] =	vst v7;
	s21 =	sor.u32 s24, s23;
	v7 =	vld [tilespmem:s19+$0xC60];
	v8 =	vsel vm0, $0x1, v0;
	vm0 =	veq.s32 v5, v1  }
0x122: {  	v9 =	vld [tilespmem:s21+$0xC70];
	[tilespmem:s19+$0x2C00] =	vst v8;
	v5 =	vsel vm0, $0x1, v0;
	vm0 =	veq.s32 v2, v1  }
0x123: {  	v8 =	vld [tilespmem:s21+$0x0];
	[tilespmem:s19+$0x2C10] =	vst v5;
	v2 =	vsel vm0, $0x1, v0;
	vm0 =	veq.s32 v3, v1  }
0x124: {  	v5 =	vld [tilespmem:s21+$0x10];
	[tilespmem:s19+$0x2C20] =	vst v2;
	v2 =	vsel vm0, $0x1, v0;
	vm0 =	veq.s32 v4, v1  }
0x125: {  	v3 =	vld [tilespmem:s21+$0x20];
	[tilespmem:s19+$0x2C30] =	vst v2;
	v2 =	vsel vm0, $0x1, v0;
	vm0 =	veq.s32 v6, v1  }
0x126: {  	v4 =	vld [tilespmem:s21+$0x30];
	[tilespmem:s19+$0x2C40] =	vst v2;
	v2 =	vsel vm0, $0x1, v0;
	vm0 =	veq.s32 v7, v1  }
0x127: {  	v6 =	vld [tilespmem:s21+$0x40];
	[tilespmem:s19+$0x2C50] =	vst v2;
	vm1 =	veq.s32 v9, v1;
	v2 =	vsel vm0, $0x1, v0  }
0x128: {  	v7 =	vld [tilespmem:s21+$0x50];
	vm0 =	veq.s32 v8, v1;
	v8 =	vsel vm1, $0x1, v0;
	[tilespmem:s19+$0x2C60] =	vst v2  }
0x129: {  	v2 =	vsel vm0, $0x1, v0;
	vm0 =	veq.s32 v5, v1;
	v5 =	vld [tilespmem:s21+$0x60];
	[tilespmem:s21+$0x2C70] =	vst v8  }
0x12a: {  	[tilespmem:s21+$0x2000] =	vst v2;
	v2 =	vsel vm0, $0x1, v0;
	vm0 =	veq.s32 v3, v1;
	v3 =	vld [tilespmem:s21+$0x70]  }
0x12b: {  	[tilespmem:s21+$0x2010] =	vst v2;
	v2 =	vsel vm0, $0x1, v0;
	vm0 =	veq.s32 v4, v1;
	v4 =	vld [tilespmem:s21+$0x400]  }
0x12c: {  	[tilespmem:s21+$0x2020] =	vst v2;
	v2 =	vsel vm0, $0x1, v0;
	vm0 =	veq.s32 v6, v1;
	v6 =	vld [tilespmem:s21+$0x410]  }
0x12d: {  	[tilespmem:s21+$0x2030] =	vst v2;
	v2 =	vsel vm0, $0x1, v0;
	vm0 =	veq.s32 v7, v1;
	v7 =	vld [tilespmem:s21+$0x420]  }
0x12e: {  	[tilespmem:s21+$0x2040] =	vst v2;
	v2 =	vsel vm0, $0x1, v0;
	vm0 =	veq.s32 v5, v1;
	v5 =	vld [tilespmem:s21+$0x430]  }
0x12f: {  	[tilespmem:s21+$0x2050] =	vst v2;
	v2 =	vsel vm0, $0x1, v0;
	vm0 =	veq.s32 v3, v1;
	v3 =	vld [tilespmem:s21+$0x440]  }
0x130: {  	[tilespmem:s21+$0x2060] =	vst v2;
	v2 =	vsel vm0, $0x1, v0;
	vm0 =	veq.s32 v4, v1;
	v4 =	vld [tilespmem:s21+$0x450]  }
0x131: {  	[tilespmem:s21+$0x2070] =	vst v2;
	v2 =	vsel vm0, $0x1, v0;
	vm0 =	veq.s32 v6, v1;
	v6 =	vld [tilespmem:s21+$0x460]  }
0x132: {  	[tilespmem:s21+$0x2400] =	vst v2;
	v2 =	vsel vm0, $0x1, v0;
	vm0 =	veq.s32 v7, v1;
	v7 =	vld [tilespmem:s21+$0x470]  }
0x133: {  	[tilespmem:s21+$0x2410] =	vst v2;
	v2 =	vsel vm0, $0x1, v0;
	vm0 =	veq.s32 v5, v1;
	v5 =	vld [tilespmem:s21+$0x800]  }
0x134: {  	[tilespmem:s21+$0x2420] =	vst v2;
	v2 =	vsel vm0, $0x1, v0;
	vm0 =	veq.s32 v3, v1;
	v3 =	vld [tilespmem:s21+$0x810]  }
0x135: {  	[tilespmem:s21+$0x2430] =	vst v2;
	v2 =	vsel vm0, $0x1, v0;
	vm0 =	veq.s32 v4, v1;
	v4 =	vld [tilespmem:s21+$0x820]  }
0x136: {  	[tilespmem:s21+$0x2440] =	vst v2;
	v2 =	vsel vm0, $0x1, v0;
	vm0 =	veq.s32 v6, v1;
	v6 =	vld [tilespmem:s21+$0x830]  }
0x137: {  	[tilespmem:s21+$0x2450] =	vst v2;
	v2 =	vsel vm0, $0x1, v0;
	vm0 =	veq.s32 v7, v1;
	v7 =	vld [tilespmem:s21+$0x840]  }
0x138: {  	[tilespmem:s21+$0x2460] =	vst v2;
	v2 =	vsel vm0, $0x1, v0;
	vm0 =	veq.s32 v5, v1;
	v5 =	vld [tilespmem:s21+$0x850]  }
0x139: {  	[tilespmem:s21+$0x2470] =	vst v2;
	v2 =	vsel vm0, $0x1, v0;
	vm0 =	veq.s32 v3, v1;
	v3 =	vld [tilespmem:s21+$0x860]  }
0x13a: {  	[tilespmem:s21+$0x2800] =	vst v2;
	v2 =	vsel vm0, $0x1, v0;
	vm0 =	veq.s32 v4, v1;
	v4 =	vld [tilespmem:s21+$0x870]  }
0x13b: {  	[tilespmem:s21+$0x2810] =	vst v2;
	v2 =	vsel vm0, $0x1, v0;
	vm0 =	veq.s32 v6, v1;
	v6 =	vld [tilespmem:s21+$0xC00]  }
0x13c: {  	[tilespmem:s21+$0x2820] =	vst v2;
	v2 =	vsel vm0, $0x1, v0;
	vm0 =	veq.s32 v7, v1;
	v7 =	vld [tilespmem:s21+$0xC10]  }
0x13d: {  	[tilespmem:s21+$0x2830] =	vst v2;
	v2 =	vsel vm0, $0x1, v0;
	vm0 =	veq.s32 v5, v1;
	v5 =	vld [tilespmem:s21+$0xC20]  }
0x13e: {  	[tilespmem:s21+$0x2840] =	vst v2;
	v2 =	vsel vm0, $0x1, v0;
	vm0 =	veq.s32 v3, v1;
	v3 =	vld [tilespmem:s21+$0xC30]  }
0x13f: {  	[tilespmem:s21+$0x2850] =	vst v2;
	v2 =	vsel vm0, $0x1, v0;
	vm0 =	veq.s32 v4, v1;
	v4 =	vld [tilespmem:s21+$0xC40]  }
0x140: {  	[tilespmem:s21+$0x2860] =	vst v2;
	v2 =	vsel vm0, $0x1, v0;
	vm0 =	veq.s32 v6, v1;
	v6 =	vld [tilespmem:s21+$0xC50]  }
0x141: {  	[tilespmem:s21+$0x2870] =	vst v2;
	v2 =	vsel vm0, $0x1, v0;
	vm0 =	veq.s32 v7, v1;
	v7 =	vld [tilespmem:s21+$0xC60]  }
0x142: {  	[tilespmem:s21+$0x2C00] =	vst v2;
	v2 =	vsel vm0, $0x1, v0;
	vm0 =	veq.s32 v5, v1  }
0x143: {  	[tilespmem:s21+$0x2C10] =	vst v2;
	v2 =	vsel vm0, $0x1, v0;
	vm0 =	veq.s32 v3, v1  }
0x144: {  	[tilespmem:s21+$0x2C20] =	vst v2;
	v2 =	vsel vm0, $0x1, v0;
	vm0 =	veq.s32 v4, v1  }
0x145: {  	s19 =	sshll.u32 s18, $0x13;
	[tilespmem:s21+$0x2C30] =	vst v2;
	v2 =	vsel vm0, $0x1, v0;
	vm0 =	veq.s32 v6, v1  }
0x146: {  	s22 =	sadd.s32 s7, s19;
	[tilespmem:s21+$0x2C40] =	vst v2;
	v2 =	vsel vm0, $0x1, v0;
	vm0 =	veq.s32 v7, v1  }
0x147: {  	s22 =	sshrl.u32 s22, $0x3;
	[tilespmem:s21+$0x2C50] =	vst v2;
	v1 =	vsel vm0, $0x1, v0  }
0x148: {  	s29 =	simm.s32 $0x0;
	s28 =	sadd.s32 s2, s22;
	[tilespmem:s21+$0x2C60] =	vst v1  }
0x149: {  	[hbm4b:s28+s29] =	stream.linear.scatter [tilespmem:s12], [sflag:$0x1], $0x2000, $0x38;
	[tilespmem:$0x6000] =	vst v63  }
0x14a: {  	_ =	swait.ge [sflag:s15], $0x2000  }
0x14b: {  	s30 =	sand.u32 $0x1000, s29;
	s22 =	sand.u32 $0x380, s29;
	[sflag:s15] =	ssyncset.done $0x0  }
0x14c: {  	s21 =	sor.u32 s22, s30;
	[sflag:s15] =	ssyncadd.s32 $0xFFFFE000  }
0x14d: {  	v2 =	vld [tilespmem:s21+$0xC70]  }
0x14e: {  	v3 =	vld [tilespmem:s21+$0x0]  }
0x14f: {  	v4 =	vld [tilespmem:s21+$0x10]  }
0x150: {  	s20 =	sadd.s32 $0x4, s20;
	v5 =	vld [tilespmem:s21+$0x20]  }
0x151: {  	v1 =	vmov s20;
	v6 =	vld [tilespmem:s21+$0x30]  }
0x152: {  	v7 =	vld [tilespmem:s21+$0x40];
	vm0 =	veq.s32 v2, v1  }
0x153: {  	v2 =	vld [tilespmem:s21+$0x50];
	vm1 =	veq.s32 v3, v1;
	v3 =	vsel vm0, $0x1, v0  }
0x154: {  	v8 =	vld [tilespmem:s21+$0x60];
	vm0 =	veq.s32 v4, v1;
	[tilespmem:s21+$0x4C70] =	vst v3;
	v3 =	vsel vm1, $0x1, v0  }
0x155: {  	v4 =	vld [tilespmem:s21+$0x70];
	[tilespmem:s21+$0x4000] =	vst v3;
	v3 =	vsel vm0, $0x1, v0;
	vm0 =	veq.s32 v5, v1  }
0x156: {  	v5 =	vld [tilespmem:s21+$0x400];
	[tilespmem:s21+$0x4010] =	vst v3;
	v3 =	vsel vm0, $0x1, v0;
	vm0 =	veq.s32 v6, v1  }
0x157: {  	v6 =	vld [tilespmem:s21+$0x410];
	[tilespmem:s21+$0x4020] =	vst v3;
	v3 =	vsel vm0, $0x1, v0;
	vm0 =	veq.s32 v7, v1  }
0x158: {  	v7 =	vld [tilespmem:s21+$0x420];
	[tilespmem:s21+$0x4030] =	vst v3;
	v3 =	vsel vm0, $0x1, v0;
	vm0 =	veq.s32 v2, v1  }
0x159: {  	[tilespmem:s21+$0x4040] =	vst v3;
	v2 =	vsel vm0, $0x1, v0;
	v3 =	vld [tilespmem:s21+$0x430];
	vm0 =	veq.s32 v8, v1  }
0x15a: {  	v8 =	vld [tilespmem:s21+$0x440];
	[tilespmem:s21+$0x4050] =	vst v2;
	v2 =	vsel vm0, $0x1, v0;
	vm0 =	veq.s32 v4, v1  }
0x15b: {  	v4 =	vld [tilespmem:s21+$0x450];
	[tilespmem:s21+$0x4060] =	vst v2;
	v2 =	vsel vm0, $0x1, v0;
	vm0 =	veq.s32 v5, v1  }
0x15c: {  	v5 =	vld [tilespmem:s21+$0x460];
	[tilespmem:s21+$0x4070] =	vst v2;
	v2 =	vsel vm0, $0x1, v0;
	vm0 =	veq.s32 v6, v1  }
0x15d: {  	v6 =	vld [tilespmem:s21+$0x470];
	[tilespmem:s21+$0x4400] =	vst v2;
	v2 =	vsel vm0, $0x1, v0;
	vm0 =	veq.s32 v7, v1  }
0x15e: {  	v7 =	vld [tilespmem:s21+$0x800];
	[tilespmem:s21+$0x4410] =	vst v2;
	v2 =	vsel vm0, $0x1, v0;
	vm0 =	veq.s32 v3, v1  }
0x15f: {  	v3 =	vld [tilespmem:s21+$0x810];
	[tilespmem:s21+$0x4420] =	vst v2;
	v2 =	vsel vm0, $0x1, v0;
	vm0 =	veq.s32 v8, v1  }
0x160: {  	v8 =	vld [tilespmem:s21+$0x820];
	[tilespmem:s21+$0x4430] =	vst v2;
	v2 =	vsel vm0, $0x1, v0;
	vm0 =	veq.s32 v4, v1  }
0x161: {  	v4 =	vld [tilespmem:s21+$0x830];
	[tilespmem:s21+$0x4440] =	vst v2;
	v2 =	vsel vm0, $0x1, v0;
	vm0 =	veq.s32 v5, v1  }
0x162: {  	v63 =	vld [tilespmem:s21+$0x840];
	[tilespmem:s21+$0x4450] =	vst v2;
	v2 =	vsel vm0, $0x1, v0;
	vm0 =	veq.s32 v6, v1  }
0x163: {  	v6 =	vld [tilespmem:s21+$0x850];
	[tilespmem:s21+$0x4460] =	vst v2;
	v2 =	vsel vm0, $0x1, v0;
	vm0 =	veq.s32 v7, v1  }
0x164: {  	v7 =	vld [tilespmem:s21+$0x860];
	[tilespmem:s21+$0x4470] =	vst v2;
	v2 =	vsel vm0, $0x1, v0;
	vm0 =	veq.s32 v3, v1  }
0x165: {  	v10 =	vld [tilespmem:s21+$0x870];
	[tilespmem:s21+$0x4800] =	vst v2;
	v2 =	vsel vm0, $0x1, v0;
	vm0 =	veq.s32 v8, v1  }
0x166: {  	v8 =	vld [tilespmem:s21+$0xC00];
	[tilespmem:s21+$0x4810] =	vst v2;
	v2 =	vsel vm0, $0x1, v0;
	vm0 =	veq.s32 v4, v1  }
0x167: {  	v5 =	vld [tilespmem:s21+$0xC10];
	[tilespmem:s21+$0x4820] =	vst v2;
	v2 =	vsel vm0, $0x1, v0;
	vm0 =	veq.s32 v63, v1  }
0x168: {  	[tilespmem:s21+$0x4830] =	vst v2;
	v3 =	vsel vm0, $0x1, v0;
	v2 =	vld [tilespmem:s21+$0xC20];
	vm0 =	veq.s32 v6, v1  }
0x169: {  	[tilespmem:s21+$0x4840] =	vst v3;
	v4 =	vsel vm0, $0x1, v0;
	v3 =	vld [tilespmem:s21+$0xC30];
	vm0 =	veq.s32 v7, v1  }
0x16a: {  	s31 =	simm.s32 $0x200;
	s20 =	simm.s32 $0x80;
	[tilespmem:s21+$0x4850] =	vst v4;
	v6 =	vsel vm0, $0x1, v0;
	v4 =	vld [tilespmem:s21+$0xC40];
	vm0 =	veq.s32 v10, v1  }
0x16b: {  	s23 =	sand.u32 $0x1000, s31;
	s22 =	simm.s32 $0x400;
	s24 =	sand.u32 $0x380, s20;
	[tilespmem:s21+$0x4860] =	vst v6;
	v7 =	vsel vm0, $0x1, v0;
	vm0 =	veq.s32 v8, v1;
	v6 =	vld [tilespmem:s21+$0xC50]  }
.LBB2_9:
0x16c: {  	p0 =	sne.s32 s22, $0x1E00;
	s23 =	sor.u32 s24, s23;
	[tilespmem:s21+$0x4870] =	vst v7;
	v7 =	vsel vm0, $0x1, v0;
	vm0 =	veq.s32 v5, v1;
	v5 =	vld [tilespmem:s21+$0xC60]  }
0x16d: {  	v8 =	vld [tilespmem:s23+$0xC70];
	[tilespmem:s21+$0x4C00] =	vst v7;
	v7 =	vsel vm0, $0x1, v0;
	vm0 =	veq.s32 v2, v1  }
0x16e: {  	v2 =	vld [tilespmem:s23+$0x0];
	[tilespmem:s21+$0x4C10] =	vst v7;
	v7 =	vsel vm0, $0x1, v0;
	vm0 =	veq.s32 v3, v1  }
0x16f: {  	v3 =	vld [tilespmem:s23+$0x10];
	[tilespmem:s21+$0x4C20] =	vst v7;
	v7 =	vsel vm0, $0x1, v0;
	vm0 =	veq.s32 v4, v1  }
0x170: {  	v4 =	vld [tilespmem:s23+$0x20];
	[tilespmem:s21+$0x4C30] =	vst v7;
	v7 =	vsel vm0, $0x1, v0;
	vm0 =	veq.s32 v6, v1  }
0x171: {  	v6 =	vld [tilespmem:s23+$0x30];
	[tilespmem:s21+$0x4C40] =	vst v7;
	v7 =	vsel vm0, $0x1, v0;
	vm0 =	veq.s32 v5, v1  }
0x172: {  	v5 =	vld [tilespmem:s23+$0x40];
	vm1 =	veq.s32 v8, v1;
	[tilespmem:s21+$0x4C50] =	vst v7;
	v7 =	vsel vm0, $0x1, v0  }
0x173: {  	vm0 =	veq.s32 v2, v1;
	v2 =	vld [tilespmem:s23+$0x50];
	v8 =	vsel vm1, $0x1, v0;
	[tilespmem:s21+$0x4C60] =	vst v7;
	s21 =	smov.u32 s23  }
0x174: {  	v7 =	vsel vm0, $0x1, v0;
	vm0 =	veq.s32 v3, v1;
	v3 =	vld [tilespmem:s21+$0x60];
	[tilespmem:s21+$0x4C70] =	vst v8  }
0x175: {  	[tilespmem:s21+$0x4000] =	vst v7;
	v7 =	vsel vm0, $0x1, v0;
	vm0 =	veq.s32 v4, v1;
	v4 =	vld [tilespmem:s21+$0x70]  }
0x176: {  	[tilespmem:s21+$0x4010] =	vst v7;
	v7 =	vsel vm0, $0x1, v0;
	vm0 =	veq.s32 v6, v1;
	v6 =	vld [tilespmem:s21+$0x400]  }
0x177: {  	[tilespmem:s21+$0x4020] =	vst v7;
	v7 =	vsel vm0, $0x1, v0;
	vm0 =	veq.s32 v5, v1;
	v5 =	vld [tilespmem:s21+$0x410]  }
0x178: {  	[tilespmem:s21+$0x4030] =	vst v7;
	v7 =	vsel vm0, $0x1, v0;
	vm0 =	veq.s32 v2, v1;
	v2 =	vld [tilespmem:s21+$0x420]  }
0x179: {  	[tilespmem:s21+$0x4040] =	vst v7;
	v7 =	vsel vm0, $0x1, v0;
	vm0 =	veq.s32 v3, v1;
	v3 =	vld [tilespmem:s21+$0x430]  }
0x17a: {  	[tilespmem:s21+$0x4050] =	vst v7;
	v7 =	vsel vm0, $0x1, v0;
	vm0 =	veq.s32 v4, v1;
	v4 =	vld [tilespmem:s21+$0x440]  }
0x17b: {  	[tilespmem:s21+$0x4060] =	vst v7;
	v7 =	vsel vm0, $0x1, v0;
	vm0 =	veq.s32 v6, v1;
	v6 =	vld [tilespmem:s21+$0x450]  }
0x17c: {  	[tilespmem:s21+$0x4070] =	vst v7;
	v7 =	vsel vm0, $0x1, v0;
	vm0 =	veq.s32 v5, v1;
	v5 =	vld [tilespmem:s21+$0x460]  }
0x17d: {  	[tilespmem:s21+$0x4400] =	vst v7;
	v7 =	vsel vm0, $0x1, v0;
	vm0 =	veq.s32 v2, v1;
	v2 =	vld [tilespmem:s21+$0x470]  }
0x17e: {  	[tilespmem:s21+$0x4410] =	vst v7;
	v7 =	vsel vm0, $0x1, v0;
	vm0 =	veq.s32 v3, v1;
	v3 =	vld [tilespmem:s21+$0x800]  }
0x17f: {  	[tilespmem:s21+$0x4420] =	vst v7;
	v7 =	vsel vm0, $0x1, v0;
	vm0 =	veq.s32 v4, v1;
	v4 =	vld [tilespmem:s21+$0x810]  }
0x180: {  	[tilespmem:s21+$0x4430] =	vst v7;
	v7 =	vsel vm0, $0x1, v0;
	vm0 =	veq.s32 v6, v1;
	v6 =	vld [tilespmem:s21+$0x820]  }
0x181: {  	[tilespmem:s21+$0x4440] =	vst v7;
	v7 =	vsel vm0, $0x1, v0;
	vm0 =	veq.s32 v5, v1;
	v5 =	vld [tilespmem:s21+$0x830]  }
0x182: {  	[tilespmem:s21+$0x4450] =	vst v7;
	v7 =	vsel vm0, $0x1, v0;
	vm0 =	veq.s32 v2, v1;
	v2 =	vld [tilespmem:s21+$0x840]  }
0x183: {  	[tilespmem:s21+$0x4460] =	vst v7;
	v7 =	vsel vm0, $0x1, v0;
	vm0 =	veq.s32 v3, v1;
	v3 =	vld [tilespmem:s21+$0x850]  }
0x184: {  	[tilespmem:s21+$0x4470] =	vst v7;
	v7 =	vsel vm0, $0x1, v0;
	vm0 =	veq.s32 v4, v1;
	v4 =	vld [tilespmem:s21+$0x860]  }
0x185: {  	[tilespmem:s21+$0x4800] =	vst v7;
	v7 =	vsel vm0, $0x1, v0;
	vm0 =	veq.s32 v6, v1;
	v6 =	vld [tilespmem:s21+$0x870]  }
0x186: {  	[tilespmem:s21+$0x4810] =	vst v7;
	v7 =	vsel vm0, $0x1, v0;
	vm0 =	veq.s32 v5, v1;
	v8 =	vld [tilespmem:s21+$0xC00]  }
.Ltmp3:
0x187: {  	[tilespmem:s21+$0x4820] =	vst v7;
	v7 =	vsel vm0, $0x1, v0;
	vm0 =	veq.s32 v2, v1;
	v5 =	vld [tilespmem:s21+$0xC10];
	(pc) =	sbr.rel @p0 .LBB2_9-.Ltmp3, $4  }
0x188: {  	[tilespmem:s21+$0x4830] =	vst v7;
	v7 =	vsel vm0, $0x1, v0;
	vm0 =	veq.s32 v3, v1;
	v2 =	vld [tilespmem:s21+$0xC20]  }
0x189: {  	[tilespmem:s21+$0x4840] =	vst v7;
	v7 =	vsel vm0, $0x1, v0;
	vm0 =	veq.s32 v4, v1;
	v3 =	vld [tilespmem:s21+$0xC30]  }
0x18a: {  	s20 =	sadd.s32 $0x80, s20;
	[tilespmem:s21+$0x4850] =	vst v7;
	v7 =	vsel vm0, $0x1, v0;
	vm0 =	veq.s32 v6, v1;
	v4 =	vld [tilespmem:s21+$0xC40]  }
0x18b: {  	s24 =	sand.u32 $0x380, s20;
	s23 =	sand.u32 $0x1000, s22;
	s22 =	sadd.s32 $0x200, s22;
	[tilespmem:s21+$0x4860] =	vst v7;
	v7 =	vsel vm0, $0x1, v0;
	vm0 =	veq.s32 v8, v1;
	v6 =	vld [tilespmem:s21+$0xC50]  }
0x18c: {  	[tilespmem:s21+$0x4870] =	vst v7;
	s20 =	sor.u32 s24, s23;
	v39 =	vld [tilespmem:s21+$0xC60];
	v8 =	vsel vm0, $0x1, v0;
	vm15 =	veq.s32 v5, v1  }
0x18d: {  	v9 =	vld [tilespmem:s20+$0xC70];
	[tilespmem:s21+$0x4C00] =	vst v8;
	v5 =	vsel vm15, $0x1, v0;
	vm4 =	veq.s32 v2, v1  }
0x18e: {  	v8 =	vld [tilespmem:s20+$0x0];
	[tilespmem:s21+$0x4C10] =	vst v5;
	v2 =	vsel vm4, $0x1, v0;
	vm5 =	veq.s32 v3, v1  }
0x18f: {  	v5 =	vld [tilespmem:s20+$0x10];
	[tilespmem:s21+$0x4C20] =	vst v2;
	v2 =	vsel vm5, $0x1, v0;
	vm6 =	veq.s32 v4, v1  }
0x190: {  	v3 =	vld [tilespmem:s20+$0x20];
	[tilespmem:s21+$0x4C30] =	vst v2;
	v2 =	vsel vm6, $0x1, v0;
	vm7 =	veq.s32 v6, v1  }
0x191: {  	v40 =	vld [tilespmem:s20+$0x30];
	[tilespmem:s21+$0x4C40] =	vst v2;
	v2 =	vsel vm7, $0x1, v0;
	vm8 =	veq.s32 v39, v1  }
0x192: {  	v41 =	vld [tilespmem:s20+$0x40];
	[tilespmem:s21+$0x4C50] =	vst v2;
	v2 =	vsel vm8, $0x1, v0  }
0x193: {  	v42 =	vld [tilespmem:s20+$0x50];
	[tilespmem:s21+$0x4C60] =	vst v2  }
0x194: {  	vm1 =	veq.s32 v9, v1;
	v44 =	vld [tilespmem:s20+$0x60]  }
0x195: {  	vm9 =	veq.s32 v8, v1;
	v43 =	vsel vm1, $0x1, v0;
	v45 =	vld [tilespmem:s20+$0x400]  }
0x196: {  	v2 =	vsel vm9, $0x1, v0;
	vm10 =	veq.s32 v5, v1;
	[tilespmem:s20+$0x4C70] =	vst v43;
	v46 =	vld [tilespmem:s20+$0x410]  }
0x197: {  	[tilespmem:s20+$0x4000] =	vst v2;
	v2 =	vsel vm10, $0x1, v0;
	vm11 =	veq.s32 v3, v1;
	v3 =	vld [tilespmem:s20+$0x70]  }
0x198: {  	v47 =	vld [tilespmem:s20+$0x420];
	[tilespmem:s20+$0x4010] =	vst v2;
	v2 =	vsel vm11, $0x1, v0;
	vm12 =	veq.s32 v40, v1  }
0x199: {  	v48 =	vld [tilespmem:s20+$0x430];
	[tilespmem:s20+$0x4020] =	vst v2;
	v2 =	vsel vm12, $0x1, v0;
	vm13 =	veq.s32 v41, v1  }
0x19a: {  	v49 =	vld [tilespmem:s20+$0x450];
	[tilespmem:s20+$0x4030] =	vst v2;
	v2 =	vsel vm13, $0x1, v0;
	vm14 =	veq.s32 v42, v1  }
0x19b: {  	v50 =	vld [tilespmem:s20+$0x460];
	[tilespmem:s20+$0x4040] =	vst v2;
	v2 =	vsel vm14, $0x1, v0;
	vm15 =	veq.s32 v44, v1  }
0x19c: {  	[tilespmem:s20+$0x4050] =	vst v2;
	v2 =	vsel vm15, $0x1, v0;
	vm4 =	veq.s32 v3, v1;
	v3 =	vld [tilespmem:s20+$0x440]  }
0x19d: {  	v51 =	vld [tilespmem:s20+$0x470];
	vm5 =	veq.s32 v45, v1;
	[tilespmem:s20+$0x4060] =	vst v2;
	v2 =	vsel vm4, $0x1, v0  }
0x19e: {  	v52 =	vld [tilespmem:s20+$0x800];
	vm6 =	veq.s32 v46, v1;
	[tilespmem:s20+$0x4070] =	vst v2;
	v2 =	vsel vm5, $0x1, v0  }
0x19f: {  	v53 =	vld [tilespmem:s20+$0x820];
	vm7 =	veq.s32 v47, v1;
	[tilespmem:s20+$0x4400] =	vst v2;
	v2 =	vsel vm6, $0x1, v0  }
0x1a0: {  	v54 =	vld [tilespmem:s20+$0x830];
	vm8 =	veq.s32 v48, v1;
	[tilespmem:s20+$0x4410] =	vst v2;
	v2 =	vsel vm7, $0x1, v0  }
0x1a1: {  	[tilespmem:s20+$0x4420] =	vst v2;
	v2 =	vsel vm8, $0x1, v0;
	vm9 =	veq.s32 v3, v1;
	v3 =	vld [tilespmem:s20+$0x810]  }
0x1a2: {  	v55 =	vld [tilespmem:s20+$0x840];
	vm10 =	veq.s32 v49, v1;
	[tilespmem:s20+$0x4430] =	vst v2;
	v2 =	vsel vm9, $0x1, v0  }
0x1a3: {  	v56 =	vld [tilespmem:s20+$0x850];
	vm11 =	veq.s32 v50, v1;
	[tilespmem:s20+$0x4440] =	vst v2;
	v2 =	vsel vm10, $0x1, v0  }
0x1a4: {  	v57 =	vld [tilespmem:s20+$0x870];
	vm12 =	veq.s32 v51, v1;
	[tilespmem:s20+$0x4450] =	vst v2;
	v2 =	vsel vm11, $0x1, v0  }
0x1a5: {  	v58 =	vld [tilespmem:s20+$0xC00];
	vm13 =	veq.s32 v52, v1;
	[tilespmem:s20+$0x4460] =	vst v2;
	v2 =	vsel vm12, $0x1, v0  }
0x1a6: {  	[tilespmem:s20+$0x4470] =	vst v2;
	v2 =	vsel vm13, $0x1, v0;
	vm14 =	veq.s32 v3, v1;
	v3 =	vld [tilespmem:s20+$0x860]  }
0x1a7: {  	v59 =	vld [tilespmem:s20+$0xC10];
	vm15 =	veq.s32 v53, v1;
	[tilespmem:s20+$0x4800] =	vst v2;
	v2 =	vsel vm14, $0x1, v0  }
0x1a8: {  	v60 =	vld [tilespmem:s20+$0xC20];
	vm4 =	veq.s32 v54, v1;
	[tilespmem:s20+$0x4810] =	vst v2;
	v2 =	vsel vm15, $0x1, v0  }
0x1a9: {  	v61 =	vld [tilespmem:s20+$0xC40];
	vm5 =	veq.s32 v55, v1;
	[tilespmem:s20+$0x4820] =	vst v2;
	v2 =	vsel vm4, $0x1, v0  }
0x1aa: {  	v62 =	vld [tilespmem:s20+$0xC50];
	vm6 =	veq.s32 v56, v1;
	[tilespmem:s20+$0x4830] =	vst v2;
	v2 =	vsel vm5, $0x1, v0  }
0x1ab: {  	v63 =	vld [tilespmem:s20+$0xC60];
	[tilespmem:s20+$0x4840] =	vst v2;
	v2 =	vsel vm6, $0x1, v0;
	vm7 =	veq.s32 v3, v1  }
0x1ac: {  	vm8 =	veq.s32 v57, v1;
	v3 =	vld [tilespmem:s20+$0xC30];
	[tilespmem:s20+$0x4850] =	vst v2;
	v2 =	vsel vm7, $0x1, v0  }
0x1ad: {  	vm9 =	veq.s32 v58, v1;
	[tilespmem:s20+$0x4860] =	vst v2;
	v2 =	vsel vm8, $0x1, v0  }
0x1ae: {  	vm10 =	veq.s32 v59, v1;
	[tilespmem:s20+$0x4870] =	vst v2;
	v2 =	vsel vm9, $0x1, v0  }
0x1af: {  	vm11 =	veq.s32 v60, v1;
	[tilespmem:s20+$0x4C00] =	vst v2;
	v2 =	vsel vm10, $0x1, v0  }
0x1b0: {  	s18 =	sadd.s32 $0x1, s18;
	vm13 =	veq.s32 v61, v1;
	vm15 =	veq.s32 v63, v1;
	[tilespmem:s20+$0x4C10] =	vst v2;
	v2 =	vsel vm11, $0x1, v0  }
0x1b1: {  	p0 =	sne.s32 s18, $0x1E;
	vm14 =	veq.s32 v62, v1;
	vm12 =	veq.s32 v3, v1;
	v1 =	vsel vm15, $0x1, v0;
	[tilespmem:s20+$0x4C20] =	vst v2  }
.Ltmp4:
0x1b2: {  	v2 =	vsel vm12, $0x1, v0;
	[tilespmem:s20+$0x4C60] =	vst v1;
	(pc) =	sbr.rel @p0 .LBB2_6-.Ltmp4, $4  }
0x1b3: {  	s19 =	sadd.s32 s8, s19;
	[tilespmem:s20+$0x4C30] =	vst v2;
	v2 =	vsel vm13, $0x1, v0  }
0x1b4: {  	s19 =	sshrl.u32 s19, $0x3;
	[tilespmem:s20+$0x4C40] =	vst v2;
	v2 =	vsel vm14, $0x1, v0  }
0x1b5: {  	s19 =	sadd.s32 s2, s19;
	[tilespmem:s20+$0x4C50] =	vst v2  }
0x1b6: {  	[hbm4b:s19+s3] =	stream.linear.scatter [tilespmem:s13], [sflag:$0x2], $0x2000, $0x38;
	[tilespmem:$0x6000] =	vst v63  }
0x1b7: {  	_ =	swait.ge [sflag:s14], $0x2000;
	s17 =	simm.s32 $0x0  }
0x1b8: {  	[sflag:s14] =	ssyncset.done $0x0;
	s18 =	sand.u32 $0x1000, s17;
	s17 =	sand.u32 $0x380, s17  }
0x1b9: {  	[sflag:s14] =	ssyncadd.s32 $0xFFFFE000;
	s17 =	sor.u32 s17, s18  }
0x1ba: {  	v1 =	vld [tilespmem:s17+$0xC70]  }
0x1bb: {  	v2 =	vld [tilespmem:s17+$0x0]  }
0x1bc: {  	v3 =	vld [tilespmem:s17+$0x10]  }
0x1bd: {  	v4 =	vld [tilespmem:s17+$0x20]  }
0x1be: {  	v5 =	vld [tilespmem:s17+$0x30]  }
0x1bf: {  	v6 =	vld [tilespmem:s17+$0x40];
	vm0 =	veq.s32 v1, $0x3F  }
0x1c0: {  	v1 =	vld [tilespmem:s17+$0x50];
	vm1 =	veq.s32 v2, $0x3F;
	v2 =	vsel vm0, $0x1, v0  }
0x1c1: {  	v7 =	vld [tilespmem:s17+$0x60];
	vm0 =	veq.s32 v3, $0x3F;
	[tilespmem:s17+$0x2C70] =	vst v2;
	v2 =	vsel vm1, $0x1, v0  }
0x1c2: {  	v3 =	vld [tilespmem:s17+$0x70];
	[tilespmem:s17+$0x2000] =	vst v2;
	v2 =	vsel vm0, $0x1, v0;
	vm0 =	veq.s32 v4, $0x3F  }
0x1c3: {  	v4 =	vld [tilespmem:s17+$0x400];
	[tilespmem:s17+$0x2010] =	vst v2;
	v2 =	vsel vm0, $0x1, v0;
	vm0 =	veq.s32 v5, $0x3F  }
0x1c4: {  	v5 =	vld [tilespmem:s17+$0x410];
	[tilespmem:s17+$0x2020] =	vst v2;
	v2 =	vsel vm0, $0x1, v0;
	vm0 =	veq.s32 v6, $0x3F  }
0x1c5: {  	v6 =	vld [tilespmem:s17+$0x420];
	[tilespmem:s17+$0x2030] =	vst v2;
	v2 =	vsel vm0, $0x1, v0;
	vm0 =	veq.s32 v1, $0x3F  }
0x1c6: {  	[tilespmem:s17+$0x2040] =	vst v2;
	v1 =	vsel vm0, $0x1, v0;
	v2 =	vld [tilespmem:s17+$0x430];
	vm0 =	veq.s32 v7, $0x3F  }
0x1c7: {  	v7 =	vld [tilespmem:s17+$0x440];
	[tilespmem:s17+$0x2050] =	vst v1;
	v1 =	vsel vm0, $0x1, v0;
	vm0 =	veq.s32 v3, $0x3F  }
0x1c8: {  	v3 =	vld [tilespmem:s17+$0x450];
	[tilespmem:s17+$0x2060] =	vst v1;
	v1 =	vsel vm0, $0x1, v0;
	vm0 =	veq.s32 v4, $0x3F  }
0x1c9: {  	v4 =	vld [tilespmem:s17+$0x460];
	[tilespmem:s17+$0x2070] =	vst v1;
	v1 =	vsel vm0, $0x1, v0;
	vm0 =	veq.s32 v5, $0x3F  }
0x1ca: {  	v5 =	vld [tilespmem:s17+$0x470];
	[tilespmem:s17+$0x2400] =	vst v1;
	v1 =	vsel vm0, $0x1, v0;
	vm0 =	veq.s32 v6, $0x3F  }
0x1cb: {  	v6 =	vld [tilespmem:s17+$0x800];
	[tilespmem:s17+$0x2410] =	vst v1;
	v1 =	vsel vm0, $0x1, v0;
	vm0 =	veq.s32 v2, $0x3F  }
0x1cc: {  	v2 =	vld [tilespmem:s17+$0x810];
	[tilespmem:s17+$0x2420] =	vst v1;
	v1 =	vsel vm0, $0x1, v0;
	vm0 =	veq.s32 v7, $0x3F  }
0x1cd: {  	v7 =	vld [tilespmem:s17+$0x820];
	[tilespmem:s17+$0x2430] =	vst v1;
	v1 =	vsel vm0, $0x1, v0;
	vm0 =	veq.s32 v3, $0x3F  }
0x1ce: {  	v3 =	vld [tilespmem:s17+$0x830];
	[tilespmem:s17+$0x2440] =	vst v1;
	v1 =	vsel vm0, $0x1, v0;
	vm0 =	veq.s32 v4, $0x3F  }
0x1cf: {  	v8 =	vld [tilespmem:s17+$0x840];
	[tilespmem:s17+$0x2450] =	vst v1;
	v1 =	vsel vm0, $0x1, v0;
	vm0 =	veq.s32 v5, $0x3F  }
0x1d0: {  	v5 =	vld [tilespmem:s17+$0x850];
	[tilespmem:s17+$0x2460] =	vst v1;
	v1 =	vsel vm0, $0x1, v0;
	vm0 =	veq.s32 v6, $0x3F  }
0x1d1: {  	v6 =	vld [tilespmem:s17+$0x860];
	[tilespmem:s17+$0x2470] =	vst v1;
	v1 =	vsel vm0, $0x1, v0;
	vm0 =	veq.s32 v2, $0x3F  }
0x1d2: {  	v9 =	vld [tilespmem:s17+$0x870];
	[tilespmem:s17+$0x2800] =	vst v1;
	v1 =	vsel vm0, $0x1, v0;
	vm0 =	veq.s32 v7, $0x3F  }
0x1d3: {  	v7 =	vld [tilespmem:s17+$0xC00];
	[tilespmem:s17+$0x2810] =	vst v1;
	v1 =	vsel vm0, $0x1, v0;
	vm0 =	veq.s32 v3, $0x3F  }
0x1d4: {  	v4 =	vld [tilespmem:s17+$0xC10];
	[tilespmem:s17+$0x2820] =	vst v1;
	v1 =	vsel vm0, $0x1, v0;
	vm0 =	veq.s32 v8, $0x3F  }
0x1d5: {  	[tilespmem:s17+$0x2830] =	vst v1;
	v2 =	vsel vm0, $0x1, v0;
	v1 =	vld [tilespmem:s17+$0xC20];
	vm0 =	veq.s32 v5, $0x3F  }
0x1d6: {  	[tilespmem:s17+$0x2840] =	vst v2;
	v3 =	vsel vm0, $0x1, v0;
	v2 =	vld [tilespmem:s17+$0xC30];
	vm0 =	veq.s32 v6, $0x3F  }
0x1d7: {  	s19 =	simm.s32 $0x200;
	s18 =	simm.s32 $0x80;
	[tilespmem:s17+$0x2850] =	vst v3;
	v5 =	vsel vm0, $0x1, v0;
	v3 =	vld [tilespmem:s17+$0xC40];
	vm0 =	veq.s32 v9, $0x3F  }
0x1d8: {  	s20 =	sand.u32 $0x1000, s19;
	s19 =	simm.s32 $0x400;
	s21 =	sand.u32 $0x380, s18;
	[tilespmem:s17+$0x2860] =	vst v5;
	v6 =	vsel vm0, $0x1, v0;
	vm0 =	veq.s32 v7, $0x3F;
	v5 =	vld [tilespmem:s17+$0xC50]  }
.LBB2_12:
0x1d9: {  	p0 =	sne.s32 s19, $0x1E00;
	s20 =	sor.u32 s21, s20;
	[tilespmem:s17+$0x2870] =	vst v6;
	v6 =	vsel vm0, $0x1, v0;
	vm0 =	veq.s32 v4, $0x3F;
	v4 =	vld [tilespmem:s17+$0xC60]  }
0x1da: {  	v7 =	vld [tilespmem:s20+$0xC70];
	[tilespmem:s17+$0x2C00] =	vst v6;
	v6 =	vsel vm0, $0x1, v0;
	vm0 =	veq.s32 v1, $0x3F  }
0x1db: {  	v1 =	vld [tilespmem:s20+$0x0];
	[tilespmem:s17+$0x2C10] =	vst v6;
	v6 =	vsel vm0, $0x1, v0;
	vm0 =	veq.s32 v2, $0x3F  }
0x1dc: {  	v2 =	vld [tilespmem:s20+$0x10];
	[tilespmem:s17+$0x2C20] =	vst v6;
	v6 =	vsel vm0, $0x1, v0;
	vm0 =	veq.s32 v3, $0x3F  }
0x1dd: {  	v3 =	vld [tilespmem:s20+$0x20];
	[tilespmem:s17+$0x2C30] =	vst v6;
	v6 =	vsel vm0, $0x1, v0;
	vm0 =	veq.s32 v5, $0x3F  }
0x1de: {  	v5 =	vld [tilespmem:s20+$0x30];
	[tilespmem:s17+$0x2C40] =	vst v6;
	v6 =	vsel vm0, $0x1, v0;
	vm0 =	veq.s32 v4, $0x3F  }
0x1df: {  	v4 =	vld [tilespmem:s20+$0x40];
	vm1 =	veq.s32 v7, $0x3F;
	[tilespmem:s17+$0x2C50] =	vst v6;
	v6 =	vsel vm0, $0x1, v0  }
0x1e0: {  	vm0 =	veq.s32 v1, $0x3F;
	v1 =	vld [tilespmem:s20+$0x50];
	v7 =	vsel vm1, $0x1, v0;
	[tilespmem:s17+$0x2C60] =	vst v6;
	s17 =	smov.u32 s20  }
0x1e1: {  	v6 =	vsel vm0, $0x1, v0;
	vm0 =	veq.s32 v2, $0x3F;
	v2 =	vld [tilespmem:s17+$0x60];
	[tilespmem:s17+$0x2C70] =	vst v7  }
0x1e2: {  	[tilespmem:s17+$0x2000] =	vst v6;
	v6 =	vsel vm0, $0x1, v0;
	vm0 =	veq.s32 v3, $0x3F;
	v3 =	vld [tilespmem:s17+$0x70]  }
0x1e3: {  	[tilespmem:s17+$0x2010] =	vst v6;
	v6 =	vsel vm0, $0x1, v0;
	vm0 =	veq.s32 v5, $0x3F;
	v5 =	vld [tilespmem:s17+$0x400]  }
0x1e4: {  	[tilespmem:s17+$0x2020] =	vst v6;
	v6 =	vsel vm0, $0x1, v0;
	vm0 =	veq.s32 v4, $0x3F;
	v4 =	vld [tilespmem:s17+$0x410]  }
0x1e5: {  	[tilespmem:s17+$0x2030] =	vst v6;
	v6 =	vsel vm0, $0x1, v0;
	vm0 =	veq.s32 v1, $0x3F;
	v1 =	vld [tilespmem:s17+$0x420]  }
0x1e6: {  	[tilespmem:s17+$0x2040] =	vst v6;
	v6 =	vsel vm0, $0x1, v0;
	vm0 =	veq.s32 v2, $0x3F;
	v2 =	vld [tilespmem:s17+$0x430]  }
0x1e7: {  	[tilespmem:s17+$0x2050] =	vst v6;
	v6 =	vsel vm0, $0x1, v0;
	vm0 =	veq.s32 v3, $0x3F;
	v3 =	vld [tilespmem:s17+$0x440]  }
0x1e8: {  	[tilespmem:s17+$0x2060] =	vst v6;
	v6 =	vsel vm0, $0x1, v0;
	vm0 =	veq.s32 v5, $0x3F;
	v5 =	vld [tilespmem:s17+$0x450]  }
0x1e9: {  	[tilespmem:s17+$0x2070] =	vst v6;
	v6 =	vsel vm0, $0x1, v0;
	vm0 =	veq.s32 v4, $0x3F;
	v4 =	vld [tilespmem:s17+$0x460]  }
0x1ea: {  	[tilespmem:s17+$0x2400] =	vst v6;
	v6 =	vsel vm0, $0x1, v0;
	vm0 =	veq.s32 v1, $0x3F;
	v1 =	vld [tilespmem:s17+$0x470]  }
0x1eb: {  	[tilespmem:s17+$0x2410] =	vst v6;
	v6 =	vsel vm0, $0x1, v0;
	vm0 =	veq.s32 v2, $0x3F;
	v2 =	vld [tilespmem:s17+$0x800]  }
0x1ec: {  	[tilespmem:s17+$0x2420] =	vst v6;
	v6 =	vsel vm0, $0x1, v0;
	vm0 =	veq.s32 v3, $0x3F;
	v3 =	vld [tilespmem:s17+$0x810]  }
0x1ed: {  	[tilespmem:s17+$0x2430] =	vst v6;
	v6 =	vsel vm0, $0x1, v0;
	vm0 =	veq.s32 v5, $0x3F;
	v5 =	vld [tilespmem:s17+$0x820]  }
0x1ee: {  	[tilespmem:s17+$0x2440] =	vst v6;
	v6 =	vsel vm0, $0x1, v0;
	vm0 =	veq.s32 v4, $0x3F;
	v4 =	vld [tilespmem:s17+$0x830]  }
0x1ef: {  	[tilespmem:s17+$0x2450] =	vst v6;
	v6 =	vsel vm0, $0x1, v0;
	vm0 =	veq.s32 v1, $0x3F;
	v1 =	vld [tilespmem:s17+$0x840]  }
0x1f0: {  	[tilespmem:s17+$0x2460] =	vst v6;
	v6 =	vsel vm0, $0x1, v0;
	vm0 =	veq.s32 v2, $0x3F;
	v2 =	vld [tilespmem:s17+$0x850]  }
0x1f1: {  	[tilespmem:s17+$0x2470] =	vst v6;
	v6 =	vsel vm0, $0x1, v0;
	vm0 =	veq.s32 v3, $0x3F;
	v3 =	vld [tilespmem:s17+$0x860]  }
0x1f2: {  	[tilespmem:s17+$0x2800] =	vst v6;
	v6 =	vsel vm0, $0x1, v0;
	vm0 =	veq.s32 v5, $0x3F;
	v5 =	vld [tilespmem:s17+$0x870]  }
0x1f3: {  	[tilespmem:s17+$0x2810] =	vst v6;
	v6 =	vsel vm0, $0x1, v0;
	vm0 =	veq.s32 v4, $0x3F;
	v7 =	vld [tilespmem:s17+$0xC00]  }
.Ltmp5:
0x1f4: {  	[tilespmem:s17+$0x2820] =	vst v6;
	v6 =	vsel vm0, $0x1, v0;
	vm0 =	veq.s32 v1, $0x3F;
	v4 =	vld [tilespmem:s17+$0xC10];
	(pc) =	sbr.rel @p0 .LBB2_12-.Ltmp5, $4  }
0x1f5: {  	[tilespmem:s17+$0x2830] =	vst v6;
	v6 =	vsel vm0, $0x1, v0;
	vm0 =	veq.s32 v2, $0x3F;
	v1 =	vld [tilespmem:s17+$0xC20]  }
0x1f6: {  	[tilespmem:s17+$0x2840] =	vst v6;
	v6 =	vsel vm0, $0x1, v0;
	vm0 =	veq.s32 v3, $0x3F;
	v2 =	vld [tilespmem:s17+$0xC30]  }
0x1f7: {  	s18 =	sadd.s32 $0x80, s18;
	[tilespmem:s17+$0x2850] =	vst v6;
	v6 =	vsel vm0, $0x1, v0;
	vm0 =	veq.s32 v5, $0x3F;
	v3 =	vld [tilespmem:s17+$0xC40]  }
0x1f8: {  	s21 =	sand.u32 $0x380, s18;
	s20 =	sand.u32 $0x1000, s19;
	s19 =	sadd.s32 $0x200, s19;
	[tilespmem:s17+$0x2860] =	vst v6;
	v6 =	vsel vm0, $0x1, v0;
	vm0 =	veq.s32 v7, $0x3F;
	v5 =	vld [tilespmem:s17+$0xC50]  }
0x1f9: {  	[tilespmem:s17+$0x2870] =	vst v6;
	s18 =	sor.u32 s21, s20;
	v45 =	vld [tilespmem:s17+$0xC60];
	v7 =	vsel vm0, $0x1, v0;
	vm15 =	veq.s32 v4, $0x3F  }
0x1fa: {  	v8 =	vld [tilespmem:s18+$0xC70];
	[tilespmem:s17+$0x2C00] =	vst v7;
	v4 =	vsel vm15, $0x1, v0;
	vm4 =	veq.s32 v1, $0x3F  }
0x1fb: {  	v7 =	vld [tilespmem:s18+$0x0];
	[tilespmem:s17+$0x2C10] =	vst v4;
	v1 =	vsel vm4, $0x1, v0;
	vm5 =	veq.s32 v2, $0x3F  }
0x1fc: {  	v4 =	vld [tilespmem:s18+$0x10];
	[tilespmem:s17+$0x2C20] =	vst v1;
	v1 =	vsel vm5, $0x1, v0;
	vm6 =	veq.s32 v3, $0x3F  }
0x1fd: {  	v2 =	vld [tilespmem:s18+$0x20];
	[tilespmem:s17+$0x2C30] =	vst v1;
	v1 =	vsel vm6, $0x1, v0;
	vm7 =	veq.s32 v5, $0x3F  }
0x1fe: {  	v3 =	vld [tilespmem:s18+$0x30];
	[tilespmem:s17+$0x2C40] =	vst v1;
	v1 =	vsel vm7, $0x1, v0;
	vm8 =	veq.s32 v45, $0x3F  }
0x1ff: {  	v46 =	vld [tilespmem:s18+$0x40];
	[tilespmem:s17+$0x2C50] =	vst v1;
	vm1 =	veq.s32 v8, $0x3F;
	v1 =	vsel vm8, $0x1, v0  }
0x200: {  	v47 =	vld [tilespmem:s18+$0x50];
	vm9 =	veq.s32 v7, $0x3F;
	v48 =	vsel vm1, $0x1, v0;
	[tilespmem:s17+$0x2C60] =	vst v1  }
0x201: {  	v1 =	vsel vm9, $0x1, v0;
	vm10 =	veq.s32 v4, $0x3F;
	v49 =	vld [tilespmem:s18+$0x60];
	[tilespmem:s18+$0x2C70] =	vst v48  }
0x202: {  	[tilespmem:s18+$0x2000] =	vst v1;
	v1 =	vsel vm10, $0x1, v0;
	vm11 =	veq.s32 v2, $0x3F;
	v2 =	vld [tilespmem:s18+$0x70]  }
0x203: {  	[tilespmem:s18+$0x2010] =	vst v1;
	v1 =	vsel vm11, $0x1, v0;
	vm12 =	veq.s32 v3, $0x3F;
	v3 =	vld [tilespmem:s18+$0x400]  }
0x204: {  	v50 =	vld [tilespmem:s18+$0x410];
	[tilespmem:s18+$0x2020] =	vst v1;
	v1 =	vsel vm12, $0x1, v0;
	vm13 =	veq.s32 v46, $0x3F  }
0x205: {  	v51 =	vld [tilespmem:s18+$0x420];
	[tilespmem:s18+$0x2030] =	vst v1;
	v1 =	vsel vm13, $0x1, v0;
	vm14 =	veq.s32 v47, $0x3F  }
0x206: {  	v52 =	vld [tilespmem:s18+$0x430];
	[tilespmem:s18+$0x2040] =	vst v1;
	v1 =	vsel vm14, $0x1, v0;
	vm15 =	veq.s32 v49, $0x3F  }
0x207: {  	[tilespmem:s18+$0x2050] =	vst v1;
	v1 =	vsel vm15, $0x1, v0;
	vm4 =	veq.s32 v2, $0x3F;
	v2 =	vld [tilespmem:s18+$0x440]  }
0x208: {  	[tilespmem:s18+$0x2060] =	vst v1;
	v1 =	vsel vm4, $0x1, v0;
	vm5 =	veq.s32 v3, $0x3F;
	v3 =	vld [tilespmem:s18+$0x450]  }
0x209: {  	v53 =	vld [tilespmem:s18+$0x460];
	vm6 =	veq.s32 v50, $0x3F;
	[tilespmem:s18+$0x2070] =	vst v1;
	v1 =	vsel vm5, $0x1, v0  }
0x20a: {  	v54 =	vld [tilespmem:s18+$0x470];
	vm7 =	veq.s32 v51, $0x3F;
	[tilespmem:s18+$0x2400] =	vst v1;
	v1 =	vsel vm6, $0x1, v0  }
0x20b: {  	v55 =	vld [tilespmem:s18+$0x800];
	vm8 =	veq.s32 v52, $0x3F;
	[tilespmem:s18+$0x2410] =	vst v1;
	v1 =	vsel vm7, $0x1, v0  }
0x20c: {  	[tilespmem:s18+$0x2420] =	vst v1;
	v1 =	vsel vm8, $0x1, v0;
	vm9 =	veq.s32 v2, $0x3F;
	v2 =	vld [tilespmem:s18+$0x810]  }
0x20d: {  	[tilespmem:s18+$0x2430] =	vst v1;
	v1 =	vsel vm9, $0x1, v0;
	vm10 =	veq.s32 v3, $0x3F;
	v3 =	vld [tilespmem:s18+$0x820]  }
0x20e: {  	v56 =	vld [tilespmem:s18+$0x830];
	vm11 =	veq.s32 v53, $0x3F;
	[tilespmem:s18+$0x2440] =	vst v1;
	v1 =	vsel vm10, $0x1, v0  }
0x20f: {  	v57 =	vld [tilespmem:s18+$0x840];
	vm12 =	veq.s32 v54, $0x3F;
	[tilespmem:s18+$0x2450] =	vst v1;
	v1 =	vsel vm11, $0x1, v0  }
0x210: {  	v58 =	vld [tilespmem:s18+$0x850];
	vm13 =	veq.s32 v55, $0x3F;
	[tilespmem:s18+$0x2460] =	vst v1;
	v1 =	vsel vm12, $0x1, v0  }
0x211: {  	[tilespmem:s18+$0x2470] =	vst v1;
	v1 =	vsel vm13, $0x1, v0;
	vm14 =	veq.s32 v2, $0x3F;
	v2 =	vld [tilespmem:s18+$0x860]  }
0x212: {  	[tilespmem:s18+$0x2800] =	vst v1;
	v1 =	vsel vm14, $0x1, v0;
	vm15 =	veq.s32 v3, $0x3F;
	v3 =	vld [tilespmem:s18+$0x870]  }
0x213: {  	v59 =	vld [tilespmem:s18+$0xC00];
	vm4 =	veq.s32 v56, $0x3F;
	[tilespmem:s18+$0x2810] =	vst v1;
	v1 =	vsel vm15, $0x1, v0  }
0x214: {  	v60 =	vld [tilespmem:s18+$0xC10];
	vm5 =	veq.s32 v57, $0x3F;
	[tilespmem:s18+$0x2820] =	vst v1;
	v1 =	vsel vm4, $0x1, v0  }
0x215: {  	v61 =	vld [tilespmem:s18+$0xC20];
	vm6 =	veq.s32 v58, $0x3F;
	[tilespmem:s18+$0x2830] =	vst v1;
	v1 =	vsel vm5, $0x1, v0  }
0x216: {  	[tilespmem:s18+$0x2840] =	vst v1;
	v1 =	vsel vm6, $0x1, v0;
	vm7 =	veq.s32 v2, $0x3F;
	v2 =	vld [tilespmem:s18+$0xC30]  }
0x217: {  	[tilespmem:s18+$0x2850] =	vst v1;
	v1 =	vsel vm7, $0x1, v0;
	vm8 =	veq.s32 v3, $0x3F;
	v3 =	vld [tilespmem:s18+$0xC40]  }
0x218: {  	v62 =	vld [tilespmem:s18+$0xC50];
	vm9 =	veq.s32 v59, $0x3F;
	[tilespmem:s18+$0x2860] =	vst v1;
	v1 =	vsel vm8, $0x1, v0  }
0x219: {  	v63 =	vld [tilespmem:s18+$0xC60];
	vm10 =	veq.s32 v60, $0x3F;
	[tilespmem:s18+$0x2870] =	vst v1;
	v1 =	vsel vm9, $0x1, v0  }
0x21a: {  	vm11 =	veq.s32 v61, $0x3F;
	[tilespmem:s18+$0x2C00] =	vst v1;
	v1 =	vsel vm10, $0x1, v0  }
0x21b: {  	[tilespmem:s18+$0x2C10] =	vst v1;
	v1 =	vsel vm11, $0x1, v0;
	vm12 =	veq.s32 v2, $0x3F  }
0x21c: {  	[tilespmem:s18+$0x2C20] =	vst v1;
	v1 =	vsel vm12, $0x1, v0;
	vm13 =	veq.s32 v3, $0x3F  }
0x21d: {  	vm14 =	veq.s32 v62, $0x3F;
	[tilespmem:s18+$0x2C30] =	vst v1;
	v1 =	vsel vm13, $0x1, v0  }
0x21e: {  	vm15 =	veq.s32 v63, $0x3F;
	[tilespmem:s18+$0x2C40] =	vst v1;
	v1 =	vsel vm14, $0x1, v0  }
0x21f: {  	[tilespmem:s18+$0x2C50] =	vst v1;
	v1 =	vsel vm15, $0x1, v0  }
0x220: {  	s16 =	sadd.s32 $0x1, s16;
	[tilespmem:s18+$0x2C60] =	vst v1  }
0x221: {  	[hbm4b:s9+s3] =	stream.linear.scatter [tilespmem:s12], [sflag:$0x1], $0x2000, $0x38;
	[tilespmem:$0x6000] =	vst v63  }
0x222: {  	p0 =	sne.s32 s16, s10;
	_ =	swait.ge [sflag:s15], $0x2000  }
.Ltmp6:
0x223: {  	[sflag:s15] =	ssyncset.done $0x0;
	(pc) =	sbr.rel @p0 .LBB2_1-.Ltmp6, $4  }
0x224: {  	[sflag:s15] =	ssyncadd.s32 $0xFFFFE000  }
0x225: {  	_ =	swait.ge [sflag:s14], $0x2000  }
0x226: {  	[sflag:s14] =	ssyncset.done $0x0  }
0x227: {  	[sflag:s14] =	ssyncadd.s32 $0xFFFFE000  }
0x228: {  	_ =	sfence.sel $0x180000  }
0x229: {  	[bflag:$0x0] =	sbarrier.arrive $0xFFFF  }
0x22a: {  	p0 =	sne.s32 s1, $0x0;
	_ =	strace $0x90000047  }
0x22b: {  	s0 =	sadd.s32 @!p0 $0x100000, s0;
	[bflag:$0x2] =	sbarrier.arrive $0xFFFF  }
0x22c: {  	[sflag:s0] =	ssyncadd.tile.s32 @!p0 $0x1;
	_ =	shalt  }
.Lfunc_end2:
_tile_overlayer_lowered:
.L_overlay_start_2:
0x22d: {  	(tag) =	ssettag $0x2  }
0x22e: {  	s0 =	rddreg [dreg:$0x0];
	s2 =	stileid.u32  }
0x22f: {  	s1 =	rddreg [dreg:$0x1];
	p0 =	sne.s32 s2, $0x0  }
0x230: {  	s3 =	rddreg [dreg:$0x2];
	[bflag:$0x3] =	sbarrier.arrive $0xFFFF;
	s2 =	simm.s32 @!p0 $0x1C03  }
0x231: {  	[timem:s3], [sflag:s2] =	dma.local @!p0 [hbm:s0], s1  }
0x232: {  	s0 =	simm.s32 @!p0 $0x3  }
0x233: {  	_ =	swait.ge @!p0 [sflag:s0], s1  }
0x234: {  	s1 =	ssub.s32 @!p0 $0x0, s1;
	[sflag:s0] =	ssyncset.done @!p0 $0x0  }
0x235: {  	[sflag:s0] =	ssyncadd.s32 @!p0 s1  }
0x236: {  	[bflag:$0x3] =	sbarrier.arrive $0xFFFF  }
0x237: {  	_ =	shalt  }

</sc_bundles>
